<compile_context>
chip_gen: v7x
topology: tpu7x:2x2x1
jax: 0.10.2.dev20260603
libtpu: 0.0.44.dev20260713+nightly
codegen_flags: <defaults>
</compile_context>

<pallas_src>
import functools

import jax
import jax.numpy as jnp
from jax import lax
from jax.experimental import pallas as pl
from jax.experimental.pallas import tpu as pltpu
from jax.experimental.pallas import tpu_sc as plsc

B = 16384
D = 16
V = 1000000
PR = V // 8

_info = plsc.get_sparse_core_info()
_NC, _NS, _L = _info.num_cores, _info.num_subcores, _info.num_lanes
NW = _NC * _NS
BPW = B // NW
CH = 256
NCHT = BPW // CH


RW = 8192
RGRID = -(-V // RW)



_sc_mesh = plsc.VectorSubcoreMesh(core_axis_name="c", subcore_axis_name="s")


@functools.partial(
    pl.kernel,
    mesh=_sc_mesh,
    out_type=[
        jax.ShapeDtypeStruct((NW, D * BPW), jnp.float32),
        jax.ShapeDtypeStruct((NW, D * BPW), jnp.float32),
    ],
    scratch_types=[
        pltpu.VMEM((BPW,), jnp.int32),
        pltpu.VMEM((BPW,), jnp.int32),
        pltpu.VMEM((BPW,), jnp.int32),
        pltpu.VMEM((BPW,), jnp.int32),
        pltpu.VMEM((BPW,), jnp.int32),
        pltpu.VMEM((BPW,), jnp.int32),
        pltpu.VMEM((2, CH, 8 * D), jnp.float32),
        pltpu.VMEM((D * BPW,), jnp.float32),
        pltpu.VMEM((D * BPW,), jnp.float32),
        pltpu.SemaphoreType.DMA,
    ],
    compiler_params=pltpu.CompilerParams(use_tc_tiling_on_sc=False,
                                         needs_layout_passes=False),
)
def _sc_gather(uid_hbm, mid_hbm, up_tab, mp_tab, euid_out, emid_out,
               uidx_v, midx_v, urow_v, mrow_v, ulb_v, mlb_v,
               buf, urows_v, mrows_v, sem):
    wid = lax.axis_index("s") * _NC + lax.axis_index("c")
    pltpu.sync_copy(uid_hbm.at[wid], uidx_v)
    pltpu.sync_copy(mid_hbm.at[wid], midx_v)

    for idx_v, row_v, lb_v in ((uidx_v, urow_v, ulb_v),
                               (midx_v, mrow_v, mlb_v)):
        for v in range(BPW // _L):
            raw = idx_v[pl.ds(v * _L, _L)]
            row_v[pl.ds(v * _L, _L)] = jnp.right_shift(raw, 3)
            lb_v[pl.ds(v * _L, _L)] = jnp.left_shift(
                jnp.bitwise_and(raw, 7), 4)

    def fire(tab, row_v, c, slot):
        return pltpu.async_copy(
            tab.at[row_v.at[pl.ds(c * CH, CH)]], buf.at[slot], sem)

    def extract(rows_v, lb_v, c, slot):
        def body(v, carry):
            rows = lax.broadcasted_iota(jnp.int32, (_L,), 0) + v * _L
            lb = lb_v[pl.ds(c * CH + v * _L, _L)]
            for f in range(D):
                vals = plsc.load_gather(buf.at[slot], [rows, lb + f])
                rows_v[pl.ds(f * BPW + c * CH + v * _L, _L)] = vals
            return carry

        lax.fori_loop(0, CH // _L, body, 0)

    cu0 = fire(up_tab, urow_v, 0, 0)
    cu1 = fire(up_tab, urow_v, 1, 1)
    cu0.wait()
    extract(urows_v, ulb_v, 0, 0)
    cm0 = fire(mp_tab, mrow_v, 0, 0)
    cu1.wait()
    extract(urows_v, ulb_v, 1, 1)
    cm1 = fire(mp_tab, mrow_v, 1, 1)
    cm0.wait()
    extract(mrows_v, mlb_v, 0, 0)
    cm1.wait()
    extract(mrows_v, mlb_v, 1, 1)

    pltpu.sync_copy(urows_v, euid_out.at[wid])
    pltpu.sync_copy(mrows_v, emid_out.at[wid])



BLK = BPW
GRID = B // BLK


def _tc_body(gidx_ref, aidx_ref, jidx_ref, euid_ref, emid_ref,
             gt_ref, at_ref, jt_ref, w1_ref, b1_ref, w2_ref,
             wsvd_ref, bsvd_ref, out_ref, l1_ref, l2_ref, l3_ref):
    euid = euid_ref[0]
    emid = emid_ref[0]
    g = gidx_ref[0, 0, :]
    a = aidx_ref[0, 0, :]
    j = jidx_ref[0, 0, :]
    tab = jnp.concatenate([gt_ref[...], at_ref[...], jt_ref[...]], axis=0)
    w1 = w1_ref[...]
    w1a = w1[:D, :]
    w1b = w1[D:, :]
    b1col = b1_ref[...][:, None]
    w2col = w2_ref[...]
    wsvd = wsvd_ref[...]
    wsvda = wsvd[:D, :]
    wsvdb = wsvd[D:, :]
    bsvd = bsvd_ref[0]

    def ddt(lhs, rhs):
        return lax.dot_general(lhs, rhs, (((0,), (0,)), ((), ())),
                               preferred_element_type=jnp.float32)

    iota = lax.broadcasted_iota(jnp.int32, (30, BLK), 0)
    oh_g = (g[None, :] == iota).astype(jnp.float32)
    oh_a = ((a[None, :] + 2) == iota).astype(jnp.float32)
    oh_j = ((j[None, :] + 9) == iota).astype(jnp.float32)
    eg = ddt(tab, oh_g)
    ea = ddt(tab, oh_a)
    ej = ddt(tab, oh_j)

    m1 = ddt(w1a, emid) + b1col

    def score(e):
        h = jnp.tanh(m1 + ddt(w1b, e))
        return jnp.sum(h * w2col, axis=0, keepdims=True)

    s1, s2, s3 = score(eg), score(ea), score(ej)
    mx = jnp.maximum(jnp.maximum(s1, s2), s3)
    x1 = jnp.exp(s1 - mx)
    x2 = jnp.exp(s2 - mx)
    x3 = jnp.exp(s3 - mx)
    den = x1 + x2 + x3
    l1, l2, l3 = x1 / den, x2 / den, x3 / den

    fu = l1 * eg + l2 * ea + l3 * ej + euid
    out_ref[...] = (jnp.sum(fu * wsvda + emid * wsvdb, axis=0, keepdims=True)
                    + bsvd)
    l1_ref[...] = l1
    l2_ref[...] = l2
    l3_ref[...] = l3


def kernel(uid_table, gender_table, age_table, job_table, mid_table,
           W1, b1, W2, b2, W_svd, b_svd,
           uid, gender, age, job, mid):
    up = uid_table.reshape(PR, 8 * D)
    mp = mid_table.reshape(PR, 8 * D)

    uid = uid.astype(jnp.int32).reshape(NW, BPW)
    mid = mid.astype(jnp.int32).reshape(NW, BPW)
    euid2, emid2 = _sc_gather(uid, mid, up, mp)
    euid3 = euid2.reshape(NW, D, BPW)
    emid3 = emid2.reshape(NW, D, BPW)

    g3 = gender.astype(jnp.int32).reshape(GRID, 1, BLK)
    a3 = age.astype(jnp.int32).reshape(GRID, 1, BLK)
    j3 = job.astype(jnp.int32).reshape(GRID, 1, BLK)

    idx_spec = pl.BlockSpec((1, 1, BLK), lambda i: (i, 0, 0))
    colblk = pl.BlockSpec((1, D, BLK), lambda i: (i, 0, 0))
    full = lambda shape: pl.BlockSpec(shape, lambda i: tuple(0 for _ in shape))
    row1 = pl.BlockSpec((1, BLK), lambda i: (0, i))

    out, l1, l2, l3 = pl.pallas_call(
        _tc_body,
        grid=(GRID,),
        in_specs=[idx_spec, idx_spec, idx_spec, colblk, colblk,
                  full((2, D)), full((7, D)), full((21, D)),
                  full((2 * D, D)), full((D,)), full((D, 1)),
                  full((2 * D, 1)), full((1,))],
        out_specs=[row1, row1, row1, row1],
        out_shape=[jax.ShapeDtypeStruct((1, B), jnp.float32),
                   jax.ShapeDtypeStruct((1, B), jnp.float32),
                   jax.ShapeDtypeStruct((1, B), jnp.float32),
                   jax.ShapeDtypeStruct((1, B), jnp.float32)],
    )(g3, a3, j3, euid3, emid3,
      gender_table, age_table, job_table, W1, b1, W2, W_svd, b_svd)

    lam = jnp.stack([l1[0], l2[0], l3[0]], axis=1).reshape(B, 3, 1)
    return (out.reshape(B, 1), lam)

# --- scband reference (transcript-rebuilt; emitter-appended) ---
"""Pipeline reference for scband-aanmf-17635135717638 (READ-ONLY COPY).

The authoritative reference and input builder live on the scoring server;
editing this copy changes nothing except your own understanding.
"""

import jax, jax.numpy as jnp
import numpy as np

B = 16384
D = 16
UID_VOCAB = 1000000
MID_VOCAB = 1000000

def setup_inputs(seed: int = 0) -> dict:
    key = jax.random.key(seed)
    ks = jax.random.split(key, 16)
    uid_table = jax.random.normal(ks[0], (UID_VOCAB, D), dtype=jnp.float32) * 0.05
    gender_table = jax.random.normal(ks[1], (2, D), dtype=jnp.float32) * 0.05
    age_table = jax.random.normal(ks[2], (7, D), dtype=jnp.float32) * 0.05
    job_table = jax.random.normal(ks[3], (21, D), dtype=jnp.float32) * 0.05
    mid_table = jax.random.normal(ks[4], (MID_VOCAB, D), dtype=jnp.float32) * 0.05
    W1 = jax.random.normal(ks[5], (2 * D, D), dtype=jnp.float32) * 0.05
    b1 = jnp.zeros((D,), dtype=jnp.float32)
    W2 = jax.random.normal(ks[6], (D, 1), dtype=jnp.float32) * 0.05
    b2 = jnp.zeros((1,), dtype=jnp.float32)
    W_svd = jax.random.normal(ks[7], (2 * D, 1), dtype=jnp.float32) * 0.05
    b_svd = jnp.zeros((1,), dtype=jnp.float32)
    uid = jax.random.randint(ks[8], (B,), 0, UID_VOCAB, dtype=jnp.int64 if jax.config.read('jax_enable_x64') else jnp.int32)
    gender = jax.random.randint(ks[9], (B,), 0, 2)
    age = jax.random.randint(ks[10], (B,), 0, 7)
    job = jax.random.randint(ks[11], (B,), 0, 21)
    mid = jax.random.randint(ks[12], (B,), 0, MID_VOCAB)
    return {"uid_table": uid_table, "gender_table": gender_table, "age_table": age_table,
            "job_table": job_table, "mid_table": mid_table,
            "W1": W1, "b1": b1, "W2": W2, "b2": b2, "W_svd": W_svd, "b_svd": b_svd,
            "uid": uid, "gender": gender, "age": age, "job": job, "mid": mid}

def reference(uid_table, gender_table, age_table, job_table, mid_table,
              W1, b1, W2, b2, W_svd, b_svd,
              uid, gender, age, job, mid):
    e_uid = jnp.take(uid_table, uid, axis=0)
    e_gender = jnp.take(gender_table, gender, axis=0)
    e_age = jnp.take(age_table, age, axis=0)
    e_job = jnp.take(job_table, job, axis=0)
    e_mid = jnp.take(mid_table, mid, axis=0)
    # att_set: [B, 3, D]
    att_set = jnp.stack([e_gender, e_age, e_job], axis=1)
    # attention cell
    q_i_repeat = jnp.repeat(e_mid[:, None, :], 3, axis=1)  # [B, 3, D]
    V = jnp.concatenate([q_i_repeat, att_set], axis=2)     # [B, 3, 2D]
    v = jnp.tanh(V @ W1 + b1)                               # [B, 3, D]
    v = v @ W2 + b2                                         # [B, 3, 1]
    lambda_att = jax.nn.softmax(v, axis=1)                  # softmax over dim=1
    # sum pooling
    feature_user = jnp.sum(lambda_att * att_set, axis=1) + e_uid  # [B, D]
    feature_item = e_mid
    out = jnp.concatenate([feature_user, feature_item], axis=1) @ W_svd + b_svd  # [B, 1]
    return (out, lambda_att)

if __name__ == "__main__":
    import jax
    _d = setup_inputs()
    print(jax.jit(kernel)(*tuple(_d.values())))

</pallas_src>

<mosaic_0001>
#map = affine_map<(d0, d1) -> (0, 0)>
module attributes {stable_mosaic.version = 14 : i64} {
  func.func @_sc_gather(%arg0: i32, %arg1: i32, %arg2: memref<32x512xi32, #tpu.memory_space<hbm>>, %arg3: memref<32x512xi32, #tpu.memory_space<hbm>>, %arg4: memref<125000x128xf32, #tpu.memory_space<hbm>>, %arg5: memref<125000x128xf32, #tpu.memory_space<hbm>>, %arg6: memref<32x8192xf32, #tpu.memory_space<hbm>>, %arg7: memref<32x8192xf32, #tpu.memory_space<hbm>>, %arg8: memref<512xi32, #tpu.memory_space<vmem>>, %arg9: memref<512xi32, #tpu.memory_space<vmem>>, %arg10: memref<512xi32, #tpu.memory_space<vmem>>, %arg11: memref<512xi32, #tpu.memory_space<vmem>>, %arg12: memref<512xi32, #tpu.memory_space<vmem>>, %arg13: memref<512xi32, #tpu.memory_space<vmem>>, %arg14: memref<2x256x128xf32, #tpu.memory_space<vmem>>, %arg15: memref<8192xf32, #tpu.memory_space<vmem>>, %arg16: memref<8192xf32, #tpu.memory_space<vmem>>, %arg17: memref<!tpu.dma_semaphore, #tpu.memory_space<semaphore_mem>>) attributes {dimension_semantics = [#tpu.dimension_semantics<core_parallel>, #tpu.dimension_semantics<subcore_parallel>], iteration_bounds = array<i64: 2, 16>, scalar_prefetch = 0 : i64, scratch_operands = 10 : i64, tpu.core_type = #tpu.core_type<sc_vector_subcore>, window_params = [{transform_indices = #map}, {transform_indices = #map}, {transform_indices = #map}, {transform_indices = #map}, {transform_indices = #map}, {transform_indices = #map}]} {
    %mul3A = arith.constant 2 : i32
    %mul3A_0 = arith.muli %arg1, %mul3A : i32
    %add3A = arith.addi %mul3A_0, %arg0 : i32
    "tpu.region"() ({
      %run_scoped3A = tpu.sem_alloc : memref<!tpu.dma_semaphore, #tpu.memory_space<semaphore_mem>>
      %dma_start3A_1057 = arith.constant 0 : i32
      %dma_start3A_1058 = tpu.memref_slice %arg2[%add3A, %dma_start3A_1057] : memref<32x512xi32, #tpu.memory_space<hbm>> -> memref<1x512xi32, #tpu.memory_space<hbm>>
      %dma_start3A_1059 = tpu.memref_squeeze %dma_start3A_1058 : memref<1x512xi32, #tpu.memory_space<hbm>> -> memref<512xi32, #tpu.memory_space<hbm>>
      %dma_start3A_1060 = arith.constant 0 : i32
      %dma_start3A_1061 = tpu.memref_slice %arg2[%add3A, %dma_start3A_1060] : memref<32x512xi32, #tpu.memory_space<hbm>> -> memref<1x512xi32, #tpu.memory_space<hbm>>
      %dma_start3A_1062 = tpu.memref_squeeze %dma_start3A_1061 : memref<1x512xi32, #tpu.memory_space<hbm>> -> memref<512xi32, #tpu.memory_space<hbm>>
      tpu.enqueue_dma source(%dma_start3A_1062 : memref<512xi32, #tpu.memory_space<hbm>>) target(%arg8 : memref<512xi32, #tpu.memory_space<vmem>>) target_semaphore(%run_scoped3A : memref<!tpu.dma_semaphore, #tpu.memory_space<semaphore_mem>>)
      %dma_wait3A_1063 = arith.constant 0 : i32
      %dma_wait3A_1064 = tpu.memref_slice %arg2[%add3A, %dma_wait3A_1063] : memref<32x512xi32, #tpu.memory_space<hbm>> -> memref<1x512xi32, #tpu.memory_space<hbm>>
      %dma_wait3A_1065 = tpu.memref_squeeze %dma_wait3A_1064 : memref<1x512xi32, #tpu.memory_space<hbm>> -> memref<512xi32, #tpu.memory_space<hbm>>
      %dma_wait3A_1066 = arith.constant 0 : i32
      %dma_wait3A_1067 = tpu.memref_slice %arg2[%add3A, %dma_wait3A_1066] : memref<32x512xi32, #tpu.memory_space<hbm>> -> memref<1x512xi32, #tpu.memory_space<hbm>>
      %dma_wait3A_1068 = tpu.memref_squeeze %dma_wait3A_1067 : memref<1x512xi32, #tpu.memory_space<hbm>> -> memref<512xi32, #tpu.memory_space<hbm>>
      tpu.wait_dma2 semaphore(%run_scoped3A : memref<!tpu.dma_semaphore, #tpu.memory_space<semaphore_mem>>) src(%dma_wait3A_1068 : memref<512xi32, #tpu.memory_space<hbm>>) dst(%arg8 : memref<512xi32, #tpu.memory_space<vmem>>)
      tpu.yield
    }) : () -> ()
    "tpu.region"() ({
      %run_scoped3A = tpu.sem_alloc : memref<!tpu.dma_semaphore, #tpu.memory_space<semaphore_mem>>
      %dma_start3A_1057 = arith.constant 0 : i32
      %dma_start3A_1058 = tpu.memref_slice %arg3[%add3A, %dma_start3A_1057] : memref<32x512xi32, #tpu.memory_space<hbm>> -> memref<1x512xi32, #tpu.memory_space<hbm>>
      %dma_start3A_1059 = tpu.memref_squeeze %dma_start3A_1058 : memref<1x512xi32, #tpu.memory_space<hbm>> -> memref<512xi32, #tpu.memory_space<hbm>>
      %dma_start3A_1060 = arith.constant 0 : i32
      %dma_start3A_1061 = tpu.memref_slice %arg3[%add3A, %dma_start3A_1060] : memref<32x512xi32, #tpu.memory_space<hbm>> -> memref<1x512xi32, #tpu.memory_space<hbm>>
      %dma_start3A_1062 = tpu.memref_squeeze %dma_start3A_1061 : memref<1x512xi32, #tpu.memory_space<hbm>> -> memref<512xi32, #tpu.memory_space<hbm>>
      tpu.enqueue_dma source(%dma_start3A_1062 : memref<512xi32, #tpu.memory_space<hbm>>) target(%arg9 : memref<512xi32, #tpu.memory_space<vmem>>) target_semaphore(%run_scoped3A : memref<!tpu.dma_semaphore, #tpu.memory_space<semaphore_mem>>)
      %dma_wait3A_1063 = arith.constant 0 : i32
      %dma_wait3A_1064 = tpu.memref_slice %arg3[%add3A, %dma_wait3A_1063] : memref<32x512xi32, #tpu.memory_space<hbm>> -> memref<1x512xi32, #tpu.memory_space<hbm>>
      %dma_wait3A_1065 = tpu.memref_squeeze %dma_wait3A_1064 : memref<1x512xi32, #tpu.memory_space<hbm>> -> memref<512xi32, #tpu.memory_space<hbm>>
      %dma_wait3A_1066 = arith.constant 0 : i32
      %dma_wait3A_1067 = tpu.memref_slice %arg3[%add3A, %dma_wait3A_1066] : memref<32x512xi32, #tpu.memory_space<hbm>> -> memref<1x512xi32, #tpu.memory_space<hbm>>
      %dma_wait3A_1068 = tpu.memref_squeeze %dma_wait3A_1067 : memref<1x512xi32, #tpu.memory_space<hbm>> -> memref<512xi32, #tpu.memory_space<hbm>>
      tpu.wait_dma2 semaphore(%run_scoped3A : memref<!tpu.dma_semaphore, #tpu.memory_space<semaphore_mem>>) src(%dma_wait3A_1068 : memref<512xi32, #tpu.memory_space<hbm>>) dst(%arg9 : memref<512xi32, #tpu.memory_space<vmem>>)
      tpu.yield
    }) : () -> ()
    %get3A = arith.constant 0 : index
    %get3A_1 = tpu.vector_load %arg8[%get3A] {strides = array<i32>} : memref<512xi32, #tpu.memory_space<vmem>>, vector<16xi32>,
    %shift_right_arithmetic3A = arith.constant 3 : i32
    %shift_right_arithmetic3A_2 = vector.broadcast %shift_right_arithmetic3A : i32 to vector<16xi32>
    %shift_right_arithmetic3A_3 = arith.shrsi %get3A_1, %shift_right_arithmetic3A_2 : vector<16xi32>
    %swap3A = arith.constant 0 : index
    %swap3A_4 = tpu.vector_load %arg10[%swap3A] {strides = array<i32>} : memref<512xi32, #tpu.memory_space<vmem>>, vector<16xi32>,
    tpu.vector_store %arg10[%swap3A], %shift_right_arithmetic3A_3 {strides = array<i32>} : memref<512xi32, #tpu.memory_space<vmem>>, vector<16xi32>,
    %and3A = arith.constant 7 : i32
    %and3A_5 = vector.broadcast %and3A : i32 to vector<16xi32>
    %and3A_6 = arith.andi %get3A_1, %and3A_5 : vector<16xi32>
    %shift_left3A = arith.constant 4 : i32
    %shift_left3A_7 = vector.broadcast %shift_left3A : i32 to vector<16xi32>
    %shift_left3A_8 = arith.shli %and3A_6, %shift_left3A_7 : vector<16xi32>
    %swap3A_9 = arith.constant 0 : index
    %swap3A_10 = tpu.vector_load %arg12[%swap3A_9] {strides = array<i32>} : memref<512xi32, #tpu.memory_space<vmem>>, vector<16xi32>,
    tpu.vector_store %arg12[%swap3A_9], %shift_left3A_8 {strides = array<i32>} : memref<512xi32, #tpu.memory_space<vmem>>, vector<16xi32>,
    %get3A_11 = arith.constant 16 : index
    %get3A_12 = tpu.vector_load %arg8[%get3A_11] {strides = array<i32>} : memref<512xi32, #tpu.memory_space<vmem>>, vector<16xi32>,
    %shift_right_arithmetic3A_13 = arith.constant 3 : i32
    %shift_right_arithmetic3A_14 = vector.broadcast %shift_right_arithmetic3A_13 : i32 to vector<16xi32>
    %shift_right_arithmetic3A_15 = arith.shrsi %get3A_12, %shift_right_arithmetic3A_14 : vector<16xi32>
    %swap3A_16 = arith.constant 16 : index
    %swap3A_17 = tpu.vector_load %arg10[%swap3A_16] {strides = array<i32>} : memref<512xi32, #tpu.memory_space<vmem>>, vector<16xi32>,
    tpu.vector_store %arg10[%swap3A_16], %shift_right_arithmetic3A_15 {strides = array<i32>} : memref<512xi32, #tpu.memory_space<vmem>>, vector<16xi32>,
    %and3A_18 = arith.constant 7 : i32
    %and3A_19 = vector.broadcast %and3A_18 : i32 to vector<16xi32>
    %and3A_20 = arith.andi %get3A_12, %and3A_19 : vector<16xi32>
    %shift_left3A_21 = arith.constant 4 : i32
    %shift_left3A_22 = vector.broadcast %shift_left3A_21 : i32 to vector<16xi32>
    %shift_left3A_23 = arith.shli %and3A_20, %shift_left3A_22 : vector<16xi32>
    %swap3A_24 = arith.constant 16 : index
    %swap3A_25 = tpu.vector_load %arg12[%swap3A_24] {strides = array<i32>} : memref<512xi32, #tpu.memory_space<vmem>>, vector<16xi32>,
    tpu.vector_store %arg12[%swap3A_24], %shift_left3A_23 {strides = array<i32>} : memref<512xi32, #tpu.memory_space<vmem>>, vector<16xi32>,
    %get3A_26 = arith.constant 32 : index
    %get3A_27 = tpu.vector_load %arg8[%get3A_26] {strides = array<i32>} : memref<512xi32, #tpu.memory_space<vmem>>, vector<16xi32>,
    %shift_right_arithmetic3A_28 = arith.constant 3 : i32
    %shift_right_arithmetic3A_29 = vector.broadcast %shift_right_arithmetic3A_28 : i32 to vector<16xi32>
    %shift_right_arithmetic3A_30 = arith.shrsi %get3A_27, %shift_right_arithmetic3A_29 : vector<16xi32>
    %swap3A_31 = arith.constant 32 : index
    %swap3A_32 = tpu.vector_load %arg10[%swap3A_31] {strides = array<i32>} : memref<512xi32, #tpu.memory_space<vmem>>, vector<16xi32>,
    tpu.vector_store %arg10[%swap3A_31], %shift_right_arithmetic3A_30 {strides = array<i32>} : memref<512xi32, #tpu.memory_space<vmem>>, vector<16xi32>,
    %and3A_33 = arith.constant 7 : i32
    %and3A_34 = vector.broadcast %and3A_33 : i32 to vector<16xi32>
    %and3A_35 = arith.andi %get3A_27, %and3A_34 : vector<16xi32>
    %shift_left3A_36 = arith.constant 4 : i32
    %shift_left3A_37 = vector.broadcast %shift_left3A_36 : i32 to vector<16xi32>
    %shift_left3A_38 = arith.shli %and3A_35, %shift_left3A_37 : vector<16xi32>
    %swap3A_39 = arith.constant 32 : index
    %swap3A_40 = tpu.vector_load %arg12[%swap3A_39] {strides = array<i32>} : memref<512xi32, #tpu.memory_space<vmem>>, vector<16xi32>,
    tpu.vector_store %arg12[%swap3A_39], %shift_left3A_38 {strides = array<i32>} : memref<512xi32, #tpu.memory_space<vmem>>, vector<16xi32>,
    %get3A_41 = arith.constant 48 : index
    %get3A_42 = tpu.vector_load %arg8[%get3A_41] {strides = array<i32>} : memref<512xi32, #tpu.memory_space<vmem>>, vector<16xi32>,
    %shift_right_arithmetic3A_43 = arith.constant 3 : i32
    %shift_right_arithmetic3A_44 = vector.broadcast %shift_right_arithmetic3A_43 : i32 to vector<16xi32>
    %shift_right_arithmetic3A_45 = arith.shrsi %get3A_42, %shift_right_arithmetic3A_44 : vector<16xi32>
    %swap3A_46 = arith.constant 48 : index
    %swap3A_47 = tpu.vector_load %arg10[%swap3A_46] {strides = array<i32>} : memref<512xi32, #tpu.memory_space<vmem>>, vector<16xi32>,
    tpu.vector_store %arg10[%swap3A_46], %shift_right_arithmetic3A_45 {strides = array<i32>} : memref<512xi32, #tpu.memory_space<vmem>>, vector<16xi32>,
    %and3A_48 = arith.constant 7 : i32
    %and3A_49 = vector.broadcast %and3A_48 : i32 to vector<16xi32>
    %and3A_50 = arith.andi %get3A_42, %and3A_49 : vector<16xi32>
    %shift_left3A_51 = arith.constant 4 : i32
    %shift_left3A_52 = vector.broadcast %shift_left3A_51 : i32 to vector<16xi32>
    %shift_left3A_53 = arith.shli %and3A_50, %shift_left3A_52 : vector<16xi32>
    %swap3A_54 = arith.constant 48 : index
    %swap3A_55 = tpu.vector_load %arg12[%swap3A_54] {strides = array<i32>} : memref<512xi32, #tpu.memory_space<vmem>>, vector<16xi32>,
    tpu.vector_store %arg12[%swap3A_54], %shift_left3A_53 {strides = array<i32>} : memref<512xi32, #tpu.memory_space<vmem>>, vector<16xi32>,
    %get3A_56 = arith.constant 64 : index
    %get3A_57 = tpu.vector_load %arg8[%get3A_56] {strides = array<i32>} : memref<512xi32, #tpu.memory_space<vmem>>, vector<16xi32>,
    %shift_right_arithmetic3A_58 = arith.constant 3 : i32
    %shift_right_arithmetic3A_59 = vector.broadcast %shift_right_arithmetic3A_58 : i32 to vector<16xi32>
    %shift_right_arithmetic3A_60 = arith.shrsi %get3A_57, %shift_right_arithmetic3A_59 : vector<16xi32>
    %swap3A_61 = arith.constant 64 : index
    %swap3A_62 = tpu.vector_load %arg10[%swap3A_61] {strides = array<i32>} : memref<512xi32, #tpu.memory_space<vmem>>, vector<16xi32>,
    tpu.vector_store %arg10[%swap3A_61], %shift_right_arithmetic3A_60 {strides = array<i32>} : memref<512xi32, #tpu.memory_space<vmem>>, vector<16xi32>,
    %and3A_63 = arith.constant 7 : i32
    %and3A_64 = vector.broadcast %and3A_63 : i32 to vector<16xi32>
    %and3A_65 = arith.andi %get3A_57, %and3A_64 : vector<16xi32>
    %shift_left3A_66 = arith.constant 4 : i32
    %shift_left3A_67 = vector.broadcast %shift_left3A_66 : i32 to vector<16xi32>
    %shift_left3A_68 = arith.shli %and3A_65, %shift_left3A_67 : vector<16xi32>
    %swap3A_69 = arith.constant 64 : index
    %swap3A_70 = tpu.vector_load %arg12[%swap3A_69] {strides = array<i32>} : memref<512xi32, #tpu.memory_space<vmem>>, vector<16xi32>,
    tpu.vector_store %arg12[%swap3A_69], %shift_left3A_68 {strides = array<i32>} : memref<512xi32, #tpu.memory_space<vmem>>, vector<16xi32>,
    %get3A_71 = arith.constant 80 : index
    %get3A_72 = tpu.vector_load %arg8[%get3A_71] {strides = array<i32>} : memref<512xi32, #tpu.memory_space<vmem>>, vector<16xi32>,
    %shift_right_arithmetic3A_73 = arith.constant 3 : i32
    %shift_right_arithmetic3A_74 = vector.broadcast %shift_right_arithmetic3A_73 : i32 to vector<16xi32>
    %shift_right_arithmetic3A_75 = arith.shrsi %get3A_72, %shift_right_arithmetic3A_74 : vector<16xi32>
    %swap3A_76 = arith.constant 80 : index
    %swap3A_77 = tpu.vector_load %arg10[%swap3A_76] {strides = array<i32>} : memref<512xi32, #tpu.memory_space<vmem>>, vector<16xi32>,
    tpu.vector_store %arg10[%swap3A_76], %shift_right_arithmetic3A_75 {strides = array<i32>} : memref<512xi32, #tpu.memory_space<vmem>>, vector<16xi32>,
    %and3A_78 = arith.constant 7 : i32
    %and3A_79 = vector.broadcast %and3A_78 : i32 to vector<16xi32>
    %and3A_80 = arith.andi %get3A_72, %and3A_79 : vector<16xi32>
    %shift_left3A_81 = arith.constant 4 : i32
    %shift_left3A_82 = vector.broadcast %shift_left3A_81 : i32 to vector<16xi32>
    %shift_left3A_83 = arith.shli %and3A_80, %shift_left3A_82 : vector<16xi32>
    %swap3A_84 = arith.constant 80 : index
    %swap3A_85 = tpu.vector_load %arg12[%swap3A_84] {strides = array<i32>} : memref<512xi32, #tpu.memory_space<vmem>>, vector<16xi32>,
    tpu.vector_store %arg12[%swap3A_84], %shift_left3A_83 {strides = array<i32>} : memref<512xi32, #tpu.memory_space<vmem>>, vector<16xi32>,
    %get3A_86 = arith.constant 96 : index
    %get3A_87 = tpu.vector_load %arg8[%get3A_86] {strides = array<i32>} : memref<512xi32, #tpu.memory_space<vmem>>, vector<16xi32>,
    %shift_right_arithmetic3A_88 = arith.constant 3 : i32
    %shift_right_arithmetic3A_89 = vector.broadcast %shift_right_arithmetic3A_88 : i32 to vector<16xi32>
    %shift_right_arithmetic3A_90 = arith.shrsi %get3A_87, %shift_right_arithmetic3A_89 : vector<16xi32>
    %swap3A_91 = arith.constant 96 : index
    %swap3A_92 = tpu.vector_load %arg10[%swap3A_91] {strides = array<i32>} : memref<512xi32, #tpu.memory_space<vmem>>, vector<16xi32>,
    tpu.vector_store %arg10[%swap3A_91], %shift_right_arithmetic3A_90 {strides = array<i32>} : memref<512xi32, #tpu.memory_space<vmem>>, vector<16xi32>,
    %and3A_93 = arith.constant 7 : i32
    %and3A_94 = vector.broadcast %and3A_93 : i32 to vector<16xi32>
    %and3A_95 = arith.andi %get3A_87, %and3A_94 : vector<16xi32>
    %shift_left3A_96 = arith.constant 4 : i32
    %shift_left3A_97 = vector.broadcast %shift_left3A_96 : i32 to vector<16xi32>
    %shift_left3A_98 = arith.shli %and3A_95, %shift_left3A_97 : vector<16xi32>
    %swap3A_99 = arith.constant 96 : index
    %swap3A_100 = tpu.vector_load %arg12[%swap3A_99] {strides = array<i32>} : memref<512xi32, #tpu.memory_space<vmem>>, vector<16xi32>,
    tpu.vector_store %arg12[%swap3A_99], %shift_left3A_98 {strides = array<i32>} : memref<512xi32, #tpu.memory_space<vmem>>, vector<16xi32>,
    %get3A_101 = arith.constant 112 : index
    %get3A_102 = tpu.vector_load %arg8[%get3A_101] {strides = array<i32>} : memref<512xi32, #tpu.memory_space<vmem>>, vector<16xi32>,
    %shift_right_arithmetic3A_103 = arith.constant 3 : i32
    %shift_right_arithmetic3A_104 = vector.broadcast %shift_right_arithmetic3A_103 : i32 to vector<16xi32>
    %shift_right_arithmetic3A_105 = arith.shrsi %get3A_102, %shift_right_arithmetic3A_104 : vector<16xi32>
    %swap3A_106 = arith.constant 112 : index
    %swap3A_107 = tpu.vector_load %arg10[%swap3A_106] {strides = array<i32>} : memref<512xi32, #tpu.memory_space<vmem>>, vector<16xi32>,
    tpu.vector_store %arg10[%swap3A_106], %shift_right_arithmetic3A_105 {strides = array<i32>} : memref<512xi32, #tpu.memory_space<vmem>>, vector<16xi32>,
    %and3A_108 = arith.constant 7 : i32
    %and3A_109 = vector.broadcast %and3A_108 : i32 to vector<16xi32>
    %and3A_110 = arith.andi %get3A_102, %and3A_109 : vector<16xi32>
    %shift_left3A_111 = arith.constant 4 : i32
    %shift_left3A_112 = vector.broadcast %shift_left3A_111 : i32 to vector<16xi32>
    %shift_left3A_113 = arith.shli %and3A_110, %shift_left3A_112 : vector<16xi32>
    %swap3A_114 = arith.constant 112 : index
    %swap3A_115 = tpu.vector_load %arg12[%swap3A_114] {strides = array<i32>} : memref<512xi32, #tpu.memory_space<vmem>>, vector<16xi32>,
    tpu.vector_store %arg12[%swap3A_114], %shift_left3A_113 {strides = array<i32>} : memref<512xi32, #tpu.memory_space<vmem>>, vector<16xi32>,
    %get3A_116 = arith.constant 128 : index
    %get3A_117 = tpu.vector_load %arg8[%get3A_116] {strides = array<i32>} : memref<512xi32, #tpu.memory_space<vmem>>, vector<16xi32>,
    %shift_right_arithmetic3A_118 = arith.constant 3 : i32
    %shift_right_arithmetic3A_119 = vector.broadcast %shift_right_arithmetic3A_118 : i32 to vector<16xi32>
    %shift_right_arithmetic3A_120 = arith.shrsi %get3A_117, %shift_right_arithmetic3A_119 : vector<16xi32>
    %swap3A_121 = arith.constant 128 : index
    %swap3A_122 = tpu.vector_load %arg10[%swap3A_121] {strides = array<i32>} : memref<512xi32, #tpu.memory_space<vmem>>, vector<16xi32>,
    tpu.vector_store %arg10[%swap3A_121], %shift_right_arithmetic3A_120 {strides = array<i32>} : memref<512xi32, #tpu.memory_space<vmem>>, vector<16xi32>,
    %and3A_123 = arith.constant 7 : i32
    %and3A_124 = vector.broadcast %and3A_123 : i32 to vector<16xi32>
    %and3A_125 = arith.andi %get3A_117, %and3A_124 : vector<16xi32>
    %shift_left3A_126 = arith.constant 4 : i32
    %shift_left3A_127 = vector.broadcast %shift_left3A_126 : i32 to vector<16xi32>
    %shift_left3A_128 = arith.shli %and3A_125, %shift_left3A_127 : vector<16xi32>
    %swap3A_129 = arith.constant 128 : index
    %swap3A_130 = tpu.vector_load %arg12[%swap3A_129] {strides = array<i32>} : memref<512xi32, #tpu.memory_space<vmem>>, vector<16xi32>,
    tpu.vector_store %arg12[%swap3A_129], %shift_left3A_128 {strides = array<i32>} : memref<512xi32, #tpu.memory_space<vmem>>, vector<16xi32>,
    %get3A_131 = arith.constant 144 : index
    %get3A_132 = tpu.vector_load %arg8[%get3A_131] {strides = array<i32>} : memref<512xi32, #tpu.memory_space<vmem>>, vector<16xi32>,
    %shift_right_arithmetic3A_133 = arith.constant 3 : i32
    %shift_right_arithmetic3A_134 = vector.broadcast %shift_right_arithmetic3A_133 : i32 to vector<16xi32>
    %shift_right_arithmetic3A_135 = arith.shrsi %get3A_132, %shift_right_arithmetic3A_134 : vector<16xi32>
    %swap3A_136 = arith.constant 144 : index
    %swap3A_137 = tpu.vector_load %arg10[%swap3A_136] {strides = array<i32>} : memref<512xi32, #tpu.memory_space<vmem>>, vector<16xi32>,
    tpu.vector_store %arg10[%swap3A_136], %shift_right_arithmetic3A_135 {strides = array<i32>} : memref<512xi32, #tpu.memory_space<vmem>>, vector<16xi32>,
    %and3A_138 = arith.constant 7 : i32
    %and3A_139 = vector.broadcast %and3A_138 : i32 to vector<16xi32>
    %and3A_140 = arith.andi %get3A_132, %and3A_139 : vector<16xi32>
    %shift_left3A_141 = arith.constant 4 : i32
    %shift_left3A_142 = vector.broadcast %shift_left3A_141 : i32 to vector<16xi32>
    %shift_left3A_143 = arith.shli %and3A_140, %shift_left3A_142 : vector<16xi32>
    %swap3A_144 = arith.constant 144 : index
    %swap3A_145 = tpu.vector_load %arg12[%swap3A_144] {strides = array<i32>} : memref<512xi32, #tpu.memory_space<vmem>>, vector<16xi32>,
    tpu.vector_store %arg12[%swap3A_144], %shift_left3A_143 {strides = array<i32>} : memref<512xi32, #tpu.memory_space<vmem>>, vector<16xi32>,
    %get3A_146 = arith.constant 160 : index
    %get3A_147 = tpu.vector_load %arg8[%get3A_146] {strides = array<i32>} : memref<512xi32, #tpu.memory_space<vmem>>, vector<16xi32>,
    %shift_right_arithmetic3A_148 = arith.constant 3 : i32
    %shift_right_arithmetic3A_149 = vector.broadcast %shift_right_arithmetic3A_148 : i32 to vector<16xi32>
    %shift_right_arithmetic3A_150 = arith.shrsi %get3A_147, %shift_right_arithmetic3A_149 : vector<16xi32>
    %swap3A_151 = arith.constant 160 : index
    %swap3A_152 = tpu.vector_load %arg10[%swap3A_151] {strides = array<i32>} : memref<512xi32, #tpu.memory_space<vmem>>, vector<16xi32>,
    tpu.vector_store %arg10[%swap3A_151], %shift_right_arithmetic3A_150 {strides = array<i32>} : memref<512xi32, #tpu.memory_space<vmem>>, vector<16xi32>,
    %and3A_153 = arith.constant 7 : i32
    %and3A_154 = vector.broadcast %and3A_153 : i32 to vector<16xi32>
    %and3A_155 = arith.andi %get3A_147, %and3A_154 : vector<16xi32>
    %shift_left3A_156 = arith.constant 4 : i32
    %shift_left3A_157 = vector.broadcast %shift_left3A_156 : i32 to vector<16xi32>
    %shift_left3A_158 = arith.shli %and3A_155, %shift_left3A_157 : vector<16xi32>
    %swap3A_159 = arith.constant 160 : index
    %swap3A_160 = tpu.vector_load %arg12[%swap3A_159] {strides = array<i32>} : memref<512xi32, #tpu.memory_space<vmem>>, vector<16xi32>,
    tpu.vector_store %arg12[%swap3A_159], %shift_left3A_158 {strides = array<i32>} : memref<512xi32, #tpu.memory_space<vmem>>, vector<16xi32>,
    %get3A_161 = arith.constant 176 : index
    %get3A_162 = tpu.vector_load %arg8[%get3A_161] {strides = array<i32>} : memref<512xi32, #tpu.memory_space<vmem>>, vector<16xi32>,
    %shift_right_arithmetic3A_163 = arith.constant 3 : i32
    %shift_right_arithmetic3A_164 = vector.broadcast %shift_right_arithmetic3A_163 : i32 to vector<16xi32>
    %shift_right_arithmetic3A_165 = arith.shrsi %get3A_162, %shift_right_arithmetic3A_164 : vector<16xi32>
    %swap3A_166 = arith.constant 176 : index
    %swap3A_167 = tpu.vector_load %arg10[%swap3A_166] {strides = array<i32>} : memref<512xi32, #tpu.memory_space<vmem>>, vector<16xi32>,
    tpu.vector_store %arg10[%swap3A_166], %shift_right_arithmetic3A_165 {strides = array<i32>} : memref<512xi32, #tpu.memory_space<vmem>>, vector<16xi32>,
    %and3A_168 = arith.constant 7 : i32
    %and3A_169 = vector.broadcast %and3A_168 : i32 to vector<16xi32>
    %and3A_170 = arith.andi %get3A_162, %and3A_169 : vector<16xi32>
    %shift_left3A_171 = arith.constant 4 : i32
    %shift_left3A_172 = vector.broadcast %shift_left3A_171 : i32 to vector<16xi32>
    %shift_left3A_173 = arith.shli %and3A_170, %shift_left3A_172 : vector<16xi32>
    %swap3A_174 = arith.constant 176 : index
    %swap3A_175 = tpu.vector_load %arg12[%swap3A_174] {strides = array<i32>} : memref<512xi32, #tpu.memory_space<vmem>>, vector<16xi32>,
    tpu.vector_store %arg12[%swap3A_174], %shift_left3A_173 {strides = array<i32>} : memref<512xi32, #tpu.memory_space<vmem>>, vector<16xi32>,
    %get3A_176 = arith.constant 192 : index
    %get3A_177 = tpu.vector_load %arg8[%get3A_176] {strides = array<i32>} : memref<512xi32, #tpu.memory_space<vmem>>, vector<16xi32>,
    %shift_right_arithmetic3A_178 = arith.constant 3 : i32
    %shift_right_arithmetic3A_179 = vector.broadcast %shift_right_arithmetic3A_178 : i32 to vector<16xi32>
    %shift_right_arithmetic3A_180 = arith.shrsi %get3A_177, %shift_right_arithmetic3A_179 : vector<16xi32>
    %swap3A_181 = arith.constant 192 : index
    %swap3A_182 = tpu.vector_load %arg10[%swap3A_181] {strides = array<i32>} : memref<512xi32, #tpu.memory_space<vmem>>, vector<16xi32>,
    tpu.vector_store %arg10[%swap3A_181], %shift_right_arithmetic3A_180 {strides = array<i32>} : memref<512xi32, #tpu.memory_space<vmem>>, vector<16xi32>,
    %and3A_183 = arith.constant 7 : i32
    %and3A_184 = vector.broadcast %and3A_183 : i32 to vector<16xi32>
    %and3A_185 = arith.andi %get3A_177, %and3A_184 : vector<16xi32>
    %shift_left3A_186 = arith.constant 4 : i32
    %shift_left3A_187 = vector.broadcast %shift_left3A_186 : i32 to vector<16xi32>
    %shift_left3A_188 = arith.shli %and3A_185, %shift_left3A_187 : vector<16xi32>
    %swap3A_189 = arith.constant 192 : index
    %swap3A_190 = tpu.vector_load %arg12[%swap3A_189] {strides = array<i32>} : memref<512xi32, #tpu.memory_space<vmem>>, vector<16xi32>,
    tpu.vector_store %arg12[%swap3A_189], %shift_left3A_188 {strides = array<i32>} : memref<512xi32, #tpu.memory_space<vmem>>, vector<16xi32>,
    %get3A_191 = arith.constant 208 : index
    %get3A_192 = tpu.vector_load %arg8[%get3A_191] {strides = array<i32>} : memref<512xi32, #tpu.memory_space<vmem>>, vector<16xi32>,
    %shift_right_arithmetic3A_193 = arith.constant 3 : i32
    %shift_right_arithmetic3A_194 = vector.broadcast %shift_right_arithmetic3A_193 : i32 to vector<16xi32>
    %shift_right_arithmetic3A_195 = arith.shrsi %get3A_192, %shift_right_arithmetic3A_194 : vector<16xi32>
    %swap3A_196 = arith.constant 208 : index
    %swap3A_197 = tpu.vector_load %arg10[%swap3A_196] {strides = array<i32>} : memref<512xi32, #tpu.memory_space<vmem>>, vector<16xi32>,
    tpu.vector_store %arg10[%swap3A_196], %shift_right_arithmetic3A_195 {strides = array<i32>} : memref<512xi32, #tpu.memory_space<vmem>>, vector<16xi32>,
    %and3A_198 = arith.constant 7 : i32
    %and3A_199 = vector.broadcast %and3A_198 : i32 to vector<16xi32>
    %and3A_200 = arith.andi %get3A_192, %and3A_199 : vector<16xi32>
    %shift_left3A_201 = arith.constant 4 : i32
    %shift_left3A_202 = vector.broadcast %shift_left3A_201 : i32 to vector<16xi32>
    %shift_left3A_203 = arith.shli %and3A_200, %shift_left3A_202 : vector<16xi32>
    %swap3A_204 = arith.constant 208 : index
    %swap3A_205 = tpu.vector_load %arg12[%swap3A_204] {strides = array<i32>} : memref<512xi32, #tpu.memory_space<vmem>>, vector<16xi32>,
    tpu.vector_store %arg12[%swap3A_204], %shift_left3A_203 {strides = array<i32>} : memref<512xi32, #tpu.memory_space<vmem>>, vector<16xi32>,
    %get3A_206 = arith.constant 224 : index
    %get3A_207 = tpu.vector_load %arg8[%get3A_206] {strides = array<i32>} : memref<512xi32, #tpu.memory_space<vmem>>, vector<16xi32>,
    %shift_right_arithmetic3A_208 = arith.constant 3 : i32
    %shift_right_arithmetic3A_209 = vector.broadcast %shift_right_arithmetic3A_208 : i32 to vector<16xi32>
    %shift_right_arithmetic3A_210 = arith.shrsi %get3A_207, %shift_right_arithmetic3A_209 : vector<16xi32>
    %swap3A_211 = arith.constant 224 : index
    %swap3A_212 = tpu.vector_load %arg10[%swap3A_211] {strides = array<i32>} : memref<512xi32, #tpu.memory_space<vmem>>, vector<16xi32>,
    tpu.vector_store %arg10[%swap3A_211], %shift_right_arithmetic3A_210 {strides = array<i32>} : memref<512xi32, #tpu.memory_space<vmem>>, vector<16xi32>,
    %and3A_213 = arith.constant 7 : i32
    %and3A_214 = vector.broadcast %and3A_213 : i32 to vector<16xi32>
    %and3A_215 = arith.andi %get3A_207, %and3A_214 : vector<16xi32>
    %shift_left3A_216 = arith.constant 4 : i32
    %shift_left3A_217 = vector.broadcast %shift_left3A_216 : i32 to vector<16xi32>
    %shift_left3A_218 = arith.shli %and3A_215, %shift_left3A_217 : vector<16xi32>
    %swap3A_219 = arith.constant 224 : index
    %swap3A_220 = tpu.vector_load %arg12[%swap3A_219] {strides = array<i32>} : memref<512xi32, #tpu.memory_space<vmem>>, vector<16xi32>,
    tpu.vector_store %arg12[%swap3A_219], %shift_left3A_218 {strides = array<i32>} : memref<512xi32, #tpu.memory_space<vmem>>, vector<16xi32>,
    %get3A_221 = arith.constant 240 : index
    %get3A_222 = tpu.vector_load %arg8[%get3A_221] {strides = array<i32>} : memref<512xi32, #tpu.memory_space<vmem>>, vector<16xi32>,
    %shift_right_arithmetic3A_223 = arith.constant 3 : i32
    %shift_right_arithmetic3A_224 = vector.broadcast %shift_right_arithmetic3A_223 : i32 to vector<16xi32>
    %shift_right_arithmetic3A_225 = arith.shrsi %get3A_222, %shift_right_arithmetic3A_224 : vector<16xi32>
    %swap3A_226 = arith.constant 240 : index
    %swap3A_227 = tpu.vector_load %arg10[%swap3A_226] {strides = array<i32>} : memref<512xi32, #tpu.memory_space<vmem>>, vector<16xi32>,
    tpu.vector_store %arg10[%swap3A_226], %shift_right_arithmetic3A_225 {strides = array<i32>} : memref<512xi32, #tpu.memory_space<vmem>>, vector<16xi32>,
    %and3A_228 = arith.constant 7 : i32
    %and3A_229 = vector.broadcast %and3A_228 : i32 to vector<16xi32>
    %and3A_230 = arith.andi %get3A_222, %and3A_229 : vector<16xi32>
    %shift_left3A_231 = arith.constant 4 : i32
    %shift_left3A_232 = vector.broadcast %shift_left3A_231 : i32 to vector<16xi32>
    %shift_left3A_233 = arith.shli %and3A_230, %shift_left3A_232 : vector<16xi32>
    %swap3A_234 = arith.constant 240 : index
    %swap3A_235 = tpu.vector_load %arg12[%swap3A_234] {strides = array<i32>} : memref<512xi32, #tpu.memory_space<vmem>>, vector<16xi32>,
    tpu.vector_store %arg12[%swap3A_234], %shift_left3A_233 {strides = array<i32>} : memref<512xi32, #tpu.memory_space<vmem>>, vector<16xi32>,
    %get3A_236 = arith.constant 256 : index
    %get3A_237 = tpu.vector_load %arg8[%get3A_236] {strides = array<i32>} : memref<512xi32, #tpu.memory_space<vmem>>, vector<16xi32>,
    %shift_right_arithmetic3A_238 = arith.constant 3 : i32
    %shift_right_arithmetic3A_239 = vector.broadcast %shift_right_arithmetic3A_238 : i32 to vector<16xi32>
    %shift_right_arithmetic3A_240 = arith.shrsi %get3A_237, %shift_right_arithmetic3A_239 : vector<16xi32>
    %swap3A_241 = arith.constant 256 : index
    %swap3A_242 = tpu.vector_load %arg10[%swap3A_241] {strides = array<i32>} : memref<512xi32, #tpu.memory_space<vmem>>, vector<16xi32>,
    tpu.vector_store %arg10[%swap3A_241], %shift_right_arithmetic3A_240 {strides = array<i32>} : memref<512xi32, #tpu.memory_space<vmem>>, vector<16xi32>,
    %and3A_243 = arith.constant 7 : i32
    %and3A_244 = vector.broadcast %and3A_243 : i32 to vector<16xi32>
    %and3A_245 = arith.andi %get3A_237, %and3A_244 : vector<16xi32>
    %shift_left3A_246 = arith.constant 4 : i32
    %shift_left3A_247 = vector.broadcast %shift_left3A_246 : i32 to vector<16xi32>
    %shift_left3A_248 = arith.shli %and3A_245, %shift_left3A_247 : vector<16xi32>
    %swap3A_249 = arith.constant 256 : index
    %swap3A_250 = tpu.vector_load %arg12[%swap3A_249] {strides = array<i32>} : memref<512xi32, #tpu.memory_space<vmem>>, vector<16xi32>,
    tpu.vector_store %arg12[%swap3A_249], %shift_left3A_248 {strides = array<i32>} : memref<512xi32, #tpu.memory_space<vmem>>, vector<16xi32>,
    %get3A_251 = arith.constant 272 : index
    %get3A_252 = tpu.vector_load %arg8[%get3A_251] {strides = array<i32>} : memref<512xi32, #tpu.memory_space<vmem>>, vector<16xi32>,
    %shift_right_arithmetic3A_253 = arith.constant 3 : i32
    %shift_right_arithmetic3A_254 = vector.broadcast %shift_right_arithmetic3A_253 : i32 to vector<16xi32>
    %shift_right_arithmetic3A_255 = arith.shrsi %get3A_252, %shift_right_arithmetic3A_254 : vector<16xi32>
    %swap3A_256 = arith.constant 272 : index
    %swap3A_257 = tpu.vector_load %arg10[%swap3A_256] {strides = array<i32>} : memref<512xi32, #tpu.memory_space<vmem>>, vector<16xi32>,
    tpu.vector_store %arg10[%swap3A_256], %shift_right_arithmetic3A_255 {strides = array<i32>} : memref<512xi32, #tpu.memory_space<vmem>>, vector<16xi32>,
    %and3A_258 = arith.constant 7 : i32
    %and3A_259 = vector.broadcast %and3A_258 : i32 to vector<16xi32>
    %and3A_260 = arith.andi %get3A_252, %and3A_259 : vector<16xi32>
    %shift_left3A_261 = arith.constant 4 : i32
    %shift_left3A_262 = vector.broadcast %shift_left3A_261 : i32 to vector<16xi32>
    %shift_left3A_263 = arith.shli %and3A_260, %shift_left3A_262 : vector<16xi32>
    %swap3A_264 = arith.constant 272 : index
    %swap3A_265 = tpu.vector_load %arg12[%swap3A_264] {strides = array<i32>} : memref<512xi32, #tpu.memory_space<vmem>>, vector<16xi32>,
    tpu.vector_store %arg12[%swap3A_264], %shift_left3A_263 {strides = array<i32>} : memref<512xi32, #tpu.memory_space<vmem>>, vector<16xi32>,
    %get3A_266 = arith.constant 288 : index
    %get3A_267 = tpu.vector_load %arg8[%get3A_266] {strides = array<i32>} : memref<512xi32, #tpu.memory_space<vmem>>, vector<16xi32>,
    %shift_right_arithmetic3A_268 = arith.constant 3 : i32
    %shift_right_arithmetic3A_269 = vector.broadcast %shift_right_arithmetic3A_268 : i32 to vector<16xi32>
    %shift_right_arithmetic3A_270 = arith.shrsi %get3A_267, %shift_right_arithmetic3A_269 : vector<16xi32>
    %swap3A_271 = arith.constant 288 : index
    %swap3A_272 = tpu.vector_load %arg10[%swap3A_271] {strides = array<i32>} : memref<512xi32, #tpu.memory_space<vmem>>, vector<16xi32>,
    tpu.vector_store %arg10[%swap3A_271], %shift_right_arithmetic3A_270 {strides = array<i32>} : memref<512xi32, #tpu.memory_space<vmem>>, vector<16xi32>,
    %and3A_273 = arith.constant 7 : i32
    %and3A_274 = vector.broadcast %and3A_273 : i32 to vector<16xi32>
    %and3A_275 = arith.andi %get3A_267, %and3A_274 : vector<16xi32>
    %shift_left3A_276 = arith.constant 4 : i32
    %shift_left3A_277 = vector.broadcast %shift_left3A_276 : i32 to vector<16xi32>
    %shift_left3A_278 = arith.shli %and3A_275, %shift_left3A_277 : vector<16xi32>
    %swap3A_279 = arith.constant 288 : index
    %swap3A_280 = tpu.vector_load %arg12[%swap3A_279] {strides = array<i32>} : memref<512xi32, #tpu.memory_space<vmem>>, vector<16xi32>,
    tpu.vector_store %arg12[%swap3A_279], %shift_left3A_278 {strides = array<i32>} : memref<512xi32, #tpu.memory_space<vmem>>, vector<16xi32>,
    %get3A_281 = arith.constant 304 : index
    %get3A_282 = tpu.vector_load %arg8[%get3A_281] {strides = array<i32>} : memref<512xi32, #tpu.memory_space<vmem>>, vector<16xi32>,
    %shift_right_arithmetic3A_283 = arith.constant 3 : i32
    %shift_right_arithmetic3A_284 = vector.broadcast %shift_right_arithmetic3A_283 : i32 to vector<16xi32>
    %shift_right_arithmetic3A_285 = arith.shrsi %get3A_282, %shift_right_arithmetic3A_284 : vector<16xi32>
    %swap3A_286 = arith.constant 304 : index
    %swap3A_287 = tpu.vector_load %arg10[%swap3A_286] {strides = array<i32>} : memref<512xi32, #tpu.memory_space<vmem>>, vector<16xi32>,
    tpu.vector_store %arg10[%swap3A_286], %shift_right_arithmetic3A_285 {strides = array<i32>} : memref<512xi32, #tpu.memory_space<vmem>>, vector<16xi32>,
    %and3A_288 = arith.constant 7 : i32
    %and3A_289 = vector.broadcast %and3A_288 : i32 to vector<16xi32>
    %and3A_290 = arith.andi %get3A_282, %and3A_289 : vector<16xi32>
    %shift_left3A_291 = arith.constant 4 : i32
    %shift_left3A_292 = vector.broadcast %shift_left3A_291 : i32 to vector<16xi32>
    %shift_left3A_293 = arith.shli %and3A_290, %shift_left3A_292 : vector<16xi32>
    %swap3A_294 = arith.constant 304 : index
    %swap3A_295 = tpu.vector_load %arg12[%swap3A_294] {strides = array<i32>} : memref<512xi32, #tpu.memory_space<vmem>>, vector<16xi32>,
    tpu.vector_store %arg12[%swap3A_294], %shift_left3A_293 {strides = array<i32>} : memref<512xi32, #tpu.memory_space<vmem>>, vector<16xi32>,
    %get3A_296 = arith.constant 320 : index
    %get3A_297 = tpu.vector_load %arg8[%get3A_296] {strides = array<i32>} : memref<512xi32, #tpu.memory_space<vmem>>, vector<16xi32>,
    %shift_right_arithmetic3A_298 = arith.constant 3 : i32
    %shift_right_arithmetic3A_299 = vector.broadcast %shift_right_arithmetic3A_298 : i32 to vector<16xi32>
    %shift_right_arithmetic3A_300 = arith.shrsi %get3A_297, %shift_right_arithmetic3A_299 : vector<16xi32>
    %swap3A_301 = arith.constant 320 : index
    %swap3A_302 = tpu.vector_load %arg10[%swap3A_301] {strides = array<i32>} : memref<512xi32, #tpu.memory_space<vmem>>, vector<16xi32>,
    tpu.vector_store %arg10[%swap3A_301], %shift_right_arithmetic3A_300 {strides = array<i32>} : memref<512xi32, #tpu.memory_space<vmem>>, vector<16xi32>,
    %and3A_303 = arith.constant 7 : i32
    %and3A_304 = vector.broadcast %and3A_303 : i32 to vector<16xi32>
    %and3A_305 = arith.andi %get3A_297, %and3A_304 : vector<16xi32>
    %shift_left3A_306 = arith.constant 4 : i32
    %shift_left3A_307 = vector.broadcast %shift_left3A_306 : i32 to vector<16xi32>
    %shift_left3A_308 = arith.shli %and3A_305, %shift_left3A_307 : vector<16xi32>
    %swap3A_309 = arith.constant 320 : index
    %swap3A_310 = tpu.vector_load %arg12[%swap3A_309] {strides = array<i32>} : memref<512xi32, #tpu.memory_space<vmem>>, vector<16xi32>,
    tpu.vector_store %arg12[%swap3A_309], %shift_left3A_308 {strides = array<i32>} : memref<512xi32, #tpu.memory_space<vmem>>, vector<16xi32>,
    %get3A_311 = arith.constant 336 : index
    %get3A_312 = tpu.vector_load %arg8[%get3A_311] {strides = array<i32>} : memref<512xi32, #tpu.memory_space<vmem>>, vector<16xi32>,
    %shift_right_arithmetic3A_313 = arith.constant 3 : i32
    %shift_right_arithmetic3A_314 = vector.broadcast %shift_right_arithmetic3A_313 : i32 to vector<16xi32>
    %shift_right_arithmetic3A_315 = arith.shrsi %get3A_312, %shift_right_arithmetic3A_314 : vector<16xi32>
    %swap3A_316 = arith.constant 336 : index
    %swap3A_317 = tpu.vector_load %arg10[%swap3A_316] {strides = array<i32>} : memref<512xi32, #tpu.memory_space<vmem>>, vector<16xi32>,
    tpu.vector_store %arg10[%swap3A_316], %shift_right_arithmetic3A_315 {strides = array<i32>} : memref<512xi32, #tpu.memory_space<vmem>>, vector<16xi32>,
    %and3A_318 = arith.constant 7 : i32
    %and3A_319 = vector.broadcast %and3A_318 : i32 to vector<16xi32>
    %and3A_320 = arith.andi %get3A_312, %and3A_319 : vector<16xi32>
    %shift_left3A_321 = arith.constant 4 : i32
    %shift_left3A_322 = vector.broadcast %shift_left3A_321 : i32 to vector<16xi32>
    %shift_left3A_323 = arith.shli %and3A_320, %shift_left3A_322 : vector<16xi32>
    %swap3A_324 = arith.constant 336 : index
    %swap3A_325 = tpu.vector_load %arg12[%swap3A_324] {strides = array<i32>} : memref<512xi32, #tpu.memory_space<vmem>>, vector<16xi32>,
    tpu.vector_store %arg12[%swap3A_324], %shift_left3A_323 {strides = array<i32>} : memref<512xi32, #tpu.memory_space<vmem>>, vector<16xi32>,
    %get3A_326 = arith.constant 352 : index
    %get3A_327 = tpu.vector_load %arg8[%get3A_326] {strides = array<i32>} : memref<512xi32, #tpu.memory_space<vmem>>, vector<16xi32>,
    %shift_right_arithmetic3A_328 = arith.constant 3 : i32
    %shift_right_arithmetic3A_329 = vector.broadcast %shift_right_arithmetic3A_328 : i32 to vector<16xi32>
    %shift_right_arithmetic3A_330 = arith.shrsi %get3A_327, %shift_right_arithmetic3A_329 : vector<16xi32>
    %swap3A_331 = arith.constant 352 : index
    %swap3A_332 = tpu.vector_load %arg10[%swap3A_331] {strides = array<i32>} : memref<512xi32, #tpu.memory_space<vmem>>, vector<16xi32>,
    tpu.vector_store %arg10[%swap3A_331], %shift_right_arithmetic3A_330 {strides = array<i32>} : memref<512xi32, #tpu.memory_space<vmem>>, vector<16xi32>,
    %and3A_333 = arith.constant 7 : i32
    %and3A_334 = vector.broadcast %and3A_333 : i32 to vector<16xi32>
    %and3A_335 = arith.andi %get3A_327, %and3A_334 : vector<16xi32>
    %shift_left3A_336 = arith.constant 4 : i32
    %shift_left3A_337 = vector.broadcast %shift_left3A_336 : i32 to vector<16xi32>
    %shift_left3A_338 = arith.shli %and3A_335, %shift_left3A_337 : vector<16xi32>
    %swap3A_339 = arith.constant 352 : index
    %swap3A_340 = tpu.vector_load %arg12[%swap3A_339] {strides = array<i32>} : memref<512xi32, #tpu.memory_space<vmem>>, vector<16xi32>,
    tpu.vector_store %arg12[%swap3A_339], %shift_left3A_338 {strides = array<i32>} : memref<512xi32, #tpu.memory_space<vmem>>, vector<16xi32>,
    %get3A_341 = arith.constant 368 : index
    %get3A_342 = tpu.vector_load %arg8[%get3A_341] {strides = array<i32>} : memref<512xi32, #tpu.memory_space<vmem>>, vector<16xi32>,
    %shift_right_arithmetic3A_343 = arith.constant 3 : i32
    %shift_right_arithmetic3A_344 = vector.broadcast %shift_right_arithmetic3A_343 : i32 to vector<16xi32>
    %shift_right_arithmetic3A_345 = arith.shrsi %get3A_342, %shift_right_arithmetic3A_344 : vector<16xi32>
    %swap3A_346 = arith.constant 368 : index
    %swap3A_347 = tpu.vector_load %arg10[%swap3A_346] {strides = array<i32>} : memref<512xi32, #tpu.memory_space<vmem>>, vector<16xi32>,
    tpu.vector_store %arg10[%swap3A_346], %shift_right_arithmetic3A_345 {strides = array<i32>} : memref<512xi32, #tpu.memory_space<vmem>>, vector<16xi32>,
    %and3A_348 = arith.constant 7 : i32
    %and3A_349 = vector.broadcast %and3A_348 : i32 to vector<16xi32>
    %and3A_350 = arith.andi %get3A_342, %and3A_349 : vector<16xi32>
    %shift_left3A_351 = arith.constant 4 : i32
    %shift_left3A_352 = vector.broadcast %shift_left3A_351 : i32 to vector<16xi32>
    %shift_left3A_353 = arith.shli %and3A_350, %shift_left3A_352 : vector<16xi32>
    %swap3A_354 = arith.constant 368 : index
    %swap3A_355 = tpu.vector_load %arg12[%swap3A_354] {strides = array<i32>} : memref<512xi32, #tpu.memory_space<vmem>>, vector<16xi32>,
    tpu.vector_store %arg12[%swap3A_354], %shift_left3A_353 {strides = array<i32>} : memref<512xi32, #tpu.memory_space<vmem>>, vector<16xi32>,
    %get3A_356 = arith.constant 384 : index
    %get3A_357 = tpu.vector_load %arg8[%get3A_356] {strides = array<i32>} : memref<512xi32, #tpu.memory_space<vmem>>, vector<16xi32>,
    %shift_right_arithmetic3A_358 = arith.constant 3 : i32
    %shift_right_arithmetic3A_359 = vector.broadcast %shift_right_arithmetic3A_358 : i32 to vector<16xi32>
    %shift_right_arithmetic3A_360 = arith.shrsi %get3A_357, %shift_right_arithmetic3A_359 : vector<16xi32>
    %swap3A_361 = arith.constant 384 : index
    %swap3A_362 = tpu.vector_load %arg10[%swap3A_361] {strides = array<i32>} : memref<512xi32, #tpu.memory_space<vmem>>, vector<16xi32>,
    tpu.vector_store %arg10[%swap3A_361], %shift_right_arithmetic3A_360 {strides = array<i32>} : memref<512xi32, #tpu.memory_space<vmem>>, vector<16xi32>,
    %and3A_363 = arith.constant 7 : i32
    %and3A_364 = vector.broadcast %and3A_363 : i32 to vector<16xi32>
    %and3A_365 = arith.andi %get3A_357, %and3A_364 : vector<16xi32>
    %shift_left3A_366 = arith.constant 4 : i32
    %shift_left3A_367 = vector.broadcast %shift_left3A_366 : i32 to vector<16xi32>
    %shift_left3A_368 = arith.shli %and3A_365, %shift_left3A_367 : vector<16xi32>
    %swap3A_369 = arith.constant 384 : index
    %swap3A_370 = tpu.vector_load %arg12[%swap3A_369] {strides = array<i32>} : memref<512xi32, #tpu.memory_space<vmem>>, vector<16xi32>,
    tpu.vector_store %arg12[%swap3A_369], %shift_left3A_368 {strides = array<i32>} : memref<512xi32, #tpu.memory_space<vmem>>, vector<16xi32>,
    %get3A_371 = arith.constant 400 : index
    %get3A_372 = tpu.vector_load %arg8[%get3A_371] {strides = array<i32>} : memref<512xi32, #tpu.memory_space<vmem>>, vector<16xi32>,
    %shift_right_arithmetic3A_373 = arith.constant 3 : i32
    %shift_right_arithmetic3A_374 = vector.broadcast %shift_right_arithmetic3A_373 : i32 to vector<16xi32>
    %shift_right_arithmetic3A_375 = arith.shrsi %get3A_372, %shift_right_arithmetic3A_374 : vector<16xi32>
    %swap3A_376 = arith.constant 400 : index
    %swap3A_377 = tpu.vector_load %arg10[%swap3A_376] {strides = array<i32>} : memref<512xi32, #tpu.memory_space<vmem>>, vector<16xi32>,
    tpu.vector_store %arg10[%swap3A_376], %shift_right_arithmetic3A_375 {strides = array<i32>} : memref<512xi32, #tpu.memory_space<vmem>>, vector<16xi32>,
    %and3A_378 = arith.constant 7 : i32
    %and3A_379 = vector.broadcast %and3A_378 : i32 to vector<16xi32>
    %and3A_380 = arith.andi %get3A_372, %and3A_379 : vector<16xi32>
    %shift_left3A_381 = arith.constant 4 : i32
    %shift_left3A_382 = vector.broadcast %shift_left3A_381 : i32 to vector<16xi32>
    %shift_left3A_383 = arith.shli %and3A_380, %shift_left3A_382 : vector<16xi32>
    %swap3A_384 = arith.constant 400 : index
    %swap3A_385 = tpu.vector_load %arg12[%swap3A_384] {strides = array<i32>} : memref<512xi32, #tpu.memory_space<vmem>>, vector<16xi32>,
    tpu.vector_store %arg12[%swap3A_384], %shift_left3A_383 {strides = array<i32>} : memref<512xi32, #tpu.memory_space<vmem>>, vector<16xi32>,
    %get3A_386 = arith.constant 416 : index
    %get3A_387 = tpu.vector_load %arg8[%get3A_386] {strides = array<i32>} : memref<512xi32, #tpu.memory_space<vmem>>, vector<16xi32>,
    %shift_right_arithmetic3A_388 = arith.constant 3 : i32
    %shift_right_arithmetic3A_389 = vector.broadcast %shift_right_arithmetic3A_388 : i32 to vector<16xi32>
    %shift_right_arithmetic3A_390 = arith.shrsi %get3A_387, %shift_right_arithmetic3A_389 : vector<16xi32>
    %swap3A_391 = arith.constant 416 : index
    %swap3A_392 = tpu.vector_load %arg10[%swap3A_391] {strides = array<i32>} : memref<512xi32, #tpu.memory_space<vmem>>, vector<16xi32>,
    tpu.vector_store %arg10[%swap3A_391], %shift_right_arithmetic3A_390 {strides = array<i32>} : memref<512xi32, #tpu.memory_space<vmem>>, vector<16xi32>,
    %and3A_393 = arith.constant 7 : i32
    %and3A_394 = vector.broadcast %and3A_393 : i32 to vector<16xi32>
    %and3A_395 = arith.andi %get3A_387, %and3A_394 : vector<16xi32>
    %shift_left3A_396 = arith.constant 4 : i32
    %shift_left3A_397 = vector.broadcast %shift_left3A_396 : i32 to vector<16xi32>
    %shift_left3A_398 = arith.shli %and3A_395, %shift_left3A_397 : vector<16xi32>
    %swap3A_399 = arith.constant 416 : index
    %swap3A_400 = tpu.vector_load %arg12[%swap3A_399] {strides = array<i32>} : memref<512xi32, #tpu.memory_space<vmem>>, vector<16xi32>,
    tpu.vector_store %arg12[%swap3A_399], %shift_left3A_398 {strides = array<i32>} : memref<512xi32, #tpu.memory_space<vmem>>, vector<16xi32>,
    %get3A_401 = arith.constant 432 : index
    %get3A_402 = tpu.vector_load %arg8[%get3A_401] {strides = array<i32>} : memref<512xi32, #tpu.memory_space<vmem>>, vector<16xi32>,
    %shift_right_arithmetic3A_403 = arith.constant 3 : i32
    %shift_right_arithmetic3A_404 = vector.broadcast %shift_right_arithmetic3A_403 : i32 to vector<16xi32>
    %shift_right_arithmetic3A_405 = arith.shrsi %get3A_402, %shift_right_arithmetic3A_404 : vector<16xi32>
    %swap3A_406 = arith.constant 432 : index
    %swap3A_407 = tpu.vector_load %arg10[%swap3A_406] {strides = array<i32>} : memref<512xi32, #tpu.memory_space<vmem>>, vector<16xi32>,
    tpu.vector_store %arg10[%swap3A_406], %shift_right_arithmetic3A_405 {strides = array<i32>} : memref<512xi32, #tpu.memory_space<vmem>>, vector<16xi32>,
    %and3A_408 = arith.constant 7 : i32
    %and3A_409 = vector.broadcast %and3A_408 : i32 to vector<16xi32>
    %and3A_410 = arith.andi %get3A_402, %and3A_409 : vector<16xi32>
    %shift_left3A_411 = arith.constant 4 : i32
    %shift_left3A_412 = vector.broadcast %shift_left3A_411 : i32 to vector<16xi32>
    %shift_left3A_413 = arith.shli %and3A_410, %shift_left3A_412 : vector<16xi32>
    %swap3A_414 = arith.constant 432 : index
    %swap3A_415 = tpu.vector_load %arg12[%swap3A_414] {strides = array<i32>} : memref<512xi32, #tpu.memory_space<vmem>>, vector<16xi32>,
    tpu.vector_store %arg12[%swap3A_414], %shift_left3A_413 {strides = array<i32>} : memref<512xi32, #tpu.memory_space<vmem>>, vector<16xi32>,
    %get3A_416 = arith.constant 448 : index
    %get3A_417 = tpu.vector_load %arg8[%get3A_416] {strides = array<i32>} : memref<512xi32, #tpu.memory_space<vmem>>, vector<16xi32>,
    %shift_right_arithmetic3A_418 = arith.constant 3 : i32
    %shift_right_arithmetic3A_419 = vector.broadcast %shift_right_arithmetic3A_418 : i32 to vector<16xi32>
    %shift_right_arithmetic3A_420 = arith.shrsi %get3A_417, %shift_right_arithmetic3A_419 : vector<16xi32>
    %swap3A_421 = arith.constant 448 : index
    %swap3A_422 = tpu.vector_load %arg10[%swap3A_421] {strides = array<i32>} : memref<512xi32, #tpu.memory_space<vmem>>, vector<16xi32>,
    tpu.vector_store %arg10[%swap3A_421], %shift_right_arithmetic3A_420 {strides = array<i32>} : memref<512xi32, #tpu.memory_space<vmem>>, vector<16xi32>,
    %and3A_423 = arith.constant 7 : i32
    %and3A_424 = vector.broadcast %and3A_423 : i32 to vector<16xi32>
    %and3A_425 = arith.andi %get3A_417, %and3A_424 : vector<16xi32>
    %shift_left3A_426 = arith.constant 4 : i32
    %shift_left3A_427 = vector.broadcast %shift_left3A_426 : i32 to vector<16xi32>
    %shift_left3A_428 = arith.shli %and3A_425, %shift_left3A_427 : vector<16xi32>
    %swap3A_429 = arith.constant 448 : index
    %swap3A_430 = tpu.vector_load %arg12[%swap3A_429] {strides = array<i32>} : memref<512xi32, #tpu.memory_space<vmem>>, vector<16xi32>,
    tpu.vector_store %arg12[%swap3A_429], %shift_left3A_428 {strides = array<i32>} : memref<512xi32, #tpu.memory_space<vmem>>, vector<16xi32>,
    %get3A_431 = arith.constant 464 : index
    %get3A_432 = tpu.vector_load %arg8[%get3A_431] {strides = array<i32>} : memref<512xi32, #tpu.memory_space<vmem>>, vector<16xi32>,
    %shift_right_arithmetic3A_433 = arith.constant 3 : i32
    %shift_right_arithmetic3A_434 = vector.broadcast %shift_right_arithmetic3A_433 : i32 to vector<16xi32>
    %shift_right_arithmetic3A_435 = arith.shrsi %get3A_432, %shift_right_arithmetic3A_434 : vector<16xi32>
    %swap3A_436 = arith.constant 464 : index
    %swap3A_437 = tpu.vector_load %arg10[%swap3A_436] {strides = array<i32>} : memref<512xi32, #tpu.memory_space<vmem>>, vector<16xi32>,
    tpu.vector_store %arg10[%swap3A_436], %shift_right_arithmetic3A_435 {strides = array<i32>} : memref<512xi32, #tpu.memory_space<vmem>>, vector<16xi32>,
    %and3A_438 = arith.constant 7 : i32
    %and3A_439 = vector.broadcast %and3A_438 : i32 to vector<16xi32>
    %and3A_440 = arith.andi %get3A_432, %and3A_439 : vector<16xi32>
    %shift_left3A_441 = arith.constant 4 : i32
    %shift_left3A_442 = vector.broadcast %shift_left3A_441 : i32 to vector<16xi32>
    %shift_left3A_443 = arith.shli %and3A_440, %shift_left3A_442 : vector<16xi32>
    %swap3A_444 = arith.constant 464 : index
    %swap3A_445 = tpu.vector_load %arg12[%swap3A_444] {strides = array<i32>} : memref<512xi32, #tpu.memory_space<vmem>>, vector<16xi32>,
    tpu.vector_store %arg12[%swap3A_444], %shift_left3A_443 {strides = array<i32>} : memref<512xi32, #tpu.memory_space<vmem>>, vector<16xi32>,
    %get3A_446 = arith.constant 480 : index
    %get3A_447 = tpu.vector_load %arg8[%get3A_446] {strides = array<i32>} : memref<512xi32, #tpu.memory_space<vmem>>, vector<16xi32>,
    %shift_right_arithmetic3A_448 = arith.constant 3 : i32
    %shift_right_arithmetic3A_449 = vector.broadcast %shift_right_arithmetic3A_448 : i32 to vector<16xi32>
    %shift_right_arithmetic3A_450 = arith.shrsi %get3A_447, %shift_right_arithmetic3A_449 : vector<16xi32>
    %swap3A_451 = arith.constant 480 : index
    %swap3A_452 = tpu.vector_load %arg10[%swap3A_451] {strides = array<i32>} : memref<512xi32, #tpu.memory_space<vmem>>, vector<16xi32>,
    tpu.vector_store %arg10[%swap3A_451], %shift_right_arithmetic3A_450 {strides = array<i32>} : memref<512xi32, #tpu.memory_space<vmem>>, vector<16xi32>,
    %and3A_453 = arith.constant 7 : i32
    %and3A_454 = vector.broadcast %and3A_453 : i32 to vector<16xi32>
    %and3A_455 = arith.andi %get3A_447, %and3A_454 : vector<16xi32>
    %shift_left3A_456 = arith.constant 4 : i32
    %shift_left3A_457 = vector.broadcast %shift_left3A_456 : i32 to vector<16xi32>
    %shift_left3A_458 = arith.shli %and3A_455, %shift_left3A_457 : vector<16xi32>
    %swap3A_459 = arith.constant 480 : index
    %swap3A_460 = tpu.vector_load %arg12[%swap3A_459] {strides = array<i32>} : memref<512xi32, #tpu.memory_space<vmem>>, vector<16xi32>,
    tpu.vector_store %arg12[%swap3A_459], %shift_left3A_458 {strides = array<i32>} : memref<512xi32, #tpu.memory_space<vmem>>, vector<16xi32>,
    %get3A_461 = arith.constant 496 : index
    %get3A_462 = tpu.vector_load %arg8[%get3A_461] {strides = array<i32>} : memref<512xi32, #tpu.memory_space<vmem>>, vector<16xi32>,
    %shift_right_arithmetic3A_463 = arith.constant 3 : i32
    %shift_right_arithmetic3A_464 = vector.broadcast %shift_right_arithmetic3A_463 : i32 to vector<16xi32>
    %shift_right_arithmetic3A_465 = arith.shrsi %get3A_462, %shift_right_arithmetic3A_464 : vector<16xi32>
    %swap3A_466 = arith.constant 496 : index
    %swap3A_467 = tpu.vector_load %arg10[%swap3A_466] {strides = array<i32>} : memref<512xi32, #tpu.memory_space<vmem>>, vector<16xi32>,
    tpu.vector_store %arg10[%swap3A_466], %shift_right_arithmetic3A_465 {strides = array<i32>} : memref<512xi32, #tpu.memory_space<vmem>>, vector<16xi32>,
    %and3A_468 = arith.constant 7 : i32
    %and3A_469 = vector.broadcast %and3A_468 : i32 to vector<16xi32>
    %and3A_470 = arith.andi %get3A_462, %and3A_469 : vector<16xi32>
    %shift_left3A_471 = arith.constant 4 : i32
    %shift_left3A_472 = vector.broadcast %shift_left3A_471 : i32 to vector<16xi32>
    %shift_left3A_473 = arith.shli %and3A_470, %shift_left3A_472 : vector<16xi32>
    %swap3A_474 = arith.constant 496 : index
    %swap3A_475 = tpu.vector_load %arg12[%swap3A_474] {strides = array<i32>} : memref<512xi32, #tpu.memory_space<vmem>>, vector<16xi32>,
    tpu.vector_store %arg12[%swap3A_474], %shift_left3A_473 {strides = array<i32>} : memref<512xi32, #tpu.memory_space<vmem>>, vector<16xi32>,
    %get3A_476 = arith.constant 0 : index
    %get3A_477 = tpu.vector_load %arg9[%get3A_476] {strides = array<i32>} : memref<512xi32, #tpu.memory_space<vmem>>, vector<16xi32>,
    %shift_right_arithmetic3A_478 = arith.constant 3 : i32
    %shift_right_arithmetic3A_479 = vector.broadcast %shift_right_arithmetic3A_478 : i32 to vector<16xi32>
    %shift_right_arithmetic3A_480 = arith.shrsi %get3A_477, %shift_right_arithmetic3A_479 : vector<16xi32>
    %swap3A_481 = arith.constant 0 : index
    %swap3A_482 = tpu.vector_load %arg11[%swap3A_481] {strides = array<i32>} : memref<512xi32, #tpu.memory_space<vmem>>, vector<16xi32>,
    tpu.vector_store %arg11[%swap3A_481], %shift_right_arithmetic3A_480 {strides = array<i32>} : memref<512xi32, #tpu.memory_space<vmem>>, vector<16xi32>,
    %and3A_483 = arith.constant 7 : i32
    %and3A_484 = vector.broadcast %and3A_483 : i32 to vector<16xi32>
    %and3A_485 = arith.andi %get3A_477, %and3A_484 : vector<16xi32>
    %shift_left3A_486 = arith.constant 4 : i32
    %shift_left3A_487 = vector.broadcast %shift_left3A_486 : i32 to vector<16xi32>
    %shift_left3A_488 = arith.shli %and3A_485, %shift_left3A_487 : vector<16xi32>
    %swap3A_489 = arith.constant 0 : index
    %swap3A_490 = tpu.vector_load %arg13[%swap3A_489] {strides = array<i32>} : memref<512xi32, #tpu.memory_space<vmem>>, vector<16xi32>,
    tpu.vector_store %arg13[%swap3A_489], %shift_left3A_488 {strides = array<i32>} : memref<512xi32, #tpu.memory_space<vmem>>, vector<16xi32>,
    %get3A_491 = arith.constant 16 : index
    %get3A_492 = tpu.vector_load %arg9[%get3A_491] {strides = array<i32>} : memref<512xi32, #tpu.memory_space<vmem>>, vector<16xi32>,
    %shift_right_arithmetic3A_493 = arith.constant 3 : i32
    %shift_right_arithmetic3A_494 = vector.broadcast %shift_right_arithmetic3A_493 : i32 to vector<16xi32>
    %shift_right_arithmetic3A_495 = arith.shrsi %get3A_492, %shift_right_arithmetic3A_494 : vector<16xi32>
    %swap3A_496 = arith.constant 16 : index
    %swap3A_497 = tpu.vector_load %arg11[%swap3A_496] {strides = array<i32>} : memref<512xi32, #tpu.memory_space<vmem>>, vector<16xi32>,
    tpu.vector_store %arg11[%swap3A_496], %shift_right_arithmetic3A_495 {strides = array<i32>} : memref<512xi32, #tpu.memory_space<vmem>>, vector<16xi32>,
    %and3A_498 = arith.constant 7 : i32
    %and3A_499 = vector.broadcast %and3A_498 : i32 to vector<16xi32>
    %and3A_500 = arith.andi %get3A_492, %and3A_499 : vector<16xi32>
    %shift_left3A_501 = arith.constant 4 : i32
    %shift_left3A_502 = vector.broadcast %shift_left3A_501 : i32 to vector<16xi32>
    %shift_left3A_503 = arith.shli %and3A_500, %shift_left3A_502 : vector<16xi32>
    %swap3A_504 = arith.constant 16 : index
    %swap3A_505 = tpu.vector_load %arg13[%swap3A_504] {strides = array<i32>} : memref<512xi32, #tpu.memory_space<vmem>>, vector<16xi32>,
    tpu.vector_store %arg13[%swap3A_504], %shift_left3A_503 {strides = array<i32>} : memref<512xi32, #tpu.memory_space<vmem>>, vector<16xi32>,
    %get3A_506 = arith.constant 32 : index
    %get3A_507 = tpu.vector_load %arg9[%get3A_506] {strides = array<i32>} : memref<512xi32, #tpu.memory_space<vmem>>, vector<16xi32>,
    %shift_right_arithmetic3A_508 = arith.constant 3 : i32
    %shift_right_arithmetic3A_509 = vector.broadcast %shift_right_arithmetic3A_508 : i32 to vector<16xi32>
    %shift_right_arithmetic3A_510 = arith.shrsi %get3A_507, %shift_right_arithmetic3A_509 : vector<16xi32>
    %swap3A_511 = arith.constant 32 : index
    %swap3A_512 = tpu.vector_load %arg11[%swap3A_511] {strides = array<i32>} : memref<512xi32, #tpu.memory_space<vmem>>, vector<16xi32>,
    tpu.vector_store %arg11[%swap3A_511], %shift_right_arithmetic3A_510 {strides = array<i32>} : memref<512xi32, #tpu.memory_space<vmem>>, vector<16xi32>,
    %and3A_513 = arith.constant 7 : i32
    %and3A_514 = vector.broadcast %and3A_513 : i32 to vector<16xi32>
    %and3A_515 = arith.andi %get3A_507, %and3A_514 : vector<16xi32>
    %shift_left3A_516 = arith.constant 4 : i32
    %shift_left3A_517 = vector.broadcast %shift_left3A_516 : i32 to vector<16xi32>
    %shift_left3A_518 = arith.shli %and3A_515, %shift_left3A_517 : vector<16xi32>
    %swap3A_519 = arith.constant 32 : index
    %swap3A_520 = tpu.vector_load %arg13[%swap3A_519] {strides = array<i32>} : memref<512xi32, #tpu.memory_space<vmem>>, vector<16xi32>,
    tpu.vector_store %arg13[%swap3A_519], %shift_left3A_518 {strides = array<i32>} : memref<512xi32, #tpu.memory_space<vmem>>, vector<16xi32>,
    %get3A_521 = arith.constant 48 : index
    %get3A_522 = tpu.vector_load %arg9[%get3A_521] {strides = array<i32>} : memref<512xi32, #tpu.memory_space<vmem>>, vector<16xi32>,
    %shift_right_arithmetic3A_523 = arith.constant 3 : i32
    %shift_right_arithmetic3A_524 = vector.broadcast %shift_right_arithmetic3A_523 : i32 to vector<16xi32>
    %shift_right_arithmetic3A_525 = arith.shrsi %get3A_522, %shift_right_arithmetic3A_524 : vector<16xi32>
    %swap3A_526 = arith.constant 48 : index
    %swap3A_527 = tpu.vector_load %arg11[%swap3A_526] {strides = array<i32>} : memref<512xi32, #tpu.memory_space<vmem>>, vector<16xi32>,
    tpu.vector_store %arg11[%swap3A_526], %shift_right_arithmetic3A_525 {strides = array<i32>} : memref<512xi32, #tpu.memory_space<vmem>>, vector<16xi32>,
    %and3A_528 = arith.constant 7 : i32
    %and3A_529 = vector.broadcast %and3A_528 : i32 to vector<16xi32>
    %and3A_530 = arith.andi %get3A_522, %and3A_529 : vector<16xi32>
    %shift_left3A_531 = arith.constant 4 : i32
    %shift_left3A_532 = vector.broadcast %shift_left3A_531 : i32 to vector<16xi32>
    %shift_left3A_533 = arith.shli %and3A_530, %shift_left3A_532 : vector<16xi32>
    %swap3A_534 = arith.constant 48 : index
    %swap3A_535 = tpu.vector_load %arg13[%swap3A_534] {strides = array<i32>} : memref<512xi32, #tpu.memory_space<vmem>>, vector<16xi32>,
    tpu.vector_store %arg13[%swap3A_534], %shift_left3A_533 {strides = array<i32>} : memref<512xi32, #tpu.memory_space<vmem>>, vector<16xi32>,
    %get3A_536 = arith.constant 64 : index
    %get3A_537 = tpu.vector_load %arg9[%get3A_536] {strides = array<i32>} : memref<512xi32, #tpu.memory_space<vmem>>, vector<16xi32>,
    %shift_right_arithmetic3A_538 = arith.constant 3 : i32
    %shift_right_arithmetic3A_539 = vector.broadcast %shift_right_arithmetic3A_538 : i32 to vector<16xi32>
    %shift_right_arithmetic3A_540 = arith.shrsi %get3A_537, %shift_right_arithmetic3A_539 : vector<16xi32>
    %swap3A_541 = arith.constant 64 : index
    %swap3A_542 = tpu.vector_load %arg11[%swap3A_541] {strides = array<i32>} : memref<512xi32, #tpu.memory_space<vmem>>, vector<16xi32>,
    tpu.vector_store %arg11[%swap3A_541], %shift_right_arithmetic3A_540 {strides = array<i32>} : memref<512xi32, #tpu.memory_space<vmem>>, vector<16xi32>,
    %and3A_543 = arith.constant 7 : i32
    %and3A_544 = vector.broadcast %and3A_543 : i32 to vector<16xi32>
    %and3A_545 = arith.andi %get3A_537, %and3A_544 : vector<16xi32>
    %shift_left3A_546 = arith.constant 4 : i32
    %shift_left3A_547 = vector.broadcast %shift_left3A_546 : i32 to vector<16xi32>
    %shift_left3A_548 = arith.shli %and3A_545, %shift_left3A_547 : vector<16xi32>
    %swap3A_549 = arith.constant 64 : index
    %swap3A_550 = tpu.vector_load %arg13[%swap3A_549] {strides = array<i32>} : memref<512xi32, #tpu.memory_space<vmem>>, vector<16xi32>,
    tpu.vector_store %arg13[%swap3A_549], %shift_left3A_548 {strides = array<i32>} : memref<512xi32, #tpu.memory_space<vmem>>, vector<16xi32>,
    %get3A_551 = arith.constant 80 : index
    %get3A_552 = tpu.vector_load %arg9[%get3A_551] {strides = array<i32>} : memref<512xi32, #tpu.memory_space<vmem>>, vector<16xi32>,
    %shift_right_arithmetic3A_553 = arith.constant 3 : i32
    %shift_right_arithmetic3A_554 = vector.broadcast %shift_right_arithmetic3A_553 : i32 to vector<16xi32>
    %shift_right_arithmetic3A_555 = arith.shrsi %get3A_552, %shift_right_arithmetic3A_554 : vector<16xi32>
    %swap3A_556 = arith.constant 80 : index
    %swap3A_557 = tpu.vector_load %arg11[%swap3A_556] {strides = array<i32>} : memref<512xi32, #tpu.memory_space<vmem>>, vector<16xi32>,
    tpu.vector_store %arg11[%swap3A_556], %shift_right_arithmetic3A_555 {strides = array<i32>} : memref<512xi32, #tpu.memory_space<vmem>>, vector<16xi32>,
    %and3A_558 = arith.constant 7 : i32
    %and3A_559 = vector.broadcast %and3A_558 : i32 to vector<16xi32>
    %and3A_560 = arith.andi %get3A_552, %and3A_559 : vector<16xi32>
    %shift_left3A_561 = arith.constant 4 : i32
    %shift_left3A_562 = vector.broadcast %shift_left3A_561 : i32 to vector<16xi32>
    %shift_left3A_563 = arith.shli %and3A_560, %shift_left3A_562 : vector<16xi32>
    %swap3A_564 = arith.constant 80 : index
    %swap3A_565 = tpu.vector_load %arg13[%swap3A_564] {strides = array<i32>} : memref<512xi32, #tpu.memory_space<vmem>>, vector<16xi32>,
    tpu.vector_store %arg13[%swap3A_564], %shift_left3A_563 {strides = array<i32>} : memref<512xi32, #tpu.memory_space<vmem>>, vector<16xi32>,
    %get3A_566 = arith.constant 96 : index
    %get3A_567 = tpu.vector_load %arg9[%get3A_566] {strides = array<i32>} : memref<512xi32, #tpu.memory_space<vmem>>, vector<16xi32>,
    %shift_right_arithmetic3A_568 = arith.constant 3 : i32
    %shift_right_arithmetic3A_569 = vector.broadcast %shift_right_arithmetic3A_568 : i32 to vector<16xi32>
    %shift_right_arithmetic3A_570 = arith.shrsi %get3A_567, %shift_right_arithmetic3A_569 : vector<16xi32>
    %swap3A_571 = arith.constant 96 : index
    %swap3A_572 = tpu.vector_load %arg11[%swap3A_571] {strides = array<i32>} : memref<512xi32, #tpu.memory_space<vmem>>, vector<16xi32>,
    tpu.vector_store %arg11[%swap3A_571], %shift_right_arithmetic3A_570 {strides = array<i32>} : memref<512xi32, #tpu.memory_space<vmem>>, vector<16xi32>,
    %and3A_573 = arith.constant 7 : i32
    %and3A_574 = vector.broadcast %and3A_573 : i32 to vector<16xi32>
    %and3A_575 = arith.andi %get3A_567, %and3A_574 : vector<16xi32>
    %shift_left3A_576 = arith.constant 4 : i32
    %shift_left3A_577 = vector.broadcast %shift_left3A_576 : i32 to vector<16xi32>
    %shift_left3A_578 = arith.shli %and3A_575, %shift_left3A_577 : vector<16xi32>
    %swap3A_579 = arith.constant 96 : index
    %swap3A_580 = tpu.vector_load %arg13[%swap3A_579] {strides = array<i32>} : memref<512xi32, #tpu.memory_space<vmem>>, vector<16xi32>,
    tpu.vector_store %arg13[%swap3A_579], %shift_left3A_578 {strides = array<i32>} : memref<512xi32, #tpu.memory_space<vmem>>, vector<16xi32>,
    %get3A_581 = arith.constant 112 : index
    %get3A_582 = tpu.vector_load %arg9[%get3A_581] {strides = array<i32>} : memref<512xi32, #tpu.memory_space<vmem>>, vector<16xi32>,
    %shift_right_arithmetic3A_583 = arith.constant 3 : i32
    %shift_right_arithmetic3A_584 = vector.broadcast %shift_right_arithmetic3A_583 : i32 to vector<16xi32>
    %shift_right_arithmetic3A_585 = arith.shrsi %get3A_582, %shift_right_arithmetic3A_584 : vector<16xi32>
    %swap3A_586 = arith.constant 112 : index
    %swap3A_587 = tpu.vector_load %arg11[%swap3A_586] {strides = array<i32>} : memref<512xi32, #tpu.memory_space<vmem>>, vector<16xi32>,
    tpu.vector_store %arg11[%swap3A_586], %shift_right_arithmetic3A_585 {strides = array<i32>} : memref<512xi32, #tpu.memory_space<vmem>>, vector<16xi32>,
    %and3A_588 = arith.constant 7 : i32
    %and3A_589 = vector.broadcast %and3A_588 : i32 to vector<16xi32>
    %and3A_590 = arith.andi %get3A_582, %and3A_589 : vector<16xi32>
    %shift_left3A_591 = arith.constant 4 : i32
    %shift_left3A_592 = vector.broadcast %shift_left3A_591 : i32 to vector<16xi32>
    %shift_left3A_593 = arith.shli %and3A_590, %shift_left3A_592 : vector<16xi32>
    %swap3A_594 = arith.constant 112 : index
    %swap3A_595 = tpu.vector_load %arg13[%swap3A_594] {strides = array<i32>} : memref<512xi32, #tpu.memory_space<vmem>>, vector<16xi32>,
    tpu.vector_store %arg13[%swap3A_594], %shift_left3A_593 {strides = array<i32>} : memref<512xi32, #tpu.memory_space<vmem>>, vector<16xi32>,
    %get3A_596 = arith.constant 128 : index
    %get3A_597 = tpu.vector_load %arg9[%get3A_596] {strides = array<i32>} : memref<512xi32, #tpu.memory_space<vmem>>, vector<16xi32>,
    %shift_right_arithmetic3A_598 = arith.constant 3 : i32
    %shift_right_arithmetic3A_599 = vector.broadcast %shift_right_arithmetic3A_598 : i32 to vector<16xi32>
    %shift_right_arithmetic3A_600 = arith.shrsi %get3A_597, %shift_right_arithmetic3A_599 : vector<16xi32>
    %swap3A_601 = arith.constant 128 : index
    %swap3A_602 = tpu.vector_load %arg11[%swap3A_601] {strides = array<i32>} : memref<512xi32, #tpu.memory_space<vmem>>, vector<16xi32>,
    tpu.vector_store %arg11[%swap3A_601], %shift_right_arithmetic3A_600 {strides = array<i32>} : memref<512xi32, #tpu.memory_space<vmem>>, vector<16xi32>,
    %and3A_603 = arith.constant 7 : i32
    %and3A_604 = vector.broadcast %and3A_603 : i32 to vector<16xi32>
    %and3A_605 = arith.andi %get3A_597, %and3A_604 : vector<16xi32>
    %shift_left3A_606 = arith.constant 4 : i32
    %shift_left3A_607 = vector.broadcast %shift_left3A_606 : i32 to vector<16xi32>
    %shift_left3A_608 = arith.shli %and3A_605, %shift_left3A_607 : vector<16xi32>
    %swap3A_609 = arith.constant 128 : index
    %swap3A_610 = tpu.vector_load %arg13[%swap3A_609] {strides = array<i32>} : memref<512xi32, #tpu.memory_space<vmem>>, vector<16xi32>,
    tpu.vector_store %arg13[%swap3A_609], %shift_left3A_608 {strides = array<i32>} : memref<512xi32, #tpu.memory_space<vmem>>, vector<16xi32>,
    %get3A_611 = arith.constant 144 : index
    %get3A_612 = tpu.vector_load %arg9[%get3A_611] {strides = array<i32>} : memref<512xi32, #tpu.memory_space<vmem>>, vector<16xi32>,
    %shift_right_arithmetic3A_613 = arith.constant 3 : i32
    %shift_right_arithmetic3A_614 = vector.broadcast %shift_right_arithmetic3A_613 : i32 to vector<16xi32>
    %shift_right_arithmetic3A_615 = arith.shrsi %get3A_612, %shift_right_arithmetic3A_614 : vector<16xi32>
    %swap3A_616 = arith.constant 144 : index
    %swap3A_617 = tpu.vector_load %arg11[%swap3A_616] {strides = array<i32>} : memref<512xi32, #tpu.memory_space<vmem>>, vector<16xi32>,
    tpu.vector_store %arg11[%swap3A_616], %shift_right_arithmetic3A_615 {strides = array<i32>} : memref<512xi32, #tpu.memory_space<vmem>>, vector<16xi32>,
    %and3A_618 = arith.constant 7 : i32
    %and3A_619 = vector.broadcast %and3A_618 : i32 to vector<16xi32>
    %and3A_620 = arith.andi %get3A_612, %and3A_619 : vector<16xi32>
    %shift_left3A_621 = arith.constant 4 : i32
    %shift_left3A_622 = vector.broadcast %shift_left3A_621 : i32 to vector<16xi32>
    %shift_left3A_623 = arith.shli %and3A_620, %shift_left3A_622 : vector<16xi32>
    %swap3A_624 = arith.constant 144 : index
    %swap3A_625 = tpu.vector_load %arg13[%swap3A_624] {strides = array<i32>} : memref<512xi32, #tpu.memory_space<vmem>>, vector<16xi32>,
    tpu.vector_store %arg13[%swap3A_624], %shift_left3A_623 {strides = array<i32>} : memref<512xi32, #tpu.memory_space<vmem>>, vector<16xi32>,
    %get3A_626 = arith.constant 160 : index
    %get3A_627 = tpu.vector_load %arg9[%get3A_626] {strides = array<i32>} : memref<512xi32, #tpu.memory_space<vmem>>, vector<16xi32>,
    %shift_right_arithmetic3A_628 = arith.constant 3 : i32
    %shift_right_arithmetic3A_629 = vector.broadcast %shift_right_arithmetic3A_628 : i32 to vector<16xi32>
    %shift_right_arithmetic3A_630 = arith.shrsi %get3A_627, %shift_right_arithmetic3A_629 : vector<16xi32>
    %swap3A_631 = arith.constant 160 : index
    %swap3A_632 = tpu.vector_load %arg11[%swap3A_631] {strides = array<i32>} : memref<512xi32, #tpu.memory_space<vmem>>, vector<16xi32>,
    tpu.vector_store %arg11[%swap3A_631], %shift_right_arithmetic3A_630 {strides = array<i32>} : memref<512xi32, #tpu.memory_space<vmem>>, vector<16xi32>,
    %and3A_633 = arith.constant 7 : i32
    %and3A_634 = vector.broadcast %and3A_633 : i32 to vector<16xi32>
    %and3A_635 = arith.andi %get3A_627, %and3A_634 : vector<16xi32>
    %shift_left3A_636 = arith.constant 4 : i32
    %shift_left3A_637 = vector.broadcast %shift_left3A_636 : i32 to vector<16xi32>
    %shift_left3A_638 = arith.shli %and3A_635, %shift_left3A_637 : vector<16xi32>
    %swap3A_639 = arith.constant 160 : index
    %swap3A_640 = tpu.vector_load %arg13[%swap3A_639] {strides = array<i32>} : memref<512xi32, #tpu.memory_space<vmem>>, vector<16xi32>,
    tpu.vector_store %arg13[%swap3A_639], %shift_left3A_638 {strides = array<i32>} : memref<512xi32, #tpu.memory_space<vmem>>, vector<16xi32>,
    %get3A_641 = arith.constant 176 : index
    %get3A_642 = tpu.vector_load %arg9[%get3A_641] {strides = array<i32>} : memref<512xi32, #tpu.memory_space<vmem>>, vector<16xi32>,
    %shift_right_arithmetic3A_643 = arith.constant 3 : i32
    %shift_right_arithmetic3A_644 = vector.broadcast %shift_right_arithmetic3A_643 : i32 to vector<16xi32>
    %shift_right_arithmetic3A_645 = arith.shrsi %get3A_642, %shift_right_arithmetic3A_644 : vector<16xi32>
    %swap3A_646 = arith.constant 176 : index
    %swap3A_647 = tpu.vector_load %arg11[%swap3A_646] {strides = array<i32>} : memref<512xi32, #tpu.memory_space<vmem>>, vector<16xi32>,
    tpu.vector_store %arg11[%swap3A_646], %shift_right_arithmetic3A_645 {strides = array<i32>} : memref<512xi32, #tpu.memory_space<vmem>>, vector<16xi32>,
    %and3A_648 = arith.constant 7 : i32
    %and3A_649 = vector.broadcast %and3A_648 : i32 to vector<16xi32>
    %and3A_650 = arith.andi %get3A_642, %and3A_649 : vector<16xi32>
    %shift_left3A_651 = arith.constant 4 : i32
    %shift_left3A_652 = vector.broadcast %shift_left3A_651 : i32 to vector<16xi32>
    %shift_left3A_653 = arith.shli %and3A_650, %shift_left3A_652 : vector<16xi32>
    %swap3A_654 = arith.constant 176 : index
    %swap3A_655 = tpu.vector_load %arg13[%swap3A_654] {strides = array<i32>} : memref<512xi32, #tpu.memory_space<vmem>>, vector<16xi32>,
    tpu.vector_store %arg13[%swap3A_654], %shift_left3A_653 {strides = array<i32>} : memref<512xi32, #tpu.memory_space<vmem>>, vector<16xi32>,
    %get3A_656 = arith.constant 192 : index
    %get3A_657 = tpu.vector_load %arg9[%get3A_656] {strides = array<i32>} : memref<512xi32, #tpu.memory_space<vmem>>, vector<16xi32>,
    %shift_right_arithmetic3A_658 = arith.constant 3 : i32
    %shift_right_arithmetic3A_659 = vector.broadcast %shift_right_arithmetic3A_658 : i32 to vector<16xi32>
    %shift_right_arithmetic3A_660 = arith.shrsi %get3A_657, %shift_right_arithmetic3A_659 : vector<16xi32>
    %swap3A_661 = arith.constant 192 : index
    %swap3A_662 = tpu.vector_load %arg11[%swap3A_661] {strides = array<i32>} : memref<512xi32, #tpu.memory_space<vmem>>, vector<16xi32>,
    tpu.vector_store %arg11[%swap3A_661], %shift_right_arithmetic3A_660 {strides = array<i32>} : memref<512xi32, #tpu.memory_space<vmem>>, vector<16xi32>,
    %and3A_663 = arith.constant 7 : i32
    %and3A_664 = vector.broadcast %and3A_663 : i32 to vector<16xi32>
    %and3A_665 = arith.andi %get3A_657, %and3A_664 : vector<16xi32>
    %shift_left3A_666 = arith.constant 4 : i32
    %shift_left3A_667 = vector.broadcast %shift_left3A_666 : i32 to vector<16xi32>
    %shift_left3A_668 = arith.shli %and3A_665, %shift_left3A_667 : vector<16xi32>
    %swap3A_669 = arith.constant 192 : index
    %swap3A_670 = tpu.vector_load %arg13[%swap3A_669] {strides = array<i32>} : memref<512xi32, #tpu.memory_space<vmem>>, vector<16xi32>,
    tpu.vector_store %arg13[%swap3A_669], %shift_left3A_668 {strides = array<i32>} : memref<512xi32, #tpu.memory_space<vmem>>, vector<16xi32>,
    %get3A_671 = arith.constant 208 : index
    %get3A_672 = tpu.vector_load %arg9[%get3A_671] {strides = array<i32>} : memref<512xi32, #tpu.memory_space<vmem>>, vector<16xi32>,
    %shift_right_arithmetic3A_673 = arith.constant 3 : i32
    %shift_right_arithmetic3A_674 = vector.broadcast %shift_right_arithmetic3A_673 : i32 to vector<16xi32>
    %shift_right_arithmetic3A_675 = arith.shrsi %get3A_672, %shift_right_arithmetic3A_674 : vector<16xi32>
    %swap3A_676 = arith.constant 208 : index
    %swap3A_677 = tpu.vector_load %arg11[%swap3A_676] {strides = array<i32>} : memref<512xi32, #tpu.memory_space<vmem>>, vector<16xi32>,
    tpu.vector_store %arg11[%swap3A_676], %shift_right_arithmetic3A_675 {strides = array<i32>} : memref<512xi32, #tpu.memory_space<vmem>>, vector<16xi32>,
    %and3A_678 = arith.constant 7 : i32
    %and3A_679 = vector.broadcast %and3A_678 : i32 to vector<16xi32>
    %and3A_680 = arith.andi %get3A_672, %and3A_679 : vector<16xi32>
    %shift_left3A_681 = arith.constant 4 : i32
    %shift_left3A_682 = vector.broadcast %shift_left3A_681 : i32 to vector<16xi32>
    %shift_left3A_683 = arith.shli %and3A_680, %shift_left3A_682 : vector<16xi32>
    %swap3A_684 = arith.constant 208 : index
    %swap3A_685 = tpu.vector_load %arg13[%swap3A_684] {strides = array<i32>} : memref<512xi32, #tpu.memory_space<vmem>>, vector<16xi32>,
    tpu.vector_store %arg13[%swap3A_684], %shift_left3A_683 {strides = array<i32>} : memref<512xi32, #tpu.memory_space<vmem>>, vector<16xi32>,
    %get3A_686 = arith.constant 224 : index
    %get3A_687 = tpu.vector_load %arg9[%get3A_686] {strides = array<i32>} : memref<512xi32, #tpu.memory_space<vmem>>, vector<16xi32>,
    %shift_right_arithmetic3A_688 = arith.constant 3 : i32
    %shift_right_arithmetic3A_689 = vector.broadcast %shift_right_arithmetic3A_688 : i32 to vector<16xi32>
    %shift_right_arithmetic3A_690 = arith.shrsi %get3A_687, %shift_right_arithmetic3A_689 : vector<16xi32>
    %swap3A_691 = arith.constant 224 : index
    %swap3A_692 = tpu.vector_load %arg11[%swap3A_691] {strides = array<i32>} : memref<512xi32, #tpu.memory_space<vmem>>, vector<16xi32>,
    tpu.vector_store %arg11[%swap3A_691], %shift_right_arithmetic3A_690 {strides = array<i32>} : memref<512xi32, #tpu.memory_space<vmem>>, vector<16xi32>,
    %and3A_693 = arith.constant 7 : i32
    %and3A_694 = vector.broadcast %and3A_693 : i32 to vector<16xi32>
    %and3A_695 = arith.andi %get3A_687, %and3A_694 : vector<16xi32>
    %shift_left3A_696 = arith.constant 4 : i32
    %shift_left3A_697 = vector.broadcast %shift_left3A_696 : i32 to vector<16xi32>
    %shift_left3A_698 = arith.shli %and3A_695, %shift_left3A_697 : vector<16xi32>
    %swap3A_699 = arith.constant 224 : index
    %swap3A_700 = tpu.vector_load %arg13[%swap3A_699] {strides = array<i32>} : memref<512xi32, #tpu.memory_space<vmem>>, vector<16xi32>,
    tpu.vector_store %arg13[%swap3A_699], %shift_left3A_698 {strides = array<i32>} : memref<512xi32, #tpu.memory_space<vmem>>, vector<16xi32>,
    %get3A_701 = arith.constant 240 : index
    %get3A_702 = tpu.vector_load %arg9[%get3A_701] {strides = array<i32>} : memref<512xi32, #tpu.memory_space<vmem>>, vector<16xi32>,
    %shift_right_arithmetic3A_703 = arith.constant 3 : i32
    %shift_right_arithmetic3A_704 = vector.broadcast %shift_right_arithmetic3A_703 : i32 to vector<16xi32>
    %shift_right_arithmetic3A_705 = arith.shrsi %get3A_702, %shift_right_arithmetic3A_704 : vector<16xi32>
    %swap3A_706 = arith.constant 240 : index
    %swap3A_707 = tpu.vector_load %arg11[%swap3A_706] {strides = array<i32>} : memref<512xi32, #tpu.memory_space<vmem>>, vector<16xi32>,
    tpu.vector_store %arg11[%swap3A_706], %shift_right_arithmetic3A_705 {strides = array<i32>} : memref<512xi32, #tpu.memory_space<vmem>>, vector<16xi32>,
    %and3A_708 = arith.constant 7 : i32
    %and3A_709 = vector.broadcast %and3A_708 : i32 to vector<16xi32>
    %and3A_710 = arith.andi %get3A_702, %and3A_709 : vector<16xi32>
    %shift_left3A_711 = arith.constant 4 : i32
    %shift_left3A_712 = vector.broadcast %shift_left3A_711 : i32 to vector<16xi32>
    %shift_left3A_713 = arith.shli %and3A_710, %shift_left3A_712 : vector<16xi32>
    %swap3A_714 = arith.constant 240 : index
    %swap3A_715 = tpu.vector_load %arg13[%swap3A_714] {strides = array<i32>} : memref<512xi32, #tpu.memory_space<vmem>>, vector<16xi32>,
    tpu.vector_store %arg13[%swap3A_714], %shift_left3A_713 {strides = array<i32>} : memref<512xi32, #tpu.memory_space<vmem>>, vector<16xi32>,
    %get3A_716 = arith.constant 256 : index
    %get3A_717 = tpu.vector_load %arg9[%get3A_716] {strides = array<i32>} : memref<512xi32, #tpu.memory_space<vmem>>, vector<16xi32>,
    %shift_right_arithmetic3A_718 = arith.constant 3 : i32
    %shift_right_arithmetic3A_719 = vector.broadcast %shift_right_arithmetic3A_718 : i32 to vector<16xi32>
    %shift_right_arithmetic3A_720 = arith.shrsi %get3A_717, %shift_right_arithmetic3A_719 : vector<16xi32>
    %swap3A_721 = arith.constant 256 : index
    %swap3A_722 = tpu.vector_load %arg11[%swap3A_721] {strides = array<i32>} : memref<512xi32, #tpu.memory_space<vmem>>, vector<16xi32>,
    tpu.vector_store %arg11[%swap3A_721], %shift_right_arithmetic3A_720 {strides = array<i32>} : memref<512xi32, #tpu.memory_space<vmem>>, vector<16xi32>,
    %and3A_723 = arith.constant 7 : i32
    %and3A_724 = vector.broadcast %and3A_723 : i32 to vector<16xi32>
    %and3A_725 = arith.andi %get3A_717, %and3A_724 : vector<16xi32>
    %shift_left3A_726 = arith.constant 4 : i32
    %shift_left3A_727 = vector.broadcast %shift_left3A_726 : i32 to vector<16xi32>
    %shift_left3A_728 = arith.shli %and3A_725, %shift_left3A_727 : vector<16xi32>
    %swap3A_729 = arith.constant 256 : index
    %swap3A_730 = tpu.vector_load %arg13[%swap3A_729] {strides = array<i32>} : memref<512xi32, #tpu.memory_space<vmem>>, vector<16xi32>,
    tpu.vector_store %arg13[%swap3A_729], %shift_left3A_728 {strides = array<i32>} : memref<512xi32, #tpu.memory_space<vmem>>, vector<16xi32>,
    %get3A_731 = arith.constant 272 : index
    %get3A_732 = tpu.vector_load %arg9[%get3A_731] {strides = array<i32>} : memref<512xi32, #tpu.memory_space<vmem>>, vector<16xi32>,
    %shift_right_arithmetic3A_733 = arith.constant 3 : i32
    %shift_right_arithmetic3A_734 = vector.broadcast %shift_right_arithmetic3A_733 : i32 to vector<16xi32>
    %shift_right_arithmetic3A_735 = arith.shrsi %get3A_732, %shift_right_arithmetic3A_734 : vector<16xi32>
    %swap3A_736 = arith.constant 272 : index
    %swap3A_737 = tpu.vector_load %arg11[%swap3A_736] {strides = array<i32>} : memref<512xi32, #tpu.memory_space<vmem>>, vector<16xi32>,
    tpu.vector_store %arg11[%swap3A_736], %shift_right_arithmetic3A_735 {strides = array<i32>} : memref<512xi32, #tpu.memory_space<vmem>>, vector<16xi32>,
    %and3A_738 = arith.constant 7 : i32
    %and3A_739 = vector.broadcast %and3A_738 : i32 to vector<16xi32>
    %and3A_740 = arith.andi %get3A_732, %and3A_739 : vector<16xi32>
    %shift_left3A_741 = arith.constant 4 : i32
    %shift_left3A_742 = vector.broadcast %shift_left3A_741 : i32 to vector<16xi32>
    %shift_left3A_743 = arith.shli %and3A_740, %shift_left3A_742 : vector<16xi32>
    %swap3A_744 = arith.constant 272 : index
    %swap3A_745 = tpu.vector_load %arg13[%swap3A_744] {strides = array<i32>} : memref<512xi32, #tpu.memory_space<vmem>>, vector<16xi32>,
    tpu.vector_store %arg13[%swap3A_744], %shift_left3A_743 {strides = array<i32>} : memref<512xi32, #tpu.memory_space<vmem>>, vector<16xi32>,
    %get3A_746 = arith.constant 288 : index
    %get3A_747 = tpu.vector_load %arg9[%get3A_746] {strides = array<i32>} : memref<512xi32, #tpu.memory_space<vmem>>, vector<16xi32>,
    %shift_right_arithmetic3A_748 = arith.constant 3 : i32
    %shift_right_arithmetic3A_749 = vector.broadcast %shift_right_arithmetic3A_748 : i32 to vector<16xi32>
    %shift_right_arithmetic3A_750 = arith.shrsi %get3A_747, %shift_right_arithmetic3A_749 : vector<16xi32>
    %swap3A_751 = arith.constant 288 : index
    %swap3A_752 = tpu.vector_load %arg11[%swap3A_751] {strides = array<i32>} : memref<512xi32, #tpu.memory_space<vmem>>, vector<16xi32>,
    tpu.vector_store %arg11[%swap3A_751], %shift_right_arithmetic3A_750 {strides = array<i32>} : memref<512xi32, #tpu.memory_space<vmem>>, vector<16xi32>,
    %and3A_753 = arith.constant 7 : i32
    %and3A_754 = vector.broadcast %and3A_753 : i32 to vector<16xi32>
    %and3A_755 = arith.andi %get3A_747, %and3A_754 : vector<16xi32>
    %shift_left3A_756 = arith.constant 4 : i32
    %shift_left3A_757 = vector.broadcast %shift_left3A_756 : i32 to vector<16xi32>
    %shift_left3A_758 = arith.shli %and3A_755, %shift_left3A_757 : vector<16xi32>
    %swap3A_759 = arith.constant 288 : index
    %swap3A_760 = tpu.vector_load %arg13[%swap3A_759] {strides = array<i32>} : memref<512xi32, #tpu.memory_space<vmem>>, vector<16xi32>,
    tpu.vector_store %arg13[%swap3A_759], %shift_left3A_758 {strides = array<i32>} : memref<512xi32, #tpu.memory_space<vmem>>, vector<16xi32>,
    %get3A_761 = arith.constant 304 : index
    %get3A_762 = tpu.vector_load %arg9[%get3A_761] {strides = array<i32>} : memref<512xi32, #tpu.memory_space<vmem>>, vector<16xi32>,
    %shift_right_arithmetic3A_763 = arith.constant 3 : i32
    %shift_right_arithmetic3A_764 = vector.broadcast %shift_right_arithmetic3A_763 : i32 to vector<16xi32>
    %shift_right_arithmetic3A_765 = arith.shrsi %get3A_762, %shift_right_arithmetic3A_764 : vector<16xi32>
    %swap3A_766 = arith.constant 304 : index
    %swap3A_767 = tpu.vector_load %arg11[%swap3A_766] {strides = array<i32>} : memref<512xi32, #tpu.memory_space<vmem>>, vector<16xi32>,
    tpu.vector_store %arg11[%swap3A_766], %shift_right_arithmetic3A_765 {strides = array<i32>} : memref<512xi32, #tpu.memory_space<vmem>>, vector<16xi32>,
    %and3A_768 = arith.constant 7 : i32
    %and3A_769 = vector.broadcast %and3A_768 : i32 to vector<16xi32>
    %and3A_770 = arith.andi %get3A_762, %and3A_769 : vector<16xi32>
    %shift_left3A_771 = arith.constant 4 : i32
    %shift_left3A_772 = vector.broadcast %shift_left3A_771 : i32 to vector<16xi32>
    %shift_left3A_773 = arith.shli %and3A_770, %shift_left3A_772 : vector<16xi32>
    %swap3A_774 = arith.constant 304 : index
    %swap3A_775 = tpu.vector_load %arg13[%swap3A_774] {strides = array<i32>} : memref<512xi32, #tpu.memory_space<vmem>>, vector<16xi32>,
    tpu.vector_store %arg13[%swap3A_774], %shift_left3A_773 {strides = array<i32>} : memref<512xi32, #tpu.memory_space<vmem>>, vector<16xi32>,
    %get3A_776 = arith.constant 320 : index
    %get3A_777 = tpu.vector_load %arg9[%get3A_776] {strides = array<i32>} : memref<512xi32, #tpu.memory_space<vmem>>, vector<16xi32>,
    %shift_right_arithmetic3A_778 = arith.constant 3 : i32
    %shift_right_arithmetic3A_779 = vector.broadcast %shift_right_arithmetic3A_778 : i32 to vector<16xi32>
    %shift_right_arithmetic3A_780 = arith.shrsi %get3A_777, %shift_right_arithmetic3A_779 : vector<16xi32>
    %swap3A_781 = arith.constant 320 : index
    %swap3A_782 = tpu.vector_load %arg11[%swap3A_781] {strides = array<i32>} : memref<512xi32, #tpu.memory_space<vmem>>, vector<16xi32>,
    tpu.vector_store %arg11[%swap3A_781], %shift_right_arithmetic3A_780 {strides = array<i32>} : memref<512xi32, #tpu.memory_space<vmem>>, vector<16xi32>,
    %and3A_783 = arith.constant 7 : i32
    %and3A_784 = vector.broadcast %and3A_783 : i32 to vector<16xi32>
    %and3A_785 = arith.andi %get3A_777, %and3A_784 : vector<16xi32>
    %shift_left3A_786 = arith.constant 4 : i32
    %shift_left3A_787 = vector.broadcast %shift_left3A_786 : i32 to vector<16xi32>
    %shift_left3A_788 = arith.shli %and3A_785, %shift_left3A_787 : vector<16xi32>
    %swap3A_789 = arith.constant 320 : index
    %swap3A_790 = tpu.vector_load %arg13[%swap3A_789] {strides = array<i32>} : memref<512xi32, #tpu.memory_space<vmem>>, vector<16xi32>,
    tpu.vector_store %arg13[%swap3A_789], %shift_left3A_788 {strides = array<i32>} : memref<512xi32, #tpu.memory_space<vmem>>, vector<16xi32>,
    %get3A_791 = arith.constant 336 : index
    %get3A_792 = tpu.vector_load %arg9[%get3A_791] {strides = array<i32>} : memref<512xi32, #tpu.memory_space<vmem>>, vector<16xi32>,
    %shift_right_arithmetic3A_793 = arith.constant 3 : i32
    %shift_right_arithmetic3A_794 = vector.broadcast %shift_right_arithmetic3A_793 : i32 to vector<16xi32>
    %shift_right_arithmetic3A_795 = arith.shrsi %get3A_792, %shift_right_arithmetic3A_794 : vector<16xi32>
    %swap3A_796 = arith.constant 336 : index
    %swap3A_797 = tpu.vector_load %arg11[%swap3A_796] {strides = array<i32>} : memref<512xi32, #tpu.memory_space<vmem>>, vector<16xi32>,
    tpu.vector_store %arg11[%swap3A_796], %shift_right_arithmetic3A_795 {strides = array<i32>} : memref<512xi32, #tpu.memory_space<vmem>>, vector<16xi32>,
    %and3A_798 = arith.constant 7 : i32
    %and3A_799 = vector.broadcast %and3A_798 : i32 to vector<16xi32>
    %and3A_800 = arith.andi %get3A_792, %and3A_799 : vector<16xi32>
    %shift_left3A_801 = arith.constant 4 : i32
    %shift_left3A_802 = vector.broadcast %shift_left3A_801 : i32 to vector<16xi32>
    %shift_left3A_803 = arith.shli %and3A_800, %shift_left3A_802 : vector<16xi32>
    %swap3A_804 = arith.constant 336 : index
    %swap3A_805 = tpu.vector_load %arg13[%swap3A_804] {strides = array<i32>} : memref<512xi32, #tpu.memory_space<vmem>>, vector<16xi32>,
    tpu.vector_store %arg13[%swap3A_804], %shift_left3A_803 {strides = array<i32>} : memref<512xi32, #tpu.memory_space<vmem>>, vector<16xi32>,
    %get3A_806 = arith.constant 352 : index
    %get3A_807 = tpu.vector_load %arg9[%get3A_806] {strides = array<i32>} : memref<512xi32, #tpu.memory_space<vmem>>, vector<16xi32>,
    %shift_right_arithmetic3A_808 = arith.constant 3 : i32
    %shift_right_arithmetic3A_809 = vector.broadcast %shift_right_arithmetic3A_808 : i32 to vector<16xi32>
    %shift_right_arithmetic3A_810 = arith.shrsi %get3A_807, %shift_right_arithmetic3A_809 : vector<16xi32>
    %swap3A_811 = arith.constant 352 : index
    %swap3A_812 = tpu.vector_load %arg11[%swap3A_811] {strides = array<i32>} : memref<512xi32, #tpu.memory_space<vmem>>, vector<16xi32>,
    tpu.vector_store %arg11[%swap3A_811], %shift_right_arithmetic3A_810 {strides = array<i32>} : memref<512xi32, #tpu.memory_space<vmem>>, vector<16xi32>,
    %and3A_813 = arith.constant 7 : i32
    %and3A_814 = vector.broadcast %and3A_813 : i32 to vector<16xi32>
    %and3A_815 = arith.andi %get3A_807, %and3A_814 : vector<16xi32>
    %shift_left3A_816 = arith.constant 4 : i32
    %shift_left3A_817 = vector.broadcast %shift_left3A_816 : i32 to vector<16xi32>
    %shift_left3A_818 = arith.shli %and3A_815, %shift_left3A_817 : vector<16xi32>
    %swap3A_819 = arith.constant 352 : index
    %swap3A_820 = tpu.vector_load %arg13[%swap3A_819] {strides = array<i32>} : memref<512xi32, #tpu.memory_space<vmem>>, vector<16xi32>,
    tpu.vector_store %arg13[%swap3A_819], %shift_left3A_818 {strides = array<i32>} : memref<512xi32, #tpu.memory_space<vmem>>, vector<16xi32>,
    %get3A_821 = arith.constant 368 : index
    %get3A_822 = tpu.vector_load %arg9[%get3A_821] {strides = array<i32>} : memref<512xi32, #tpu.memory_space<vmem>>, vector<16xi32>,
    %shift_right_arithmetic3A_823 = arith.constant 3 : i32
    %shift_right_arithmetic3A_824 = vector.broadcast %shift_right_arithmetic3A_823 : i32 to vector<16xi32>
    %shift_right_arithmetic3A_825 = arith.shrsi %get3A_822, %shift_right_arithmetic3A_824 : vector<16xi32>
    %swap3A_826 = arith.constant 368 : index
    %swap3A_827 = tpu.vector_load %arg11[%swap3A_826] {strides = array<i32>} : memref<512xi32, #tpu.memory_space<vmem>>, vector<16xi32>,
    tpu.vector_store %arg11[%swap3A_826], %shift_right_arithmetic3A_825 {strides = array<i32>} : memref<512xi32, #tpu.memory_space<vmem>>, vector<16xi32>,
    %and3A_828 = arith.constant 7 : i32
    %and3A_829 = vector.broadcast %and3A_828 : i32 to vector<16xi32>
    %and3A_830 = arith.andi %get3A_822, %and3A_829 : vector<16xi32>
    %shift_left3A_831 = arith.constant 4 : i32
    %shift_left3A_832 = vector.broadcast %shift_left3A_831 : i32 to vector<16xi32>
    %shift_left3A_833 = arith.shli %and3A_830, %shift_left3A_832 : vector<16xi32>
    %swap3A_834 = arith.constant 368 : index
    %swap3A_835 = tpu.vector_load %arg13[%swap3A_834] {strides = array<i32>} : memref<512xi32, #tpu.memory_space<vmem>>, vector<16xi32>,
    tpu.vector_store %arg13[%swap3A_834], %shift_left3A_833 {strides = array<i32>} : memref<512xi32, #tpu.memory_space<vmem>>, vector<16xi32>,
    %get3A_836 = arith.constant 384 : index
    %get3A_837 = tpu.vector_load %arg9[%get3A_836] {strides = array<i32>} : memref<512xi32, #tpu.memory_space<vmem>>, vector<16xi32>,
    %shift_right_arithmetic3A_838 = arith.constant 3 : i32
    %shift_right_arithmetic3A_839 = vector.broadcast %shift_right_arithmetic3A_838 : i32 to vector<16xi32>
    %shift_right_arithmetic3A_840 = arith.shrsi %get3A_837, %shift_right_arithmetic3A_839 : vector<16xi32>
    %swap3A_841 = arith.constant 384 : index
    %swap3A_842 = tpu.vector_load %arg11[%swap3A_841] {strides = array<i32>} : memref<512xi32, #tpu.memory_space<vmem>>, vector<16xi32>,
    tpu.vector_store %arg11[%swap3A_841], %shift_right_arithmetic3A_840 {strides = array<i32>} : memref<512xi32, #tpu.memory_space<vmem>>, vector<16xi32>,
    %and3A_843 = arith.constant 7 : i32
    %and3A_844 = vector.broadcast %and3A_843 : i32 to vector<16xi32>
    %and3A_845 = arith.andi %get3A_837, %and3A_844 : vector<16xi32>
    %shift_left3A_846 = arith.constant 4 : i32
    %shift_left3A_847 = vector.broadcast %shift_left3A_846 : i32 to vector<16xi32>
    %shift_left3A_848 = arith.shli %and3A_845, %shift_left3A_847 : vector<16xi32>
    %swap3A_849 = arith.constant 384 : index
    %swap3A_850 = tpu.vector_load %arg13[%swap3A_849] {strides = array<i32>} : memref<512xi32, #tpu.memory_space<vmem>>, vector<16xi32>,
    tpu.vector_store %arg13[%swap3A_849], %shift_left3A_848 {strides = array<i32>} : memref<512xi32, #tpu.memory_space<vmem>>, vector<16xi32>,
    %get3A_851 = arith.constant 400 : index
    %get3A_852 = tpu.vector_load %arg9[%get3A_851] {strides = array<i32>} : memref<512xi32, #tpu.memory_space<vmem>>, vector<16xi32>,
    %shift_right_arithmetic3A_853 = arith.constant 3 : i32
    %shift_right_arithmetic3A_854 = vector.broadcast %shift_right_arithmetic3A_853 : i32 to vector<16xi32>
    %shift_right_arithmetic3A_855 = arith.shrsi %get3A_852, %shift_right_arithmetic3A_854 : vector<16xi32>
    %swap3A_856 = arith.constant 400 : index
    %swap3A_857 = tpu.vector_load %arg11[%swap3A_856] {strides = array<i32>} : memref<512xi32, #tpu.memory_space<vmem>>, vector<16xi32>,
    tpu.vector_store %arg11[%swap3A_856], %shift_right_arithmetic3A_855 {strides = array<i32>} : memref<512xi32, #tpu.memory_space<vmem>>, vector<16xi32>,
    %and3A_858 = arith.constant 7 : i32
    %and3A_859 = vector.broadcast %and3A_858 : i32 to vector<16xi32>
    %and3A_860 = arith.andi %get3A_852, %and3A_859 : vector<16xi32>
    %shift_left3A_861 = arith.constant 4 : i32
    %shift_left3A_862 = vector.broadcast %shift_left3A_861 : i32 to vector<16xi32>
    %shift_left3A_863 = arith.shli %and3A_860, %shift_left3A_862 : vector<16xi32>
    %swap3A_864 = arith.constant 400 : index
    %swap3A_865 = tpu.vector_load %arg13[%swap3A_864] {strides = array<i32>} : memref<512xi32, #tpu.memory_space<vmem>>, vector<16xi32>,
    tpu.vector_store %arg13[%swap3A_864], %shift_left3A_863 {strides = array<i32>} : memref<512xi32, #tpu.memory_space<vmem>>, vector<16xi32>,
    %get3A_866 = arith.constant 416 : index
    %get3A_867 = tpu.vector_load %arg9[%get3A_866] {strides = array<i32>} : memref<512xi32, #tpu.memory_space<vmem>>, vector<16xi32>,
    %shift_right_arithmetic3A_868 = arith.constant 3 : i32
    %shift_right_arithmetic3A_869 = vector.broadcast %shift_right_arithmetic3A_868 : i32 to vector<16xi32>
    %shift_right_arithmetic3A_870 = arith.shrsi %get3A_867, %shift_right_arithmetic3A_869 : vector<16xi32>
    %swap3A_871 = arith.constant 416 : index
    %swap3A_872 = tpu.vector_load %arg11[%swap3A_871] {strides = array<i32>} : memref<512xi32, #tpu.memory_space<vmem>>, vector<16xi32>,
    tpu.vector_store %arg11[%swap3A_871], %shift_right_arithmetic3A_870 {strides = array<i32>} : memref<512xi32, #tpu.memory_space<vmem>>, vector<16xi32>,
    %and3A_873 = arith.constant 7 : i32
    %and3A_874 = vector.broadcast %and3A_873 : i32 to vector<16xi32>
    %and3A_875 = arith.andi %get3A_867, %and3A_874 : vector<16xi32>
    %shift_left3A_876 = arith.constant 4 : i32
    %shift_left3A_877 = vector.broadcast %shift_left3A_876 : i32 to vector<16xi32>
    %shift_left3A_878 = arith.shli %and3A_875, %shift_left3A_877 : vector<16xi32>
    %swap3A_879 = arith.constant 416 : index
    %swap3A_880 = tpu.vector_load %arg13[%swap3A_879] {strides = array<i32>} : memref<512xi32, #tpu.memory_space<vmem>>, vector<16xi32>,
    tpu.vector_store %arg13[%swap3A_879], %shift_left3A_878 {strides = array<i32>} : memref<512xi32, #tpu.memory_space<vmem>>, vector<16xi32>,
    %get3A_881 = arith.constant 432 : index
    %get3A_882 = tpu.vector_load %arg9[%get3A_881] {strides = array<i32>} : memref<512xi32, #tpu.memory_space<vmem>>, vector<16xi32>,
    %shift_right_arithmetic3A_883 = arith.constant 3 : i32
    %shift_right_arithmetic3A_884 = vector.broadcast %shift_right_arithmetic3A_883 : i32 to vector<16xi32>
    %shift_right_arithmetic3A_885 = arith.shrsi %get3A_882, %shift_right_arithmetic3A_884 : vector<16xi32>
    %swap3A_886 = arith.constant 432 : index
    %swap3A_887 = tpu.vector_load %arg11[%swap3A_886] {strides = array<i32>} : memref<512xi32, #tpu.memory_space<vmem>>, vector<16xi32>,
    tpu.vector_store %arg11[%swap3A_886], %shift_right_arithmetic3A_885 {strides = array<i32>} : memref<512xi32, #tpu.memory_space<vmem>>, vector<16xi32>,
    %and3A_888 = arith.constant 7 : i32
    %and3A_889 = vector.broadcast %and3A_888 : i32 to vector<16xi32>
    %and3A_890 = arith.andi %get3A_882, %and3A_889 : vector<16xi32>
    %shift_left3A_891 = arith.constant 4 : i32
    %shift_left3A_892 = vector.broadcast %shift_left3A_891 : i32 to vector<16xi32>
    %shift_left3A_893 = arith.shli %and3A_890, %shift_left3A_892 : vector<16xi32>
    %swap3A_894 = arith.constant 432 : index
    %swap3A_895 = tpu.vector_load %arg13[%swap3A_894] {strides = array<i32>} : memref<512xi32, #tpu.memory_space<vmem>>, vector<16xi32>,
    tpu.vector_store %arg13[%swap3A_894], %shift_left3A_893 {strides = array<i32>} : memref<512xi32, #tpu.memory_space<vmem>>, vector<16xi32>,
    %get3A_896 = arith.constant 448 : index
    %get3A_897 = tpu.vector_load %arg9[%get3A_896] {strides = array<i32>} : memref<512xi32, #tpu.memory_space<vmem>>, vector<16xi32>,
    %shift_right_arithmetic3A_898 = arith.constant 3 : i32
    %shift_right_arithmetic3A_899 = vector.broadcast %shift_right_arithmetic3A_898 : i32 to vector<16xi32>
    %shift_right_arithmetic3A_900 = arith.shrsi %get3A_897, %shift_right_arithmetic3A_899 : vector<16xi32>
    %swap3A_901 = arith.constant 448 : index
    %swap3A_902 = tpu.vector_load %arg11[%swap3A_901] {strides = array<i32>} : memref<512xi32, #tpu.memory_space<vmem>>, vector<16xi32>,
    tpu.vector_store %arg11[%swap3A_901], %shift_right_arithmetic3A_900 {strides = array<i32>} : memref<512xi32, #tpu.memory_space<vmem>>, vector<16xi32>,
    %and3A_903 = arith.constant 7 : i32
    %and3A_904 = vector.broadcast %and3A_903 : i32 to vector<16xi32>
    %and3A_905 = arith.andi %get3A_897, %and3A_904 : vector<16xi32>
    %shift_left3A_906 = arith.constant 4 : i32
    %shift_left3A_907 = vector.broadcast %shift_left3A_906 : i32 to vector<16xi32>
    %shift_left3A_908 = arith.shli %and3A_905, %shift_left3A_907 : vector<16xi32>
    %swap3A_909 = arith.constant 448 : index
    %swap3A_910 = tpu.vector_load %arg13[%swap3A_909] {strides = array<i32>} : memref<512xi32, #tpu.memory_space<vmem>>, vector<16xi32>,
    tpu.vector_store %arg13[%swap3A_909], %shift_left3A_908 {strides = array<i32>} : memref<512xi32, #tpu.memory_space<vmem>>, vector<16xi32>,
    %get3A_911 = arith.constant 464 : index
    %get3A_912 = tpu.vector_load %arg9[%get3A_911] {strides = array<i32>} : memref<512xi32, #tpu.memory_space<vmem>>, vector<16xi32>,
    %shift_right_arithmetic3A_913 = arith.constant 3 : i32
    %shift_right_arithmetic3A_914 = vector.broadcast %shift_right_arithmetic3A_913 : i32 to vector<16xi32>
    %shift_right_arithmetic3A_915 = arith.shrsi %get3A_912, %shift_right_arithmetic3A_914 : vector<16xi32>
    %swap3A_916 = arith.constant 464 : index
    %swap3A_917 = tpu.vector_load %arg11[%swap3A_916] {strides = array<i32>} : memref<512xi32, #tpu.memory_space<vmem>>, vector<16xi32>,
    tpu.vector_store %arg11[%swap3A_916], %shift_right_arithmetic3A_915 {strides = array<i32>} : memref<512xi32, #tpu.memory_space<vmem>>, vector<16xi32>,
    %and3A_918 = arith.constant 7 : i32
    %and3A_919 = vector.broadcast %and3A_918 : i32 to vector<16xi32>
    %and3A_920 = arith.andi %get3A_912, %and3A_919 : vector<16xi32>
    %shift_left3A_921 = arith.constant 4 : i32
    %shift_left3A_922 = vector.broadcast %shift_left3A_921 : i32 to vector<16xi32>
    %shift_left3A_923 = arith.shli %and3A_920, %shift_left3A_922 : vector<16xi32>
    %swap3A_924 = arith.constant 464 : index
    %swap3A_925 = tpu.vector_load %arg13[%swap3A_924] {strides = array<i32>} : memref<512xi32, #tpu.memory_space<vmem>>, vector<16xi32>,
    tpu.vector_store %arg13[%swap3A_924], %shift_left3A_923 {strides = array<i32>} : memref<512xi32, #tpu.memory_space<vmem>>, vector<16xi32>,
    %get3A_926 = arith.constant 480 : index
    %get3A_927 = tpu.vector_load %arg9[%get3A_926] {strides = array<i32>} : memref<512xi32, #tpu.memory_space<vmem>>, vector<16xi32>,
    %shift_right_arithmetic3A_928 = arith.constant 3 : i32
    %shift_right_arithmetic3A_929 = vector.broadcast %shift_right_arithmetic3A_928 : i32 to vector<16xi32>
    %shift_right_arithmetic3A_930 = arith.shrsi %get3A_927, %shift_right_arithmetic3A_929 : vector<16xi32>
    %swap3A_931 = arith.constant 480 : index
    %swap3A_932 = tpu.vector_load %arg11[%swap3A_931] {strides = array<i32>} : memref<512xi32, #tpu.memory_space<vmem>>, vector<16xi32>,
    tpu.vector_store %arg11[%swap3A_931], %shift_right_arithmetic3A_930 {strides = array<i32>} : memref<512xi32, #tpu.memory_space<vmem>>, vector<16xi32>,
    %and3A_933 = arith.constant 7 : i32
    %and3A_934 = vector.broadcast %and3A_933 : i32 to vector<16xi32>
    %and3A_935 = arith.andi %get3A_927, %and3A_934 : vector<16xi32>
    %shift_left3A_936 = arith.constant 4 : i32
    %shift_left3A_937 = vector.broadcast %shift_left3A_936 : i32 to vector<16xi32>
    %shift_left3A_938 = arith.shli %and3A_935, %shift_left3A_937 : vector<16xi32>
    %swap3A_939 = arith.constant 480 : index
    %swap3A_940 = tpu.vector_load %arg13[%swap3A_939] {strides = array<i32>} : memref<512xi32, #tpu.memory_space<vmem>>, vector<16xi32>,
    tpu.vector_store %arg13[%swap3A_939], %shift_left3A_938 {strides = array<i32>} : memref<512xi32, #tpu.memory_space<vmem>>, vector<16xi32>,
    %get3A_941 = arith.constant 496 : index
    %get3A_942 = tpu.vector_load %arg9[%get3A_941] {strides = array<i32>} : memref<512xi32, #tpu.memory_space<vmem>>, vector<16xi32>,
    %shift_right_arithmetic3A_943 = arith.constant 3 : i32
    %shift_right_arithmetic3A_944 = vector.broadcast %shift_right_arithmetic3A_943 : i32 to vector<16xi32>
    %shift_right_arithmetic3A_945 = arith.shrsi %get3A_942, %shift_right_arithmetic3A_944 : vector<16xi32>
    %swap3A_946 = arith.constant 496 : index
    %swap3A_947 = tpu.vector_load %arg11[%swap3A_946] {strides = array<i32>} : memref<512xi32, #tpu.memory_space<vmem>>, vector<16xi32>,
    tpu.vector_store %arg11[%swap3A_946], %shift_right_arithmetic3A_945 {strides = array<i32>} : memref<512xi32, #tpu.memory_space<vmem>>, vector<16xi32>,
    %and3A_948 = arith.constant 7 : i32
    %and3A_949 = vector.broadcast %and3A_948 : i32 to vector<16xi32>
    %and3A_950 = arith.andi %get3A_942, %and3A_949 : vector<16xi32>
    %shift_left3A_951 = arith.constant 4 : i32
    %shift_left3A_952 = vector.broadcast %shift_left3A_951 : i32 to vector<16xi32>
    %shift_left3A_953 = arith.shli %and3A_950, %shift_left3A_952 : vector<16xi32>
    %swap3A_954 = arith.constant 496 : index
    %swap3A_955 = tpu.vector_load %arg13[%swap3A_954] {strides = array<i32>} : memref<512xi32, #tpu.memory_space<vmem>>, vector<16xi32>,
    tpu.vector_store %arg13[%swap3A_954], %shift_left3A_953 {strides = array<i32>} : memref<512xi32, #tpu.memory_space<vmem>>, vector<16xi32>,
    %dma_start3A = arith.constant 0 : i32
    %dma_start3A_956 = arith.constant 0 : i32
    %dma_start3A_957 = arith.constant 0 : i32
    %dma_start3A_958 = tpu.memref_slice %arg14[%dma_start3A, %dma_start3A_956, %dma_start3A_957] : memref<2x256x128xf32, #tpu.memory_space<vmem>> -> memref<1x256x128xf32, #tpu.memory_space<vmem>>
    %dma_start3A_959 = tpu.memref_squeeze %dma_start3A_958 : memref<1x256x128xf32, #tpu.memory_space<vmem>> -> memref<256x128xf32, #tpu.memory_space<vmem>>
    %dma_start3A_960 = arith.constant 0 : i32
    %dma_start3A_961 = tpu.memref_slice %arg10[%dma_start3A_960] : memref<512xi32, #tpu.memory_space<vmem>> -> memref<256xi32, #tpu.memory_space<vmem>>
    %dma_start3A_962 = arith.constant 0 : i32
    %dma_start3A_963 = arith.constant 0 : i32
    %dma_start3A_964 = tpu.memref_slice %arg4[%dma_start3A_962, %dma_start3A_963] : memref<125000x128xf32, #tpu.memory_space<hbm>> -> memref<125000x128xf32, #tpu.memory_space<hbm>>
    tpu.enqueue_indirect_dma source(%dma_start3A_964 : memref<125000x128xf32, #tpu.memory_space<hbm>>) target(%dma_start3A_959 : memref<256x128xf32, #tpu.memory_space<vmem>>) offsets(%dma_start3A_961 : memref<256xi32, #tpu.memory_space<vmem>>) semaphore(%arg17 : memref<!tpu.dma_semaphore, #tpu.memory_space<semaphore_mem>>)
    %dma_start3A_965 = arith.constant 1 : i32
    %dma_start3A_966 = arith.constant 0 : i32
    %dma_start3A_967 = arith.constant 0 : i32
    %dma_start3A_968 = tpu.memref_slice %arg14[%dma_start3A_965, %dma_start3A_966, %dma_start3A_967] : memref<2x256x128xf32, #tpu.memory_space<vmem>> -> memref<1x256x128xf32, #tpu.memory_space<vmem>>
    %dma_start3A_969 = tpu.memref_squeeze %dma_start3A_968 : memref<1x256x128xf32, #tpu.memory_space<vmem>> -> memref<256x128xf32, #tpu.memory_space<vmem>>
    %dma_start3A_970 = arith.constant 256 : i32
    %dma_start3A_971 = tpu.memref_slice %arg10[%dma_start3A_970] : memref<512xi32, #tpu.memory_space<vmem>> -> memref<256xi32, #tpu.memory_space<vmem>>
    %dma_start3A_972 = arith.constant 0 : i32
    %dma_start3A_973 = arith.constant 0 : i32
    %dma_start3A_974 = tpu.memref_slice %arg4[%dma_start3A_972, %dma_start3A_973] : memref<125000x128xf32, #tpu.memory_space<hbm>> -> memref<125000x128xf32, #tpu.memory_space<hbm>>
    tpu.enqueue_indirect_dma source(%dma_start3A_974 : memref<125000x128xf32, #tpu.memory_space<hbm>>) target(%dma_start3A_969 : memref<256x128xf32, #tpu.memory_space<vmem>>) offsets(%dma_start3A_971 : memref<256xi32, #tpu.memory_space<vmem>>) semaphore(%arg17 : memref<!tpu.dma_semaphore, #tpu.memory_space<semaphore_mem>>)
    %dma_wait3A = arith.constant 0 : i32
    %dma_wait3A_975 = arith.constant 0 : i32
    %dma_wait3A_976 = arith.constant 0 : i32
    %dma_wait3A_977 = tpu.memref_slice %arg14[%dma_wait3A, %dma_wait3A_975, %dma_wait3A_976] : memref<2x256x128xf32, #tpu.memory_space<vmem>> -> memref<1x256x128xf32, #tpu.memory_space<vmem>>
    %dma_wait3A_978 = tpu.memref_squeeze %dma_wait3A_977 : memref<1x256x128xf32, #tpu.memory_space<vmem>> -> memref<256x128xf32, #tpu.memory_space<vmem>>
    %dma_wait3A_979 = arith.constant 0 : i32
    %dma_wait3A_980 = tpu.memref_slice %arg10[%dma_wait3A_979] : memref<512xi32, #tpu.memory_space<vmem>> -> memref<256xi32, #tpu.memory_space<vmem>>
    %dma_wait3A_981 = arith.constant 0 : i32
    %dma_wait3A_982 = arith.constant 0 : i32
    %dma_wait3A_983 = tpu.memref_slice %arg4[%dma_wait3A_981, %dma_wait3A_982] : memref<125000x128xf32, #tpu.memory_space<hbm>> -> memref<125000x128xf32, #tpu.memory_space<hbm>>
    tpu.wait_indirect_dma semaphore(%arg17 : memref<!tpu.dma_semaphore, #tpu.memory_space<semaphore_mem>>) src(%dma_wait3A_983 : memref<125000x128xf32, #tpu.memory_space<hbm>>) dst(%dma_wait3A_978 : memref<256x128xf32, #tpu.memory_space<vmem>>)
    %scan3A = arith.constant 0 : i32
    %scan3A_984 = arith.constant 0 : i32
    %scan3A_985 = arith.constant 16 : i32
    %scan3A_986 = arith.addi %scan3A_984, %scan3A_985 : i32
    %scan3A_987 = arith.constant 1 : i32
    scf.for %scan3A_1057 = %scan3A_984 to %scan3A_986 step %scan3A_987  : i32 {
      %iota3A = tpu.iota {dimensions = array<i32: 0>} : vector<16xi32>
      %mul3A_1058 = arith.constant 16 : i32
      %mul3A_1059 = arith.muli %scan3A_1057, %mul3A_1058 : i32
      %add3A_1060 = vector.broadcast %mul3A_1059 : i32 to vector<16xi32>
      %add3A_1061 = arith.addi %iota3A, %add3A_1060 : vector<16xi32>
      %mul3A_1062 = arith.constant 16 : i32
      %mul3A_1063 = arith.muli %scan3A_1057, %mul3A_1062 : i32
      %add3A_1064 = arith.constant 0 : i32
      %add3A_1065 = arith.addi %add3A_1064, %mul3A_1063 : i32
      %get3A_1066 = arith.index_cast %add3A_1065 : i32 to index
      %get3A_1067 = tpu.vector_load %arg12[%get3A_1066] {strides = array<i32>} : memref<512xi32, #tpu.memory_space<vmem>>, vector<16xi32>,
      %add3A_1068 = arith.constant 0 : i32
      %add3A_1069 = vector.broadcast %add3A_1068 : i32 to vector<16xi32>
      %add3A_1070 = arith.addi %get3A_1067, %add3A_1069 : vector<16xi32>
      %gather3A = arith.constant 0 : i32
      %gather3A_1071 = arith.constant 0 : i32
      %gather3A_1072 = arith.constant 0 : i32
      %gather3A_1073 = tpu.memref_slice %arg14[%gather3A, %gather3A_1071, %gather3A_1072] : memref<2x256x128xf32, #tpu.memory_space<vmem>> -> memref<1x256x128xf32, #tpu.memory_space<vmem>>
      %gather3A_1074 = tpu.memref_squeeze %gather3A_1073 : memref<1x256x128xf32, #tpu.memory_space<vmem>> -> memref<256x128xf32, #tpu.memory_space<vmem>>
      %gather3A_1075 = tpu.vector_load_idx %gather3A_1074[%add3A_1061, %add3A_1070] : memref<256x128xf32, #tpu.memory_space<vmem>>[vector<16xi32>, vector<16xi32>], vector<16xf32>,
      %mul3A_1076 = arith.constant 16 : i32
      %mul3A_1077 = arith.muli %scan3A_1057, %mul3A_1076 : i32
      %add3A_1078 = arith.constant 0 : i32
      %add3A_1079 = arith.addi %add3A_1078, %mul3A_1077 : i32
      %swap3A_1080 = arith.index_cast %add3A_1079 : i32 to index
      %swap3A_1081 = tpu.vector_load %arg15[%swap3A_1080] {strides = array<i32>} : memref<8192xf32, #tpu.memory_space<vmem>>, vector<16xf32>,
      tpu.vector_store %arg15[%swap3A_1080], %gather3A_1075 {strides = array<i32>} : memref<8192xf32, #tpu.memory_space<vmem>>, vector<16xf32>,
      %add3A_1082 = arith.constant 1 : i32
      %add3A_1083 = vector.broadcast %add3A_1082 : i32 to vector<16xi32>
      %add3A_1084 = arith.addi %get3A_1067, %add3A_1083 : vector<16xi32>
      %gather3A_1085 = arith.constant 0 : i32
      %gather3A_1086 = arith.constant 0 : i32
      %gather3A_1087 = arith.constant 0 : i32
      %gather3A_1088 = tpu.memref_slice %arg14[%gather3A_1085, %gather3A_1086, %gather3A_1087] : memref<2x256x128xf32, #tpu.memory_space<vmem>> -> memref<1x256x128xf32, #tpu.memory_space<vmem>>
      %gather3A_1089 = tpu.memref_squeeze %gather3A_1088 : memref<1x256x128xf32, #tpu.memory_space<vmem>> -> memref<256x128xf32, #tpu.memory_space<vmem>>
      %gather3A_1090 = tpu.vector_load_idx %gather3A_1089[%add3A_1061, %add3A_1084] : memref<256x128xf32, #tpu.memory_space<vmem>>[vector<16xi32>, vector<16xi32>], vector<16xf32>,
      %mul3A_1091 = arith.constant 16 : i32
      %mul3A_1092 = arith.muli %scan3A_1057, %mul3A_1091 : i32
      %add3A_1093 = arith.constant 512 : i32
      %add3A_1094 = arith.addi %add3A_1093, %mul3A_1092 : i32
      %swap3A_1095 = arith.index_cast %add3A_1094 : i32 to index
      %swap3A_1096 = tpu.vector_load %arg15[%swap3A_1095] {strides = array<i32>} : memref<8192xf32, #tpu.memory_space<vmem>>, vector<16xf32>,
      tpu.vector_store %arg15[%swap3A_1095], %gather3A_1090 {strides = array<i32>} : memref<8192xf32, #tpu.memory_space<vmem>>, vector<16xf32>,
      %add3A_1097 = arith.constant 2 : i32
      %add3A_1098 = vector.broadcast %add3A_1097 : i32 to vector<16xi32>
      %add3A_1099 = arith.addi %get3A_1067, %add3A_1098 : vector<16xi32>
      %gather3A_1100 = arith.constant 0 : i32
      %gather3A_1101 = arith.constant 0 : i32
      %gather3A_1102 = arith.constant 0 : i32
      %gather3A_1103 = tpu.memref_slice %arg14[%gather3A_1100, %gather3A_1101, %gather3A_1102] : memref<2x256x128xf32, #tpu.memory_space<vmem>> -> memref<1x256x128xf32, #tpu.memory_space<vmem>>
      %gather3A_1104 = tpu.memref_squeeze %gather3A_1103 : memref<1x256x128xf32, #tpu.memory_space<vmem>> -> memref<256x128xf32, #tpu.memory_space<vmem>>
      %gather3A_1105 = tpu.vector_load_idx %gather3A_1104[%add3A_1061, %add3A_1099] : memref<256x128xf32, #tpu.memory_space<vmem>>[vector<16xi32>, vector<16xi32>], vector<16xf32>,
      %mul3A_1106 = arith.constant 16 : i32
      %mul3A_1107 = arith.muli %scan3A_1057, %mul3A_1106 : i32
      %add3A_1108 = arith.constant 1024 : i32
      %add3A_1109 = arith.addi %add3A_1108, %mul3A_1107 : i32
      %swap3A_1110 = arith.index_cast %add3A_1109 : i32 to index
      %swap3A_1111 = tpu.vector_load %arg15[%swap3A_1110] {strides = array<i32>} : memref<8192xf32, #tpu.memory_space<vmem>>, vector<16xf32>,
      tpu.vector_store %arg15[%swap3A_1110], %gather3A_1105 {strides = array<i32>} : memref<8192xf32, #tpu.memory_space<vmem>>, vector<16xf32>,
      %add3A_1112 = arith.constant 3 : i32
      %add3A_1113 = vector.broadcast %add3A_1112 : i32 to vector<16xi32>
      %add3A_1114 = arith.addi %get3A_1067, %add3A_1113 : vector<16xi32>
      %gather3A_1115 = arith.constant 0 : i32
      %gather3A_1116 = arith.constant 0 : i32
      %gather3A_1117 = arith.constant 0 : i32
      %gather3A_1118 = tpu.memref_slice %arg14[%gather3A_1115, %gather3A_1116, %gather3A_1117] : memref<2x256x128xf32, #tpu.memory_space<vmem>> -> memref<1x256x128xf32, #tpu.memory_space<vmem>>
      %gather3A_1119 = tpu.memref_squeeze %gather3A_1118 : memref<1x256x128xf32, #tpu.memory_space<vmem>> -> memref<256x128xf32, #tpu.memory_space<vmem>>
      %gather3A_1120 = tpu.vector_load_idx %gather3A_1119[%add3A_1061, %add3A_1114] : memref<256x128xf32, #tpu.memory_space<vmem>>[vector<16xi32>, vector<16xi32>], vector<16xf32>,
      %mul3A_1121 = arith.constant 16 : i32
      %mul3A_1122 = arith.muli %scan3A_1057, %mul3A_1121 : i32
      %add3A_1123 = arith.constant 1536 : i32
      %add3A_1124 = arith.addi %add3A_1123, %mul3A_1122 : i32
      %swap3A_1125 = arith.index_cast %add3A_1124 : i32 to index
      %swap3A_1126 = tpu.vector_load %arg15[%swap3A_1125] {strides = array<i32>} : memref<8192xf32, #tpu.memory_space<vmem>>, vector<16xf32>,
      tpu.vector_store %arg15[%swap3A_1125], %gather3A_1120 {strides = array<i32>} : memref<8192xf32, #tpu.memory_space<vmem>>, vector<16xf32>,
      %add3A_1127 = arith.constant 4 : i32
      %add3A_1128 = vector.broadcast %add3A_1127 : i32 to vector<16xi32>
      %add3A_1129 = arith.addi %get3A_1067, %add3A_1128 : vector<16xi32>
      %gather3A_1130 = arith.constant 0 : i32
      %gather3A_1131 = arith.constant 0 : i32
      %gather3A_1132 = arith.constant 0 : i32
      %gather3A_1133 = tpu.memref_slice %arg14[%gather3A_1130, %gather3A_1131, %gather3A_1132] : memref<2x256x128xf32, #tpu.memory_space<vmem>> -> memref<1x256x128xf32, #tpu.memory_space<vmem>>
      %gather3A_1134 = tpu.memref_squeeze %gather3A_1133 : memref<1x256x128xf32, #tpu.memory_space<vmem>> -> memref<256x128xf32, #tpu.memory_space<vmem>>
      %gather3A_1135 = tpu.vector_load_idx %gather3A_1134[%add3A_1061, %add3A_1129] : memref<256x128xf32, #tpu.memory_space<vmem>>[vector<16xi32>, vector<16xi32>], vector<16xf32>,
      %mul3A_1136 = arith.constant 16 : i32
      %mul3A_1137 = arith.muli %scan3A_1057, %mul3A_1136 : i32
      %add3A_1138 = arith.constant 2048 : i32
      %add3A_1139 = arith.addi %add3A_1138, %mul3A_1137 : i32
      %swap3A_1140 = arith.index_cast %add3A_1139 : i32 to index
      %swap3A_1141 = tpu.vector_load %arg15[%swap3A_1140] {strides = array<i32>} : memref<8192xf32, #tpu.memory_space<vmem>>, vector<16xf32>,
      tpu.vector_store %arg15[%swap3A_1140], %gather3A_1135 {strides = array<i32>} : memref<8192xf32, #tpu.memory_space<vmem>>, vector<16xf32>,
      %add3A_1142 = arith.constant 5 : i32
      %add3A_1143 = vector.broadcast %add3A_1142 : i32 to vector<16xi32>
      %add3A_1144 = arith.addi %get3A_1067, %add3A_1143 : vector<16xi32>
      %gather3A_1145 = arith.constant 0 : i32
      %gather3A_1146 = arith.constant 0 : i32
      %gather3A_1147 = arith.constant 0 : i32
      %gather3A_1148 = tpu.memref_slice %arg14[%gather3A_1145, %gather3A_1146, %gather3A_1147] : memref<2x256x128xf32, #tpu.memory_space<vmem>> -> memref<1x256x128xf32, #tpu.memory_space<vmem>>
      %gather3A_1149 = tpu.memref_squeeze %gather3A_1148 : memref<1x256x128xf32, #tpu.memory_space<vmem>> -> memref<256x128xf32, #tpu.memory_space<vmem>>
      %gather3A_1150 = tpu.vector_load_idx %gather3A_1149[%add3A_1061, %add3A_1144] : memref<256x128xf32, #tpu.memory_space<vmem>>[vector<16xi32>, vector<16xi32>], vector<16xf32>,
      %mul3A_1151 = arith.constant 16 : i32
      %mul3A_1152 = arith.muli %scan3A_1057, %mul3A_1151 : i32
      %add3A_1153 = arith.constant 2560 : i32
      %add3A_1154 = arith.addi %add3A_1153, %mul3A_1152 : i32
      %swap3A_1155 = arith.index_cast %add3A_1154 : i32 to index
      %swap3A_1156 = tpu.vector_load %arg15[%swap3A_1155] {strides = array<i32>} : memref<8192xf32, #tpu.memory_space<vmem>>, vector<16xf32>,
      tpu.vector_store %arg15[%swap3A_1155], %gather3A_1150 {strides = array<i32>} : memref<8192xf32, #tpu.memory_space<vmem>>, vector<16xf32>,
      %add3A_1157 = arith.constant 6 : i32
      %add3A_1158 = vector.broadcast %add3A_1157 : i32 to vector<16xi32>
      %add3A_1159 = arith.addi %get3A_1067, %add3A_1158 : vector<16xi32>
      %gather3A_1160 = arith.constant 0 : i32
      %gather3A_1161 = arith.constant 0 : i32
      %gather3A_1162 = arith.constant 0 : i32
      %gather3A_1163 = tpu.memref_slice %arg14[%gather3A_1160, %gather3A_1161, %gather3A_1162] : memref<2x256x128xf32, #tpu.memory_space<vmem>> -> memref<1x256x128xf32, #tpu.memory_space<vmem>>
      %gather3A_1164 = tpu.memref_squeeze %gather3A_1163 : memref<1x256x128xf32, #tpu.memory_space<vmem>> -> memref<256x128xf32, #tpu.memory_space<vmem>>
      %gather3A_1165 = tpu.vector_load_idx %gather3A_1164[%add3A_1061, %add3A_1159] : memref<256x128xf32, #tpu.memory_space<vmem>>[vector<16xi32>, vector<16xi32>], vector<16xf32>,
      %mul3A_1166 = arith.constant 16 : i32
      %mul3A_1167 = arith.muli %scan3A_1057, %mul3A_1166 : i32
      %add3A_1168 = arith.constant 3072 : i32
      %add3A_1169 = arith.addi %add3A_1168, %mul3A_1167 : i32
      %swap3A_1170 = arith.index_cast %add3A_1169 : i32 to index
      %swap3A_1171 = tpu.vector_load %arg15[%swap3A_1170] {strides = array<i32>} : memref<8192xf32, #tpu.memory_space<vmem>>, vector<16xf32>,
      tpu.vector_store %arg15[%swap3A_1170], %gather3A_1165 {strides = array<i32>} : memref<8192xf32, #tpu.memory_space<vmem>>, vector<16xf32>,
      %add3A_1172 = arith.constant 7 : i32
      %add3A_1173 = vector.broadcast %add3A_1172 : i32 to vector<16xi32>
      %add3A_1174 = arith.addi %get3A_1067, %add3A_1173 : vector<16xi32>
      %gather3A_1175 = arith.constant 0 : i32
      %gather3A_1176 = arith.constant 0 : i32
      %gather3A_1177 = arith.constant 0 : i32
      %gather3A_1178 = tpu.memref_slice %arg14[%gather3A_1175, %gather3A_1176, %gather3A_1177] : memref<2x256x128xf32, #tpu.memory_space<vmem>> -> memref<1x256x128xf32, #tpu.memory_space<vmem>>
      %gather3A_1179 = tpu.memref_squeeze %gather3A_1178 : memref<1x256x128xf32, #tpu.memory_space<vmem>> -> memref<256x128xf32, #tpu.memory_space<vmem>>
      %gather3A_1180 = tpu.vector_load_idx %gather3A_1179[%add3A_1061, %add3A_1174] : memref<256x128xf32, #tpu.memory_space<vmem>>[vector<16xi32>, vector<16xi32>], vector<16xf32>,
      %mul3A_1181 = arith.constant 16 : i32
      %mul3A_1182 = arith.muli %scan3A_1057, %mul3A_1181 : i32
      %add3A_1183 = arith.constant 3584 : i32
      %add3A_1184 = arith.addi %add3A_1183, %mul3A_1182 : i32
      %swap3A_1185 = arith.index_cast %add3A_1184 : i32 to index
      %swap3A_1186 = tpu.vector_load %arg15[%swap3A_1185] {strides = array<i32>} : memref<8192xf32, #tpu.memory_space<vmem>>, vector<16xf32>,
      tpu.vector_store %arg15[%swap3A_1185], %gather3A_1180 {strides = array<i32>} : memref<8192xf32, #tpu.memory_space<vmem>>, vector<16xf32>,
      %add3A_1187 = arith.constant 8 : i32
      %add3A_1188 = vector.broadcast %add3A_1187 : i32 to vector<16xi32>
      %add3A_1189 = arith.addi %get3A_1067, %add3A_1188 : vector<16xi32>
      %gather3A_1190 = arith.constant 0 : i32
      %gather3A_1191 = arith.constant 0 : i32
      %gather3A_1192 = arith.constant 0 : i32
      %gather3A_1193 = tpu.memref_slice %arg14[%gather3A_1190, %gather3A_1191, %gather3A_1192] : memref<2x256x128xf32, #tpu.memory_space<vmem>> -> memref<1x256x128xf32, #tpu.memory_space<vmem>>
      %gather3A_1194 = tpu.memref_squeeze %gather3A_1193 : memref<1x256x128xf32, #tpu.memory_space<vmem>> -> memref<256x128xf32, #tpu.memory_space<vmem>>
      %gather3A_1195 = tpu.vector_load_idx %gather3A_1194[%add3A_1061, %add3A_1189] : memref<256x128xf32, #tpu.memory_space<vmem>>[vector<16xi32>, vector<16xi32>], vector<16xf32>,
      %mul3A_1196 = arith.constant 16 : i32
      %mul3A_1197 = arith.muli %scan3A_1057, %mul3A_1196 : i32
      %add3A_1198 = arith.constant 4096 : i32
      %add3A_1199 = arith.addi %add3A_1198, %mul3A_1197 : i32
      %swap3A_1200 = arith.index_cast %add3A_1199 : i32 to index
      %swap3A_1201 = tpu.vector_load %arg15[%swap3A_1200] {strides = array<i32>} : memref<8192xf32, #tpu.memory_space<vmem>>, vector<16xf32>,
      tpu.vector_store %arg15[%swap3A_1200], %gather3A_1195 {strides = array<i32>} : memref<8192xf32, #tpu.memory_space<vmem>>, vector<16xf32>,
      %add3A_1202 = arith.constant 9 : i32
      %add3A_1203 = vector.broadcast %add3A_1202 : i32 to vector<16xi32>
      %add3A_1204 = arith.addi %get3A_1067, %add3A_1203 : vector<16xi32>
      %gather3A_1205 = arith.constant 0 : i32
      %gather3A_1206 = arith.constant 0 : i32
      %gather3A_1207 = arith.constant 0 : i32
      %gather3A_1208 = tpu.memref_slice %arg14[%gather3A_1205, %gather3A_1206, %gather3A_1207] : memref<2x256x128xf32, #tpu.memory_space<vmem>> -> memref<1x256x128xf32, #tpu.memory_space<vmem>>
      %gather3A_1209 = tpu.memref_squeeze %gather3A_1208 : memref<1x256x128xf32, #tpu.memory_space<vmem>> -> memref<256x128xf32, #tpu.memory_space<vmem>>
      %gather3A_1210 = tpu.vector_load_idx %gather3A_1209[%add3A_1061, %add3A_1204] : memref<256x128xf32, #tpu.memory_space<vmem>>[vector<16xi32>, vector<16xi32>], vector<16xf32>,
      %mul3A_1211 = arith.constant 16 : i32
      %mul3A_1212 = arith.muli %scan3A_1057, %mul3A_1211 : i32
      %add3A_1213 = arith.constant 4608 : i32
      %add3A_1214 = arith.addi %add3A_1213, %mul3A_1212 : i32
      %swap3A_1215 = arith.index_cast %add3A_1214 : i32 to index
      %swap3A_1216 = tpu.vector_load %arg15[%swap3A_1215] {strides = array<i32>} : memref<8192xf32, #tpu.memory_space<vmem>>, vector<16xf32>,
      tpu.vector_store %arg15[%swap3A_1215], %gather3A_1210 {strides = array<i32>} : memref<8192xf32, #tpu.memory_space<vmem>>, vector<16xf32>,
      %add3A_1217 = arith.constant 10 : i32
      %add3A_1218 = vector.broadcast %add3A_1217 : i32 to vector<16xi32>
      %add3A_1219 = arith.addi %get3A_1067, %add3A_1218 : vector<16xi32>
      %gather3A_1220 = arith.constant 0 : i32
      %gather3A_1221 = arith.constant 0 : i32
      %gather3A_1222 = arith.constant 0 : i32
      %gather3A_1223 = tpu.memref_slice %arg14[%gather3A_1220, %gather3A_1221, %gather3A_1222] : memref<2x256x128xf32, #tpu.memory_space<vmem>> -> memref<1x256x128xf32, #tpu.memory_space<vmem>>
      %gather3A_1224 = tpu.memref_squeeze %gather3A_1223 : memref<1x256x128xf32, #tpu.memory_space<vmem>> -> memref<256x128xf32, #tpu.memory_space<vmem>>
      %gather3A_1225 = tpu.vector_load_idx %gather3A_1224[%add3A_1061, %add3A_1219] : memref<256x128xf32, #tpu.memory_space<vmem>>[vector<16xi32>, vector<16xi32>], vector<16xf32>,
      %mul3A_1226 = arith.constant 16 : i32
      %mul3A_1227 = arith.muli %scan3A_1057, %mul3A_1226 : i32
      %add3A_1228 = arith.constant 5120 : i32
      %add3A_1229 = arith.addi %add3A_1228, %mul3A_1227 : i32
      %swap3A_1230 = arith.index_cast %add3A_1229 : i32 to index
      %swap3A_1231 = tpu.vector_load %arg15[%swap3A_1230] {strides = array<i32>} : memref<8192xf32, #tpu.memory_space<vmem>>, vector<16xf32>,
      tpu.vector_store %arg15[%swap3A_1230], %gather3A_1225 {strides = array<i32>} : memref<8192xf32, #tpu.memory_space<vmem>>, vector<16xf32>,
      %add3A_1232 = arith.constant 11 : i32
      %add3A_1233 = vector.broadcast %add3A_1232 : i32 to vector<16xi32>
      %add3A_1234 = arith.addi %get3A_1067, %add3A_1233 : vector<16xi32>
      %gather3A_1235 = arith.constant 0 : i32
      %gather3A_1236 = arith.constant 0 : i32
      %gather3A_1237 = arith.constant 0 : i32
      %gather3A_1238 = tpu.memref_slice %arg14[%gather3A_1235, %gather3A_1236, %gather3A_1237] : memref<2x256x128xf32, #tpu.memory_space<vmem>> -> memref<1x256x128xf32, #tpu.memory_space<vmem>>
      %gather3A_1239 = tpu.memref_squeeze %gather3A_1238 : memref<1x256x128xf32, #tpu.memory_space<vmem>> -> memref<256x128xf32, #tpu.memory_space<vmem>>
      %gather3A_1240 = tpu.vector_load_idx %gather3A_1239[%add3A_1061, %add3A_1234] : memref<256x128xf32, #tpu.memory_space<vmem>>[vector<16xi32>, vector<16xi32>], vector<16xf32>,
      %mul3A_1241 = arith.constant 16 : i32
      %mul3A_1242 = arith.muli %scan3A_1057, %mul3A_1241 : i32
      %add3A_1243 = arith.constant 5632 : i32
      %add3A_1244 = arith.addi %add3A_1243, %mul3A_1242 : i32
      %swap3A_1245 = arith.index_cast %add3A_1244 : i32 to index
      %swap3A_1246 = tpu.vector_load %arg15[%swap3A_1245] {strides = array<i32>} : memref<8192xf32, #tpu.memory_space<vmem>>, vector<16xf32>,
      tpu.vector_store %arg15[%swap3A_1245], %gather3A_1240 {strides = array<i32>} : memref<8192xf32, #tpu.memory_space<vmem>>, vector<16xf32>,
      %add3A_1247 = arith.constant 12 : i32
      %add3A_1248 = vector.broadcast %add3A_1247 : i32 to vector<16xi32>
      %add3A_1249 = arith.addi %get3A_1067, %add3A_1248 : vector<16xi32>
      %gather3A_1250 = arith.constant 0 : i32
      %gather3A_1251 = arith.constant 0 : i32
      %gather3A_1252 = arith.constant 0 : i32
      %gather3A_1253 = tpu.memref_slice %arg14[%gather3A_1250, %gather3A_1251, %gather3A_1252] : memref<2x256x128xf32, #tpu.memory_space<vmem>> -> memref<1x256x128xf32, #tpu.memory_space<vmem>>
      %gather3A_1254 = tpu.memref_squeeze %gather3A_1253 : memref<1x256x128xf32, #tpu.memory_space<vmem>> -> memref<256x128xf32, #tpu.memory_space<vmem>>
      %gather3A_1255 = tpu.vector_load_idx %gather3A_1254[%add3A_1061, %add3A_1249] : memref<256x128xf32, #tpu.memory_space<vmem>>[vector<16xi32>, vector<16xi32>], vector<16xf32>,
      %mul3A_1256 = arith.constant 16 : i32
      %mul3A_1257 = arith.muli %scan3A_1057, %mul3A_1256 : i32
      %add3A_1258 = arith.constant 6144 : i32
      %add3A_1259 = arith.addi %add3A_1258, %mul3A_1257 : i32
      %swap3A_1260 = arith.index_cast %add3A_1259 : i32 to index
      %swap3A_1261 = tpu.vector_load %arg15[%swap3A_1260] {strides = array<i32>} : memref<8192xf32, #tpu.memory_space<vmem>>, vector<16xf32>,
      tpu.vector_store %arg15[%swap3A_1260], %gather3A_1255 {strides = array<i32>} : memref<8192xf32, #tpu.memory_space<vmem>>, vector<16xf32>,
      %add3A_1262 = arith.constant 13 : i32
      %add3A_1263 = vector.broadcast %add3A_1262 : i32 to vector<16xi32>
      %add3A_1264 = arith.addi %get3A_1067, %add3A_1263 : vector<16xi32>
      %gather3A_1265 = arith.constant 0 : i32
      %gather3A_1266 = arith.constant 0 : i32
      %gather3A_1267 = arith.constant 0 : i32
      %gather3A_1268 = tpu.memref_slice %arg14[%gather3A_1265, %gather3A_1266, %gather3A_1267] : memref<2x256x128xf32, #tpu.memory_space<vmem>> -> memref<1x256x128xf32, #tpu.memory_space<vmem>>
      %gather3A_1269 = tpu.memref_squeeze %gather3A_1268 : memref<1x256x128xf32, #tpu.memory_space<vmem>> -> memref<256x128xf32, #tpu.memory_space<vmem>>
      %gather3A_1270 = tpu.vector_load_idx %gather3A_1269[%add3A_1061, %add3A_1264] : memref<256x128xf32, #tpu.memory_space<vmem>>[vector<16xi32>, vector<16xi32>], vector<16xf32>,
      %mul3A_1271 = arith.constant 16 : i32
      %mul3A_1272 = arith.muli %scan3A_1057, %mul3A_1271 : i32
      %add3A_1273 = arith.constant 6656 : i32
      %add3A_1274 = arith.addi %add3A_1273, %mul3A_1272 : i32
      %swap3A_1275 = arith.index_cast %add3A_1274 : i32 to index
      %swap3A_1276 = tpu.vector_load %arg15[%swap3A_1275] {strides = array<i32>} : memref<8192xf32, #tpu.memory_space<vmem>>, vector<16xf32>,
      tpu.vector_store %arg15[%swap3A_1275], %gather3A_1270 {strides = array<i32>} : memref<8192xf32, #tpu.memory_space<vmem>>, vector<16xf32>,
      %add3A_1277 = arith.constant 14 : i32
      %add3A_1278 = vector.broadcast %add3A_1277 : i32 to vector<16xi32>
      %add3A_1279 = arith.addi %get3A_1067, %add3A_1278 : vector<16xi32>
      %gather3A_1280 = arith.constant 0 : i32
      %gather3A_1281 = arith.constant 0 : i32
      %gather3A_1282 = arith.constant 0 : i32
      %gather3A_1283 = tpu.memref_slice %arg14[%gather3A_1280, %gather3A_1281, %gather3A_1282] : memref<2x256x128xf32, #tpu.memory_space<vmem>> -> memref<1x256x128xf32, #tpu.memory_space<vmem>>
      %gather3A_1284 = tpu.memref_squeeze %gather3A_1283 : memref<1x256x128xf32, #tpu.memory_space<vmem>> -> memref<256x128xf32, #tpu.memory_space<vmem>>
      %gather3A_1285 = tpu.vector_load_idx %gather3A_1284[%add3A_1061, %add3A_1279] : memref<256x128xf32, #tpu.memory_space<vmem>>[vector<16xi32>, vector<16xi32>], vector<16xf32>,
      %mul3A_1286 = arith.constant 16 : i32
      %mul3A_1287 = arith.muli %scan3A_1057, %mul3A_1286 : i32
      %add3A_1288 = arith.constant 7168 : i32
      %add3A_1289 = arith.addi %add3A_1288, %mul3A_1287 : i32
      %swap3A_1290 = arith.index_cast %add3A_1289 : i32 to index
      %swap3A_1291 = tpu.vector_load %arg15[%swap3A_1290] {strides = array<i32>} : memref<8192xf32, #tpu.memory_space<vmem>>, vector<16xf32>,
      tpu.vector_store %arg15[%swap3A_1290], %gather3A_1285 {strides = array<i32>} : memref<8192xf32, #tpu.memory_space<vmem>>, vector<16xf32>,
      %add3A_1292 = arith.constant 15 : i32
      %add3A_1293 = vector.broadcast %add3A_1292 : i32 to vector<16xi32>
      %add3A_1294 = arith.addi %get3A_1067, %add3A_1293 : vector<16xi32>
      %gather3A_1295 = arith.constant 0 : i32
      %gather3A_1296 = arith.constant 0 : i32
      %gather3A_1297 = arith.constant 0 : i32
      %gather3A_1298 = tpu.memref_slice %arg14[%gather3A_1295, %gather3A_1296, %gather3A_1297] : memref<2x256x128xf32, #tpu.memory_space<vmem>> -> memref<1x256x128xf32, #tpu.memory_space<vmem>>
      %gather3A_1299 = tpu.memref_squeeze %gather3A_1298 : memref<1x256x128xf32, #tpu.memory_space<vmem>> -> memref<256x128xf32, #tpu.memory_space<vmem>>
      %gather3A_1300 = tpu.vector_load_idx %gather3A_1299[%add3A_1061, %add3A_1294] : memref<256x128xf32, #tpu.memory_space<vmem>>[vector<16xi32>, vector<16xi32>], vector<16xf32>,
      %mul3A_1301 = arith.constant 16 : i32
      %mul3A_1302 = arith.muli %scan3A_1057, %mul3A_1301 : i32
      %add3A_1303 = arith.constant 7680 : i32
      %add3A_1304 = arith.addi %add3A_1303, %mul3A_1302 : i32
      %swap3A_1305 = arith.index_cast %add3A_1304 : i32 to index
      %swap3A_1306 = tpu.vector_load %arg15[%swap3A_1305] {strides = array<i32>} : memref<8192xf32, #tpu.memory_space<vmem>>, vector<16xf32>,
      tpu.vector_store %arg15[%swap3A_1305], %gather3A_1300 {strides = array<i32>} : memref<8192xf32, #tpu.memory_space<vmem>>, vector<16xf32>,
    }
    %scan3A_988 = arith.constant 16 : i32
    %dma_start3A_989 = arith.constant 0 : i32
    %dma_start3A_990 = arith.constant 0 : i32
    %dma_start3A_991 = arith.constant 0 : i32
    %dma_start3A_992 = tpu.memref_slice %arg14[%dma_start3A_989, %dma_start3A_990, %dma_start3A_991] : memref<2x256x128xf32, #tpu.memory_space<vmem>> -> memref<1x256x128xf32, #tpu.memory_space<vmem>>
    %dma_start3A_993 = tpu.memref_squeeze %dma_start3A_992 : memref<1x256x128xf32, #tpu.memory_space<vmem>> -> memref<256x128xf32, #tpu.memory_space<vmem>>
    %dma_start3A_994 = arith.constant 0 : i32
    %dma_start3A_995 = tpu.memref_slice %arg11[%dma_start3A_994] : memref<512xi32, #tpu.memory_space<vmem>> -> memref<256xi32, #tpu.memory_space<vmem>>
    %dma_start3A_996 = arith.constant 0 : i32
    %dma_start3A_997 = arith.constant 0 : i32
    %dma_start3A_998 = tpu.memref_slice %arg5[%dma_start3A_996, %dma_start3A_997] : memref<125000x128xf32, #tpu.memory_space<hbm>> -> memref<125000x128xf32, #tpu.memory_space<hbm>>
    tpu.enqueue_indirect_dma source(%dma_start3A_998 : memref<125000x128xf32, #tpu.memory_space<hbm>>) target(%dma_start3A_993 : memref<256x128xf32, #tpu.memory_space<vmem>>) offsets(%dma_start3A_995 : memref<256xi32, #tpu.memory_space<vmem>>) semaphore(%arg17 : memref<!tpu.dma_semaphore, #tpu.memory_space<semaphore_mem>>)
    %dma_wait3A_999 = arith.constant 1 : i32
    %dma_wait3A_1000 = arith.constant 0 : i32
    %dma_wait3A_1001 = arith.constant 0 : i32
    %dma_wait3A_1002 = tpu.memref_slice %arg14[%dma_wait3A_999, %dma_wait3A_1000, %dma_wait3A_1001] : memref<2x256x128xf32, #tpu.memory_space<vmem>> -> memref<1x256x128xf32, #tpu.memory_space<vmem>>
    %dma_wait3A_1003 = tpu.memref_squeeze %dma_wait3A_1002 : memref<1x256x128xf32, #tpu.memory_space<vmem>> -> memref<256x128xf32, #tpu.memory_space<vmem>>
    %dma_wait3A_1004 = arith.constant 256 : i32
    %dma_wait3A_1005 = tpu.memref_slice %arg10[%dma_wait3A_1004] : memref<512xi32, #tpu.memory_space<vmem>> -> memref<256xi32, #tpu.memory_space<vmem>>
    %dma_wait3A_1006 = arith.constant 0 : i32
    %dma_wait3A_1007 = arith.constant 0 : i32
    %dma_wait3A_1008 = tpu.memref_slice %arg4[%dma_wait3A_1006, %dma_wait3A_1007] : memref<125000x128xf32, #tpu.memory_space<hbm>> -> memref<125000x128xf32, #tpu.memory_space<hbm>>
    tpu.wait_indirect_dma semaphore(%arg17 : memref<!tpu.dma_semaphore, #tpu.memory_space<semaphore_mem>>) src(%dma_wait3A_1008 : memref<125000x128xf32, #tpu.memory_space<hbm>>) dst(%dma_wait3A_1003 : memref<256x128xf32, #tpu.memory_space<vmem>>)
    %scan3A_1009 = arith.constant 0 : i32
    %scan3A_1010 = arith.constant 0 : i32
    %scan3A_1011 = arith.constant 16 : i32
    %scan3A_1012 = arith.addi %scan3A_1010, %scan3A_1011 : i32
    %scan3A_1013 = arith.constant 1 : i32
    scf.for %scan3A_1057 = %scan3A_1010 to %scan3A_1012 step %scan3A_1013  : i32 {
      %iota3A = tpu.iota {dimensions = array<i32: 0>} : vector<16xi32>
      %mul3A_1058 = arith.constant 16 : i32
      %mul3A_1059 = arith.muli %scan3A_1057, %mul3A_1058 : i32
      %add3A_1060 = vector.broadcast %mul3A_1059 : i32 to vector<16xi32>
      %add3A_1061 = arith.addi %iota3A, %add3A_1060 : vector<16xi32>
      %mul3A_1062 = arith.constant 16 : i32
      %mul3A_1063 = arith.muli %scan3A_1057, %mul3A_1062 : i32
      %add3A_1064 = arith.constant 256 : i32
      %add3A_1065 = arith.addi %add3A_1064, %mul3A_1063 : i32
      %get3A_1066 = arith.index_cast %add3A_1065 : i32 to index
      %get3A_1067 = tpu.vector_load %arg12[%get3A_1066] {strides = array<i32>} : memref<512xi32, #tpu.memory_space<vmem>>, vector<16xi32>,
      %add3A_1068 = arith.constant 0 : i32
      %add3A_1069 = vector.broadcast %add3A_1068 : i32 to vector<16xi32>
      %add3A_1070 = arith.addi %get3A_1067, %add3A_1069 : vector<16xi32>
      %gather3A = arith.constant 1 : i32
      %gather3A_1071 = arith.constant 0 : i32
      %gather3A_1072 = arith.constant 0 : i32
      %gather3A_1073 = tpu.memref_slice %arg14[%gather3A, %gather3A_1071, %gather3A_1072] : memref<2x256x128xf32, #tpu.memory_space<vmem>> -> memref<1x256x128xf32, #tpu.memory_space<vmem>>
      %gather3A_1074 = tpu.memref_squeeze %gather3A_1073 : memref<1x256x128xf32, #tpu.memory_space<vmem>> -> memref<256x128xf32, #tpu.memory_space<vmem>>
      %gather3A_1075 = tpu.vector_load_idx %gather3A_1074[%add3A_1061, %add3A_1070] : memref<256x128xf32, #tpu.memory_space<vmem>>[vector<16xi32>, vector<16xi32>], vector<16xf32>,
      %mul3A_1076 = arith.constant 16 : i32
      %mul3A_1077 = arith.muli %scan3A_1057, %mul3A_1076 : i32
      %add3A_1078 = arith.constant 256 : i32
      %add3A_1079 = arith.addi %add3A_1078, %mul3A_1077 : i32
      %swap3A_1080 = arith.index_cast %add3A_1079 : i32 to index
      %swap3A_1081 = tpu.vector_load %arg15[%swap3A_1080] {strides = array<i32>} : memref<8192xf32, #tpu.memory_space<vmem>>, vector<16xf32>,
      tpu.vector_store %arg15[%swap3A_1080], %gather3A_1075 {strides = array<i32>} : memref<8192xf32, #tpu.memory_space<vmem>>, vector<16xf32>,
      %add3A_1082 = arith.constant 1 : i32
      %add3A_1083 = vector.broadcast %add3A_1082 : i32 to vector<16xi32>
      %add3A_1084 = arith.addi %get3A_1067, %add3A_1083 : vector<16xi32>
      %gather3A_1085 = arith.constant 1 : i32
      %gather3A_1086 = arith.constant 0 : i32
      %gather3A_1087 = arith.constant 0 : i32
      %gather3A_1088 = tpu.memref_slice %arg14[%gather3A_1085, %gather3A_1086, %gather3A_1087] : memref<2x256x128xf32, #tpu.memory_space<vmem>> -> memref<1x256x128xf32, #tpu.memory_space<vmem>>
      %gather3A_1089 = tpu.memref_squeeze %gather3A_1088 : memref<1x256x128xf32, #tpu.memory_space<vmem>> -> memref<256x128xf32, #tpu.memory_space<vmem>>
      %gather3A_1090 = tpu.vector_load_idx %gather3A_1089[%add3A_1061, %add3A_1084] : memref<256x128xf32, #tpu.memory_space<vmem>>[vector<16xi32>, vector<16xi32>], vector<16xf32>,
      %mul3A_1091 = arith.constant 16 : i32
      %mul3A_1092 = arith.muli %scan3A_1057, %mul3A_1091 : i32
      %add3A_1093 = arith.constant 768 : i32
      %add3A_1094 = arith.addi %add3A_1093, %mul3A_1092 : i32
      %swap3A_1095 = arith.index_cast %add3A_1094 : i32 to index
      %swap3A_1096 = tpu.vector_load %arg15[%swap3A_1095] {strides = array<i32>} : memref<8192xf32, #tpu.memory_space<vmem>>, vector<16xf32>,
      tpu.vector_store %arg15[%swap3A_1095], %gather3A_1090 {strides = array<i32>} : memref<8192xf32, #tpu.memory_space<vmem>>, vector<16xf32>,
      %add3A_1097 = arith.constant 2 : i32
      %add3A_1098 = vector.broadcast %add3A_1097 : i32 to vector<16xi32>
      %add3A_1099 = arith.addi %get3A_1067, %add3A_1098 : vector<16xi32>
      %gather3A_1100 = arith.constant 1 : i32
      %gather3A_1101 = arith.constant 0 : i32
      %gather3A_1102 = arith.constant 0 : i32
      %gather3A_1103 = tpu.memref_slice %arg14[%gather3A_1100, %gather3A_1101, %gather3A_1102] : memref<2x256x128xf32, #tpu.memory_space<vmem>> -> memref<1x256x128xf32, #tpu.memory_space<vmem>>
      %gather3A_1104 = tpu.memref_squeeze %gather3A_1103 : memref<1x256x128xf32, #tpu.memory_space<vmem>> -> memref<256x128xf32, #tpu.memory_space<vmem>>
      %gather3A_1105 = tpu.vector_load_idx %gather3A_1104[%add3A_1061, %add3A_1099] : memref<256x128xf32, #tpu.memory_space<vmem>>[vector<16xi32>, vector<16xi32>], vector<16xf32>,
      %mul3A_1106 = arith.constant 16 : i32
      %mul3A_1107 = arith.muli %scan3A_1057, %mul3A_1106 : i32
      %add3A_1108 = arith.constant 1280 : i32
      %add3A_1109 = arith.addi %add3A_1108, %mul3A_1107 : i32
      %swap3A_1110 = arith.index_cast %add3A_1109 : i32 to index
      %swap3A_1111 = tpu.vector_load %arg15[%swap3A_1110] {strides = array<i32>} : memref<8192xf32, #tpu.memory_space<vmem>>, vector<16xf32>,
      tpu.vector_store %arg15[%swap3A_1110], %gather3A_1105 {strides = array<i32>} : memref<8192xf32, #tpu.memory_space<vmem>>, vector<16xf32>,
      %add3A_1112 = arith.constant 3 : i32
      %add3A_1113 = vector.broadcast %add3A_1112 : i32 to vector<16xi32>
      %add3A_1114 = arith.addi %get3A_1067, %add3A_1113 : vector<16xi32>
      %gather3A_1115 = arith.constant 1 : i32
      %gather3A_1116 = arith.constant 0 : i32
      %gather3A_1117 = arith.constant 0 : i32
      %gather3A_1118 = tpu.memref_slice %arg14[%gather3A_1115, %gather3A_1116, %gather3A_1117] : memref<2x256x128xf32, #tpu.memory_space<vmem>> -> memref<1x256x128xf32, #tpu.memory_space<vmem>>
      %gather3A_1119 = tpu.memref_squeeze %gather3A_1118 : memref<1x256x128xf32, #tpu.memory_space<vmem>> -> memref<256x128xf32, #tpu.memory_space<vmem>>
      %gather3A_1120 = tpu.vector_load_idx %gather3A_1119[%add3A_1061, %add3A_1114] : memref<256x128xf32, #tpu.memory_space<vmem>>[vector<16xi32>, vector<16xi32>], vector<16xf32>,
      %mul3A_1121 = arith.constant 16 : i32
      %mul3A_1122 = arith.muli %scan3A_1057, %mul3A_1121 : i32
      %add3A_1123 = arith.constant 1792 : i32
      %add3A_1124 = arith.addi %add3A_1123, %mul3A_1122 : i32
      %swap3A_1125 = arith.index_cast %add3A_1124 : i32 to index
      %swap3A_1126 = tpu.vector_load %arg15[%swap3A_1125] {strides = array<i32>} : memref<8192xf32, #tpu.memory_space<vmem>>, vector<16xf32>,
      tpu.vector_store %arg15[%swap3A_1125], %gather3A_1120 {strides = array<i32>} : memref<8192xf32, #tpu.memory_space<vmem>>, vector<16xf32>,
      %add3A_1127 = arith.constant 4 : i32
      %add3A_1128 = vector.broadcast %add3A_1127 : i32 to vector<16xi32>
      %add3A_1129 = arith.addi %get3A_1067, %add3A_1128 : vector<16xi32>
      %gather3A_1130 = arith.constant 1 : i32
      %gather3A_1131 = arith.constant 0 : i32
      %gather3A_1132 = arith.constant 0 : i32
      %gather3A_1133 = tpu.memref_slice %arg14[%gather3A_1130, %gather3A_1131, %gather3A_1132] : memref<2x256x128xf32, #tpu.memory_space<vmem>> -> memref<1x256x128xf32, #tpu.memory_space<vmem>>
      %gather3A_1134 = tpu.memref_squeeze %gather3A_1133 : memref<1x256x128xf32, #tpu.memory_space<vmem>> -> memref<256x128xf32, #tpu.memory_space<vmem>>
      %gather3A_1135 = tpu.vector_load_idx %gather3A_1134[%add3A_1061, %add3A_1129] : memref<256x128xf32, #tpu.memory_space<vmem>>[vector<16xi32>, vector<16xi32>], vector<16xf32>,
      %mul3A_1136 = arith.constant 16 : i32
      %mul3A_1137 = arith.muli %scan3A_1057, %mul3A_1136 : i32
      %add3A_1138 = arith.constant 2304 : i32
      %add3A_1139 = arith.addi %add3A_1138, %mul3A_1137 : i32
      %swap3A_1140 = arith.index_cast %add3A_1139 : i32 to index
      %swap3A_1141 = tpu.vector_load %arg15[%swap3A_1140] {strides = array<i32>} : memref<8192xf32, #tpu.memory_space<vmem>>, vector<16xf32>,
      tpu.vector_store %arg15[%swap3A_1140], %gather3A_1135 {strides = array<i32>} : memref<8192xf32, #tpu.memory_space<vmem>>, vector<16xf32>,
      %add3A_1142 = arith.constant 5 : i32
      %add3A_1143 = vector.broadcast %add3A_1142 : i32 to vector<16xi32>
      %add3A_1144 = arith.addi %get3A_1067, %add3A_1143 : vector<16xi32>
      %gather3A_1145 = arith.constant 1 : i32
      %gather3A_1146 = arith.constant 0 : i32
      %gather3A_1147 = arith.constant 0 : i32
      %gather3A_1148 = tpu.memref_slice %arg14[%gather3A_1145, %gather3A_1146, %gather3A_1147] : memref<2x256x128xf32, #tpu.memory_space<vmem>> -> memref<1x256x128xf32, #tpu.memory_space<vmem>>
      %gather3A_1149 = tpu.memref_squeeze %gather3A_1148 : memref<1x256x128xf32, #tpu.memory_space<vmem>> -> memref<256x128xf32, #tpu.memory_space<vmem>>
      %gather3A_1150 = tpu.vector_load_idx %gather3A_1149[%add3A_1061, %add3A_1144] : memref<256x128xf32, #tpu.memory_space<vmem>>[vector<16xi32>, vector<16xi32>], vector<16xf32>,
      %mul3A_1151 = arith.constant 16 : i32
      %mul3A_1152 = arith.muli %scan3A_1057, %mul3A_1151 : i32
      %add3A_1153 = arith.constant 2816 : i32
      %add3A_1154 = arith.addi %add3A_1153, %mul3A_1152 : i32
      %swap3A_1155 = arith.index_cast %add3A_1154 : i32 to index
      %swap3A_1156 = tpu.vector_load %arg15[%swap3A_1155] {strides = array<i32>} : memref<8192xf32, #tpu.memory_space<vmem>>, vector<16xf32>,
      tpu.vector_store %arg15[%swap3A_1155], %gather3A_1150 {strides = array<i32>} : memref<8192xf32, #tpu.memory_space<vmem>>, vector<16xf32>,
      %add3A_1157 = arith.constant 6 : i32
      %add3A_1158 = vector.broadcast %add3A_1157 : i32 to vector<16xi32>
      %add3A_1159 = arith.addi %get3A_1067, %add3A_1158 : vector<16xi32>
      %gather3A_1160 = arith.constant 1 : i32
      %gather3A_1161 = arith.constant 0 : i32
      %gather3A_1162 = arith.constant 0 : i32
      %gather3A_1163 = tpu.memref_slice %arg14[%gather3A_1160, %gather3A_1161, %gather3A_1162] : memref<2x256x128xf32, #tpu.memory_space<vmem>> -> memref<1x256x128xf32, #tpu.memory_space<vmem>>
      %gather3A_1164 = tpu.memref_squeeze %gather3A_1163 : memref<1x256x128xf32, #tpu.memory_space<vmem>> -> memref<256x128xf32, #tpu.memory_space<vmem>>
      %gather3A_1165 = tpu.vector_load_idx %gather3A_1164[%add3A_1061, %add3A_1159] : memref<256x128xf32, #tpu.memory_space<vmem>>[vector<16xi32>, vector<16xi32>], vector<16xf32>,
      %mul3A_1166 = arith.constant 16 : i32
      %mul3A_1167 = arith.muli %scan3A_1057, %mul3A_1166 : i32
      %add3A_1168 = arith.constant 3328 : i32
      %add3A_1169 = arith.addi %add3A_1168, %mul3A_1167 : i32
      %swap3A_1170 = arith.index_cast %add3A_1169 : i32 to index
      %swap3A_1171 = tpu.vector_load %arg15[%swap3A_1170] {strides = array<i32>} : memref<8192xf32, #tpu.memory_space<vmem>>, vector<16xf32>,
      tpu.vector_store %arg15[%swap3A_1170], %gather3A_1165 {strides = array<i32>} : memref<8192xf32, #tpu.memory_space<vmem>>, vector<16xf32>,
      %add3A_1172 = arith.constant 7 : i32
      %add3A_1173 = vector.broadcast %add3A_1172 : i32 to vector<16xi32>
      %add3A_1174 = arith.addi %get3A_1067, %add3A_1173 : vector<16xi32>
      %gather3A_1175 = arith.constant 1 : i32
      %gather3A_1176 = arith.constant 0 : i32
      %gather3A_1177 = arith.constant 0 : i32
      %gather3A_1178 = tpu.memref_slice %arg14[%gather3A_1175, %gather3A_1176, %gather3A_1177] : memref<2x256x128xf32, #tpu.memory_space<vmem>> -> memref<1x256x128xf32, #tpu.memory_space<vmem>>
      %gather3A_1179 = tpu.memref_squeeze %gather3A_1178 : memref<1x256x128xf32, #tpu.memory_space<vmem>> -> memref<256x128xf32, #tpu.memory_space<vmem>>
      %gather3A_1180 = tpu.vector_load_idx %gather3A_1179[%add3A_1061, %add3A_1174] : memref<256x128xf32, #tpu.memory_space<vmem>>[vector<16xi32>, vector<16xi32>], vector<16xf32>,
      %mul3A_1181 = arith.constant 16 : i32
      %mul3A_1182 = arith.muli %scan3A_1057, %mul3A_1181 : i32
      %add3A_1183 = arith.constant 3840 : i32
      %add3A_1184 = arith.addi %add3A_1183, %mul3A_1182 : i32
      %swap3A_1185 = arith.index_cast %add3A_1184 : i32 to index
      %swap3A_1186 = tpu.vector_load %arg15[%swap3A_1185] {strides = array<i32>} : memref<8192xf32, #tpu.memory_space<vmem>>, vector<16xf32>,
      tpu.vector_store %arg15[%swap3A_1185], %gather3A_1180 {strides = array<i32>} : memref<8192xf32, #tpu.memory_space<vmem>>, vector<16xf32>,
      %add3A_1187 = arith.constant 8 : i32
      %add3A_1188 = vector.broadcast %add3A_1187 : i32 to vector<16xi32>
      %add3A_1189 = arith.addi %get3A_1067, %add3A_1188 : vector<16xi32>
      %gather3A_1190 = arith.constant 1 : i32
      %gather3A_1191 = arith.constant 0 : i32
      %gather3A_1192 = arith.constant 0 : i32
      %gather3A_1193 = tpu.memref_slice %arg14[%gather3A_1190, %gather3A_1191, %gather3A_1192] : memref<2x256x128xf32, #tpu.memory_space<vmem>> -> memref<1x256x128xf32, #tpu.memory_space<vmem>>
      %gather3A_1194 = tpu.memref_squeeze %gather3A_1193 : memref<1x256x128xf32, #tpu.memory_space<vmem>> -> memref<256x128xf32, #tpu.memory_space<vmem>>
      %gather3A_1195 = tpu.vector_load_idx %gather3A_1194[%add3A_1061, %add3A_1189] : memref<256x128xf32, #tpu.memory_space<vmem>>[vector<16xi32>, vector<16xi32>], vector<16xf32>,
      %mul3A_1196 = arith.constant 16 : i32
      %mul3A_1197 = arith.muli %scan3A_1057, %mul3A_1196 : i32
      %add3A_1198 = arith.constant 4352 : i32
      %add3A_1199 = arith.addi %add3A_1198, %mul3A_1197 : i32
      %swap3A_1200 = arith.index_cast %add3A_1199 : i32 to index
      %swap3A_1201 = tpu.vector_load %arg15[%swap3A_1200] {strides = array<i32>} : memref<8192xf32, #tpu.memory_space<vmem>>, vector<16xf32>,
      tpu.vector_store %arg15[%swap3A_1200], %gather3A_1195 {strides = array<i32>} : memref<8192xf32, #tpu.memory_space<vmem>>, vector<16xf32>,
      %add3A_1202 = arith.constant 9 : i32
      %add3A_1203 = vector.broadcast %add3A_1202 : i32 to vector<16xi32>
      %add3A_1204 = arith.addi %get3A_1067, %add3A_1203 : vector<16xi32>
      %gather3A_1205 = arith.constant 1 : i32
      %gather3A_1206 = arith.constant 0 : i32
      %gather3A_1207 = arith.constant 0 : i32
      %gather3A_1208 = tpu.memref_slice %arg14[%gather3A_1205, %gather3A_1206, %gather3A_1207] : memref<2x256x128xf32, #tpu.memory_space<vmem>> -> memref<1x256x128xf32, #tpu.memory_space<vmem>>
      %gather3A_1209 = tpu.memref_squeeze %gather3A_1208 : memref<1x256x128xf32, #tpu.memory_space<vmem>> -> memref<256x128xf32, #tpu.memory_space<vmem>>
      %gather3A_1210 = tpu.vector_load_idx %gather3A_1209[%add3A_1061, %add3A_1204] : memref<256x128xf32, #tpu.memory_space<vmem>>[vector<16xi32>, vector<16xi32>], vector<16xf32>,
      %mul3A_1211 = arith.constant 16 : i32
      %mul3A_1212 = arith.muli %scan3A_1057, %mul3A_1211 : i32
      %add3A_1213 = arith.constant 4864 : i32
      %add3A_1214 = arith.addi %add3A_1213, %mul3A_1212 : i32
      %swap3A_1215 = arith.index_cast %add3A_1214 : i32 to index
      %swap3A_1216 = tpu.vector_load %arg15[%swap3A_1215] {strides = array<i32>} : memref<8192xf32, #tpu.memory_space<vmem>>, vector<16xf32>,
      tpu.vector_store %arg15[%swap3A_1215], %gather3A_1210 {strides = array<i32>} : memref<8192xf32, #tpu.memory_space<vmem>>, vector<16xf32>,
      %add3A_1217 = arith.constant 10 : i32
      %add3A_1218 = vector.broadcast %add3A_1217 : i32 to vector<16xi32>
      %add3A_1219 = arith.addi %get3A_1067, %add3A_1218 : vector<16xi32>
      %gather3A_1220 = arith.constant 1 : i32
      %gather3A_1221 = arith.constant 0 : i32
      %gather3A_1222 = arith.constant 0 : i32
      %gather3A_1223 = tpu.memref_slice %arg14[%gather3A_1220, %gather3A_1221, %gather3A_1222] : memref<2x256x128xf32, #tpu.memory_space<vmem>> -> memref<1x256x128xf32, #tpu.memory_space<vmem>>
      %gather3A_1224 = tpu.memref_squeeze %gather3A_1223 : memref<1x256x128xf32, #tpu.memory_space<vmem>> -> memref<256x128xf32, #tpu.memory_space<vmem>>
      %gather3A_1225 = tpu.vector_load_idx %gather3A_1224[%add3A_1061, %add3A_1219] : memref<256x128xf32, #tpu.memory_space<vmem>>[vector<16xi32>, vector<16xi32>], vector<16xf32>,
      %mul3A_1226 = arith.constant 16 : i32
      %mul3A_1227 = arith.muli %scan3A_1057, %mul3A_1226 : i32
      %add3A_1228 = arith.constant 5376 : i32
      %add3A_1229 = arith.addi %add3A_1228, %mul3A_1227 : i32
      %swap3A_1230 = arith.index_cast %add3A_1229 : i32 to index
      %swap3A_1231 = tpu.vector_load %arg15[%swap3A_1230] {strides = array<i32>} : memref<8192xf32, #tpu.memory_space<vmem>>, vector<16xf32>,
      tpu.vector_store %arg15[%swap3A_1230], %gather3A_1225 {strides = array<i32>} : memref<8192xf32, #tpu.memory_space<vmem>>, vector<16xf32>,
      %add3A_1232 = arith.constant 11 : i32
      %add3A_1233 = vector.broadcast %add3A_1232 : i32 to vector<16xi32>
      %add3A_1234 = arith.addi %get3A_1067, %add3A_1233 : vector<16xi32>
      %gather3A_1235 = arith.constant 1 : i32
      %gather3A_1236 = arith.constant 0 : i32
      %gather3A_1237 = arith.constant 0 : i32
      %gather3A_1238 = tpu.memref_slice %arg14[%gather3A_1235, %gather3A_1236, %gather3A_1237] : memref<2x256x128xf32, #tpu.memory_space<vmem>> -> memref<1x256x128xf32, #tpu.memory_space<vmem>>
      %gather3A_1239 = tpu.memref_squeeze %gather3A_1238 : memref<1x256x128xf32, #tpu.memory_space<vmem>> -> memref<256x128xf32, #tpu.memory_space<vmem>>
      %gather3A_1240 = tpu.vector_load_idx %gather3A_1239[%add3A_1061, %add3A_1234] : memref<256x128xf32, #tpu.memory_space<vmem>>[vector<16xi32>, vector<16xi32>], vector<16xf32>,
      %mul3A_1241 = arith.constant 16 : i32
      %mul3A_1242 = arith.muli %scan3A_1057, %mul3A_1241 : i32
      %add3A_1243 = arith.constant 5888 : i32
      %add3A_1244 = arith.addi %add3A_1243, %mul3A_1242 : i32
      %swap3A_1245 = arith.index_cast %add3A_1244 : i32 to index
      %swap3A_1246 = tpu.vector_load %arg15[%swap3A_1245] {strides = array<i32>} : memref<8192xf32, #tpu.memory_space<vmem>>, vector<16xf32>,
      tpu.vector_store %arg15[%swap3A_1245], %gather3A_1240 {strides = array<i32>} : memref<8192xf32, #tpu.memory_space<vmem>>, vector<16xf32>,
      %add3A_1247 = arith.constant 12 : i32
      %add3A_1248 = vector.broadcast %add3A_1247 : i32 to vector<16xi32>
      %add3A_1249 = arith.addi %get3A_1067, %add3A_1248 : vector<16xi32>
      %gather3A_1250 = arith.constant 1 : i32
      %gather3A_1251 = arith.constant 0 : i32
      %gather3A_1252 = arith.constant 0 : i32
      %gather3A_1253 = tpu.memref_slice %arg14[%gather3A_1250, %gather3A_1251, %gather3A_1252] : memref<2x256x128xf32, #tpu.memory_space<vmem>> -> memref<1x256x128xf32, #tpu.memory_space<vmem>>
      %gather3A_1254 = tpu.memref_squeeze %gather3A_1253 : memref<1x256x128xf32, #tpu.memory_space<vmem>> -> memref<256x128xf32, #tpu.memory_space<vmem>>
      %gather3A_1255 = tpu.vector_load_idx %gather3A_1254[%add3A_1061, %add3A_1249] : memref<256x128xf32, #tpu.memory_space<vmem>>[vector<16xi32>, vector<16xi32>], vector<16xf32>,
      %mul3A_1256 = arith.constant 16 : i32
      %mul3A_1257 = arith.muli %scan3A_1057, %mul3A_1256 : i32
      %add3A_1258 = arith.constant 6400 : i32
      %add3A_1259 = arith.addi %add3A_1258, %mul3A_1257 : i32
      %swap3A_1260 = arith.index_cast %add3A_1259 : i32 to index
      %swap3A_1261 = tpu.vector_load %arg15[%swap3A_1260] {strides = array<i32>} : memref<8192xf32, #tpu.memory_space<vmem>>, vector<16xf32>,
      tpu.vector_store %arg15[%swap3A_1260], %gather3A_1255 {strides = array<i32>} : memref<8192xf32, #tpu.memory_space<vmem>>, vector<16xf32>,
      %add3A_1262 = arith.constant 13 : i32
      %add3A_1263 = vector.broadcast %add3A_1262 : i32 to vector<16xi32>
      %add3A_1264 = arith.addi %get3A_1067, %add3A_1263 : vector<16xi32>
      %gather3A_1265 = arith.constant 1 : i32
      %gather3A_1266 = arith.constant 0 : i32
      %gather3A_1267 = arith.constant 0 : i32
      %gather3A_1268 = tpu.memref_slice %arg14[%gather3A_1265, %gather3A_1266, %gather3A_1267] : memref<2x256x128xf32, #tpu.memory_space<vmem>> -> memref<1x256x128xf32, #tpu.memory_space<vmem>>
      %gather3A_1269 = tpu.memref_squeeze %gather3A_1268 : memref<1x256x128xf32, #tpu.memory_space<vmem>> -> memref<256x128xf32, #tpu.memory_space<vmem>>
      %gather3A_1270 = tpu.vector_load_idx %gather3A_1269[%add3A_1061, %add3A_1264] : memref<256x128xf32, #tpu.memory_space<vmem>>[vector<16xi32>, vector<16xi32>], vector<16xf32>,
      %mul3A_1271 = arith.constant 16 : i32
      %mul3A_1272 = arith.muli %scan3A_1057, %mul3A_1271 : i32
      %add3A_1273 = arith.constant 6912 : i32
      %add3A_1274 = arith.addi %add3A_1273, %mul3A_1272 : i32
      %swap3A_1275 = arith.index_cast %add3A_1274 : i32 to index
      %swap3A_1276 = tpu.vector_load %arg15[%swap3A_1275] {strides = array<i32>} : memref<8192xf32, #tpu.memory_space<vmem>>, vector<16xf32>,
      tpu.vector_store %arg15[%swap3A_1275], %gather3A_1270 {strides = array<i32>} : memref<8192xf32, #tpu.memory_space<vmem>>, vector<16xf32>,
      %add3A_1277 = arith.constant 14 : i32
      %add3A_1278 = vector.broadcast %add3A_1277 : i32 to vector<16xi32>
      %add3A_1279 = arith.addi %get3A_1067, %add3A_1278 : vector<16xi32>
      %gather3A_1280 = arith.constant 1 : i32
      %gather3A_1281 = arith.constant 0 : i32
      %gather3A_1282 = arith.constant 0 : i32
      %gather3A_1283 = tpu.memref_slice %arg14[%gather3A_1280, %gather3A_1281, %gather3A_1282] : memref<2x256x128xf32, #tpu.memory_space<vmem>> -> memref<1x256x128xf32, #tpu.memory_space<vmem>>
      %gather3A_1284 = tpu.memref_squeeze %gather3A_1283 : memref<1x256x128xf32, #tpu.memory_space<vmem>> -> memref<256x128xf32, #tpu.memory_space<vmem>>
      %gather3A_1285 = tpu.vector_load_idx %gather3A_1284[%add3A_1061, %add3A_1279] : memref<256x128xf32, #tpu.memory_space<vmem>>[vector<16xi32>, vector<16xi32>], vector<16xf32>,
      %mul3A_1286 = arith.constant 16 : i32
      %mul3A_1287 = arith.muli %scan3A_1057, %mul3A_1286 : i32
      %add3A_1288 = arith.constant 7424 : i32
      %add3A_1289 = arith.addi %add3A_1288, %mul3A_1287 : i32
      %swap3A_1290 = arith.index_cast %add3A_1289 : i32 to index
      %swap3A_1291 = tpu.vector_load %arg15[%swap3A_1290] {strides = array<i32>} : memref<8192xf32, #tpu.memory_space<vmem>>, vector<16xf32>,
      tpu.vector_store %arg15[%swap3A_1290], %gather3A_1285 {strides = array<i32>} : memref<8192xf32, #tpu.memory_space<vmem>>, vector<16xf32>,
      %add3A_1292 = arith.constant 15 : i32
      %add3A_1293 = vector.broadcast %add3A_1292 : i32 to vector<16xi32>
      %add3A_1294 = arith.addi %get3A_1067, %add3A_1293 : vector<16xi32>
      %gather3A_1295 = arith.constant 1 : i32
      %gather3A_1296 = arith.constant 0 : i32
      %gather3A_1297 = arith.constant 0 : i32
      %gather3A_1298 = tpu.memref_slice %arg14[%gather3A_1295, %gather3A_1296, %gather3A_1297] : memref<2x256x128xf32, #tpu.memory_space<vmem>> -> memref<1x256x128xf32, #tpu.memory_space<vmem>>
      %gather3A_1299 = tpu.memref_squeeze %gather3A_1298 : memref<1x256x128xf32, #tpu.memory_space<vmem>> -> memref<256x128xf32, #tpu.memory_space<vmem>>
      %gather3A_1300 = tpu.vector_load_idx %gather3A_1299[%add3A_1061, %add3A_1294] : memref<256x128xf32, #tpu.memory_space<vmem>>[vector<16xi32>, vector<16xi32>], vector<16xf32>,
      %mul3A_1301 = arith.constant 16 : i32
      %mul3A_1302 = arith.muli %scan3A_1057, %mul3A_1301 : i32
      %add3A_1303 = arith.constant 7936 : i32
      %add3A_1304 = arith.addi %add3A_1303, %mul3A_1302 : i32
      %swap3A_1305 = arith.index_cast %add3A_1304 : i32 to index
      %swap3A_1306 = tpu.vector_load %arg15[%swap3A_1305] {strides = array<i32>} : memref<8192xf32, #tpu.memory_space<vmem>>, vector<16xf32>,
      tpu.vector_store %arg15[%swap3A_1305], %gather3A_1300 {strides = array<i32>} : memref<8192xf32, #tpu.memory_space<vmem>>, vector<16xf32>,
    }
    %scan3A_1014 = arith.constant 16 : i32
    %dma_start3A_1015 = arith.constant 1 : i32
    %dma_start3A_1016 = arith.constant 0 : i32
    %dma_start3A_1017 = arith.constant 0 : i32
    %dma_start3A_1018 = tpu.memref_slice %arg14[%dma_start3A_1015, %dma_start3A_1016, %dma_start3A_1017] : memref<2x256x128xf32, #tpu.memory_space<vmem>> -> memref<1x256x128xf32, #tpu.memory_space<vmem>>
    %dma_start3A_1019 = tpu.memref_squeeze %dma_start3A_1018 : memref<1x256x128xf32, #tpu.memory_space<vmem>> -> memref<256x128xf32, #tpu.memory_space<vmem>>
    %dma_start3A_1020 = arith.constant 256 : i32
    %dma_start3A_1021 = tpu.memref_slice %arg11[%dma_start3A_1020] : memref<512xi32, #tpu.memory_space<vmem>> -> memref<256xi32, #tpu.memory_space<vmem>>
    %dma_start3A_1022 = arith.constant 0 : i32
    %dma_start3A_1023 = arith.constant 0 : i32
    %dma_start3A_1024 = tpu.memref_slice %arg5[%dma_start3A_1022, %dma_start3A_1023] : memref<125000x128xf32, #tpu.memory_space<hbm>> -> memref<125000x128xf32, #tpu.memory_space<hbm>>
    tpu.enqueue_indirect_dma source(%dma_start3A_1024 : memref<125000x128xf32, #tpu.memory_space<hbm>>) target(%dma_start3A_1019 : memref<256x128xf32, #tpu.memory_space<vmem>>) offsets(%dma_start3A_1021 : memref<256xi32, #tpu.memory_space<vmem>>) semaphore(%arg17 : memref<!tpu.dma_semaphore, #tpu.memory_space<semaphore_mem>>)
    %dma_wait3A_1025 = arith.constant 0 : i32
    %dma_wait3A_1026 = arith.constant 0 : i32
    %dma_wait3A_1027 = arith.constant 0 : i32
    %dma_wait3A_1028 = tpu.memref_slice %arg14[%dma_wait3A_1025, %dma_wait3A_1026, %dma_wait3A_1027] : memref<2x256x128xf32, #tpu.memory_space<vmem>> -> memref<1x256x128xf32, #tpu.memory_space<vmem>>
    %dma_wait3A_1029 = tpu.memref_squeeze %dma_wait3A_1028 : memref<1x256x128xf32, #tpu.memory_space<vmem>> -> memref<256x128xf32, #tpu.memory_space<vmem>>
    %dma_wait3A_1030 = arith.constant 0 : i32
    %dma_wait3A_1031 = tpu.memref_slice %arg11[%dma_wait3A_1030] : memref<512xi32, #tpu.memory_space<vmem>> -> memref<256xi32, #tpu.memory_space<vmem>>
    %dma_wait3A_1032 = arith.constant 0 : i32
    %dma_wait3A_1033 = arith.constant 0 : i32
    %dma_wait3A_1034 = tpu.memref_slice %arg5[%dma_wait3A_1032, %dma_wait3A_1033] : memref<125000x128xf32, #tpu.memory_space<hbm>> -> memref<125000x128xf32, #tpu.memory_space<hbm>>
    tpu.wait_indirect_dma semaphore(%arg17 : memref<!tpu.dma_semaphore, #tpu.memory_space<semaphore_mem>>) src(%dma_wait3A_1034 : memref<125000x128xf32, #tpu.memory_space<hbm>>) dst(%dma_wait3A_1029 : memref<256x128xf32, #tpu.memory_space<vmem>>)
    %scan3A_1035 = arith.constant 0 : i32
    %scan3A_1036 = arith.constant 0 : i32
    %scan3A_1037 = arith.constant 16 : i32
    %scan3A_1038 = arith.addi %scan3A_1036, %scan3A_1037 : i32
    %scan3A_1039 = arith.constant 1 : i32
    scf.for %scan3A_1057 = %scan3A_1036 to %scan3A_1038 step %scan3A_1039  : i32 {
      %iota3A = tpu.iota {dimensions = array<i32: 0>} : vector<16xi32>
      %mul3A_1058 = arith.constant 16 : i32
      %mul3A_1059 = arith.muli %scan3A_1057, %mul3A_1058 : i32
      %add3A_1060 = vector.broadcast %mul3A_1059 : i32 to vector<16xi32>
      %add3A_1061 = arith.addi %iota3A, %add3A_1060 : vector<16xi32>
      %mul3A_1062 = arith.constant 16 : i32
      %mul3A_1063 = arith.muli %scan3A_1057, %mul3A_1062 : i32
      %add3A_1064 = arith.constant 0 : i32
      %add3A_1065 = arith.addi %add3A_1064, %mul3A_1063 : i32
      %get3A_1066 = arith.index_cast %add3A_1065 : i32 to index
      %get3A_1067 = tpu.vector_load %arg13[%get3A_1066] {strides = array<i32>} : memref<512xi32, #tpu.memory_space<vmem>>, vector<16xi32>,
      %add3A_1068 = arith.constant 0 : i32
      %add3A_1069 = vector.broadcast %add3A_1068 : i32 to vector<16xi32>
      %add3A_1070 = arith.addi %get3A_1067, %add3A_1069 : vector<16xi32>
      %gather3A = arith.constant 0 : i32
      %gather3A_1071 = arith.constant 0 : i32
      %gather3A_1072 = arith.constant 0 : i32
      %gather3A_1073 = tpu.memref_slice %arg14[%gather3A, %gather3A_1071, %gather3A_1072] : memref<2x256x128xf32, #tpu.memory_space<vmem>> -> memref<1x256x128xf32, #tpu.memory_space<vmem>>
      %gather3A_1074 = tpu.memref_squeeze %gather3A_1073 : memref<1x256x128xf32, #tpu.memory_space<vmem>> -> memref<256x128xf32, #tpu.memory_space<vmem>>
      %gather3A_1075 = tpu.vector_load_idx %gather3A_1074[%add3A_1061, %add3A_1070] : memref<256x128xf32, #tpu.memory_space<vmem>>[vector<16xi32>, vector<16xi32>], vector<16xf32>,
      %mul3A_1076 = arith.constant 16 : i32
      %mul3A_1077 = arith.muli %scan3A_1057, %mul3A_1076 : i32
      %add3A_1078 = arith.constant 0 : i32
      %add3A_1079 = arith.addi %add3A_1078, %mul3A_1077 : i32
      %swap3A_1080 = arith.index_cast %add3A_1079 : i32 to index
      %swap3A_1081 = tpu.vector_load %arg16[%swap3A_1080] {strides = array<i32>} : memref<8192xf32, #tpu.memory_space<vmem>>, vector<16xf32>,
      tpu.vector_store %arg16[%swap3A_1080], %gather3A_1075 {strides = array<i32>} : memref<8192xf32, #tpu.memory_space<vmem>>, vector<16xf32>,
      %add3A_1082 = arith.constant 1 : i32
      %add3A_1083 = vector.broadcast %add3A_1082 : i32 to vector<16xi32>
      %add3A_1084 = arith.addi %get3A_1067, %add3A_1083 : vector<16xi32>
      %gather3A_1085 = arith.constant 0 : i32
      %gather3A_1086 = arith.constant 0 : i32
      %gather3A_1087 = arith.constant 0 : i32
      %gather3A_1088 = tpu.memref_slice %arg14[%gather3A_1085, %gather3A_1086, %gather3A_1087] : memref<2x256x128xf32, #tpu.memory_space<vmem>> -> memref<1x256x128xf32, #tpu.memory_space<vmem>>
      %gather3A_1089 = tpu.memref_squeeze %gather3A_1088 : memref<1x256x128xf32, #tpu.memory_space<vmem>> -> memref<256x128xf32, #tpu.memory_space<vmem>>
      %gather3A_1090 = tpu.vector_load_idx %gather3A_1089[%add3A_1061, %add3A_1084] : memref<256x128xf32, #tpu.memory_space<vmem>>[vector<16xi32>, vector<16xi32>], vector<16xf32>,
      %mul3A_1091 = arith.constant 16 : i32
      %mul3A_1092 = arith.muli %scan3A_1057, %mul3A_1091 : i32
      %add3A_1093 = arith.constant 512 : i32
      %add3A_1094 = arith.addi %add3A_1093, %mul3A_1092 : i32
      %swap3A_1095 = arith.index_cast %add3A_1094 : i32 to index
      %swap3A_1096 = tpu.vector_load %arg16[%swap3A_1095] {strides = array<i32>} : memref<8192xf32, #tpu.memory_space<vmem>>, vector<16xf32>,
      tpu.vector_store %arg16[%swap3A_1095], %gather3A_1090 {strides = array<i32>} : memref<8192xf32, #tpu.memory_space<vmem>>, vector<16xf32>,
      %add3A_1097 = arith.constant 2 : i32
      %add3A_1098 = vector.broadcast %add3A_1097 : i32 to vector<16xi32>
      %add3A_1099 = arith.addi %get3A_1067, %add3A_1098 : vector<16xi32>
      %gather3A_1100 = arith.constant 0 : i32
      %gather3A_1101 = arith.constant 0 : i32
      %gather3A_1102 = arith.constant 0 : i32
      %gather3A_1103 = tpu.memref_slice %arg14[%gather3A_1100, %gather3A_1101, %gather3A_1102] : memref<2x256x128xf32, #tpu.memory_space<vmem>> -> memref<1x256x128xf32, #tpu.memory_space<vmem>>
      %gather3A_1104 = tpu.memref_squeeze %gather3A_1103 : memref<1x256x128xf32, #tpu.memory_space<vmem>> -> memref<256x128xf32, #tpu.memory_space<vmem>>
      %gather3A_1105 = tpu.vector_load_idx %gather3A_1104[%add3A_1061, %add3A_1099] : memref<256x128xf32, #tpu.memory_space<vmem>>[vector<16xi32>, vector<16xi32>], vector<16xf32>,
      %mul3A_1106 = arith.constant 16 : i32
      %mul3A_1107 = arith.muli %scan3A_1057, %mul3A_1106 : i32
      %add3A_1108 = arith.constant 1024 : i32
      %add3A_1109 = arith.addi %add3A_1108, %mul3A_1107 : i32
      %swap3A_1110 = arith.index_cast %add3A_1109 : i32 to index
      %swap3A_1111 = tpu.vector_load %arg16[%swap3A_1110] {strides = array<i32>} : memref<8192xf32, #tpu.memory_space<vmem>>, vector<16xf32>,
      tpu.vector_store %arg16[%swap3A_1110], %gather3A_1105 {strides = array<i32>} : memref<8192xf32, #tpu.memory_space<vmem>>, vector<16xf32>,
      %add3A_1112 = arith.constant 3 : i32
      %add3A_1113 = vector.broadcast %add3A_1112 : i32 to vector<16xi32>
      %add3A_1114 = arith.addi %get3A_1067, %add3A_1113 : vector<16xi32>
      %gather3A_1115 = arith.constant 0 : i32
      %gather3A_1116 = arith.constant 0 : i32
      %gather3A_1117 = arith.constant 0 : i32
      %gather3A_1118 = tpu.memref_slice %arg14[%gather3A_1115, %gather3A_1116, %gather3A_1117] : memref<2x256x128xf32, #tpu.memory_space<vmem>> -> memref<1x256x128xf32, #tpu.memory_space<vmem>>
      %gather3A_1119 = tpu.memref_squeeze %gather3A_1118 : memref<1x256x128xf32, #tpu.memory_space<vmem>> -> memref<256x128xf32, #tpu.memory_space<vmem>>
      %gather3A_1120 = tpu.vector_load_idx %gather3A_1119[%add3A_1061, %add3A_1114] : memref<256x128xf32, #tpu.memory_space<vmem>>[vector<16xi32>, vector<16xi32>], vector<16xf32>,
      %mul3A_1121 = arith.constant 16 : i32
      %mul3A_1122 = arith.muli %scan3A_1057, %mul3A_1121 : i32
      %add3A_1123 = arith.constant 1536 : i32
      %add3A_1124 = arith.addi %add3A_1123, %mul3A_1122 : i32
      %swap3A_1125 = arith.index_cast %add3A_1124 : i32 to index
      %swap3A_1126 = tpu.vector_load %arg16[%swap3A_1125] {strides = array<i32>} : memref<8192xf32, #tpu.memory_space<vmem>>, vector<16xf32>,
      tpu.vector_store %arg16[%swap3A_1125], %gather3A_1120 {strides = array<i32>} : memref<8192xf32, #tpu.memory_space<vmem>>, vector<16xf32>,
      %add3A_1127 = arith.constant 4 : i32
      %add3A_1128 = vector.broadcast %add3A_1127 : i32 to vector<16xi32>
      %add3A_1129 = arith.addi %get3A_1067, %add3A_1128 : vector<16xi32>
      %gather3A_1130 = arith.constant 0 : i32
      %gather3A_1131 = arith.constant 0 : i32
      %gather3A_1132 = arith.constant 0 : i32
      %gather3A_1133 = tpu.memref_slice %arg14[%gather3A_1130, %gather3A_1131, %gather3A_1132] : memref<2x256x128xf32, #tpu.memory_space<vmem>> -> memref<1x256x128xf32, #tpu.memory_space<vmem>>
      %gather3A_1134 = tpu.memref_squeeze %gather3A_1133 : memref<1x256x128xf32, #tpu.memory_space<vmem>> -> memref<256x128xf32, #tpu.memory_space<vmem>>
      %gather3A_1135 = tpu.vector_load_idx %gather3A_1134[%add3A_1061, %add3A_1129] : memref<256x128xf32, #tpu.memory_space<vmem>>[vector<16xi32>, vector<16xi32>], vector<16xf32>,
      %mul3A_1136 = arith.constant 16 : i32
      %mul3A_1137 = arith.muli %scan3A_1057, %mul3A_1136 : i32
      %add3A_1138 = arith.constant 2048 : i32
      %add3A_1139 = arith.addi %add3A_1138, %mul3A_1137 : i32
      %swap3A_1140 = arith.index_cast %add3A_1139 : i32 to index
      %swap3A_1141 = tpu.vector_load %arg16[%swap3A_1140] {strides = array<i32>} : memref<8192xf32, #tpu.memory_space<vmem>>, vector<16xf32>,
      tpu.vector_store %arg16[%swap3A_1140], %gather3A_1135 {strides = array<i32>} : memref<8192xf32, #tpu.memory_space<vmem>>, vector<16xf32>,
      %add3A_1142 = arith.constant 5 : i32
      %add3A_1143 = vector.broadcast %add3A_1142 : i32 to vector<16xi32>
      %add3A_1144 = arith.addi %get3A_1067, %add3A_1143 : vector<16xi32>
      %gather3A_1145 = arith.constant 0 : i32
      %gather3A_1146 = arith.constant 0 : i32
      %gather3A_1147 = arith.constant 0 : i32
      %gather3A_1148 = tpu.memref_slice %arg14[%gather3A_1145, %gather3A_1146, %gather3A_1147] : memref<2x256x128xf32, #tpu.memory_space<vmem>> -> memref<1x256x128xf32, #tpu.memory_space<vmem>>
      %gather3A_1149 = tpu.memref_squeeze %gather3A_1148 : memref<1x256x128xf32, #tpu.memory_space<vmem>> -> memref<256x128xf32, #tpu.memory_space<vmem>>
      %gather3A_1150 = tpu.vector_load_idx %gather3A_1149[%add3A_1061, %add3A_1144] : memref<256x128xf32, #tpu.memory_space<vmem>>[vector<16xi32>, vector<16xi32>], vector<16xf32>,
      %mul3A_1151 = arith.constant 16 : i32
      %mul3A_1152 = arith.muli %scan3A_1057, %mul3A_1151 : i32
      %add3A_1153 = arith.constant 2560 : i32
      %add3A_1154 = arith.addi %add3A_1153, %mul3A_1152 : i32
      %swap3A_1155 = arith.index_cast %add3A_1154 : i32 to index
      %swap3A_1156 = tpu.vector_load %arg16[%swap3A_1155] {strides = array<i32>} : memref<8192xf32, #tpu.memory_space<vmem>>, vector<16xf32>,
      tpu.vector_store %arg16[%swap3A_1155], %gather3A_1150 {strides = array<i32>} : memref<8192xf32, #tpu.memory_space<vmem>>, vector<16xf32>,
      %add3A_1157 = arith.constant 6 : i32
      %add3A_1158 = vector.broadcast %add3A_1157 : i32 to vector<16xi32>
      %add3A_1159 = arith.addi %get3A_1067, %add3A_1158 : vector<16xi32>
      %gather3A_1160 = arith.constant 0 : i32
      %gather3A_1161 = arith.constant 0 : i32
      %gather3A_1162 = arith.constant 0 : i32
      %gather3A_1163 = tpu.memref_slice %arg14[%gather3A_1160, %gather3A_1161, %gather3A_1162] : memref<2x256x128xf32, #tpu.memory_space<vmem>> -> memref<1x256x128xf32, #tpu.memory_space<vmem>>
      %gather3A_1164 = tpu.memref_squeeze %gather3A_1163 : memref<1x256x128xf32, #tpu.memory_space<vmem>> -> memref<256x128xf32, #tpu.memory_space<vmem>>
      %gather3A_1165 = tpu.vector_load_idx %gather3A_1164[%add3A_1061, %add3A_1159] : memref<256x128xf32, #tpu.memory_space<vmem>>[vector<16xi32>, vector<16xi32>], vector<16xf32>,
      %mul3A_1166 = arith.constant 16 : i32
      %mul3A_1167 = arith.muli %scan3A_1057, %mul3A_1166 : i32
      %add3A_1168 = arith.constant 3072 : i32
      %add3A_1169 = arith.addi %add3A_1168, %mul3A_1167 : i32
      %swap3A_1170 = arith.index_cast %add3A_1169 : i32 to index
      %swap3A_1171 = tpu.vector_load %arg16[%swap3A_1170] {strides = array<i32>} : memref<8192xf32, #tpu.memory_space<vmem>>, vector<16xf32>,
      tpu.vector_store %arg16[%swap3A_1170], %gather3A_1165 {strides = array<i32>} : memref<8192xf32, #tpu.memory_space<vmem>>, vector<16xf32>,
      %add3A_1172 = arith.constant 7 : i32
      %add3A_1173 = vector.broadcast %add3A_1172 : i32 to vector<16xi32>
      %add3A_1174 = arith.addi %get3A_1067, %add3A_1173 : vector<16xi32>
      %gather3A_1175 = arith.constant 0 : i32
      %gather3A_1176 = arith.constant 0 : i32
      %gather3A_1177 = arith.constant 0 : i32
      %gather3A_1178 = tpu.memref_slice %arg14[%gather3A_1175, %gather3A_1176, %gather3A_1177] : memref<2x256x128xf32, #tpu.memory_space<vmem>> -> memref<1x256x128xf32, #tpu.memory_space<vmem>>
      %gather3A_1179 = tpu.memref_squeeze %gather3A_1178 : memref<1x256x128xf32, #tpu.memory_space<vmem>> -> memref<256x128xf32, #tpu.memory_space<vmem>>
      %gather3A_1180 = tpu.vector_load_idx %gather3A_1179[%add3A_1061, %add3A_1174] : memref<256x128xf32, #tpu.memory_space<vmem>>[vector<16xi32>, vector<16xi32>], vector<16xf32>,
      %mul3A_1181 = arith.constant 16 : i32
      %mul3A_1182 = arith.muli %scan3A_1057, %mul3A_1181 : i32
      %add3A_1183 = arith.constant 3584 : i32
      %add3A_1184 = arith.addi %add3A_1183, %mul3A_1182 : i32
      %swap3A_1185 = arith.index_cast %add3A_1184 : i32 to index
      %swap3A_1186 = tpu.vector_load %arg16[%swap3A_1185] {strides = array<i32>} : memref<8192xf32, #tpu.memory_space<vmem>>, vector<16xf32>,
      tpu.vector_store %arg16[%swap3A_1185], %gather3A_1180 {strides = array<i32>} : memref<8192xf32, #tpu.memory_space<vmem>>, vector<16xf32>,
      %add3A_1187 = arith.constant 8 : i32
      %add3A_1188 = vector.broadcast %add3A_1187 : i32 to vector<16xi32>
      %add3A_1189 = arith.addi %get3A_1067, %add3A_1188 : vector<16xi32>
      %gather3A_1190 = arith.constant 0 : i32
      %gather3A_1191 = arith.constant 0 : i32
      %gather3A_1192 = arith.constant 0 : i32
      %gather3A_1193 = tpu.memref_slice %arg14[%gather3A_1190, %gather3A_1191, %gather3A_1192] : memref<2x256x128xf32, #tpu.memory_space<vmem>> -> memref<1x256x128xf32, #tpu.memory_space<vmem>>
      %gather3A_1194 = tpu.memref_squeeze %gather3A_1193 : memref<1x256x128xf32, #tpu.memory_space<vmem>> -> memref<256x128xf32, #tpu.memory_space<vmem>>
      %gather3A_1195 = tpu.vector_load_idx %gather3A_1194[%add3A_1061, %add3A_1189] : memref<256x128xf32, #tpu.memory_space<vmem>>[vector<16xi32>, vector<16xi32>], vector<16xf32>,
      %mul3A_1196 = arith.constant 16 : i32
      %mul3A_1197 = arith.muli %scan3A_1057, %mul3A_1196 : i32
      %add3A_1198 = arith.constant 4096 : i32
      %add3A_1199 = arith.addi %add3A_1198, %mul3A_1197 : i32
      %swap3A_1200 = arith.index_cast %add3A_1199 : i32 to index
      %swap3A_1201 = tpu.vector_load %arg16[%swap3A_1200] {strides = array<i32>} : memref<8192xf32, #tpu.memory_space<vmem>>, vector<16xf32>,
      tpu.vector_store %arg16[%swap3A_1200], %gather3A_1195 {strides = array<i32>} : memref<8192xf32, #tpu.memory_space<vmem>>, vector<16xf32>,
      %add3A_1202 = arith.constant 9 : i32
      %add3A_1203 = vector.broadcast %add3A_1202 : i32 to vector<16xi32>
      %add3A_1204 = arith.addi %get3A_1067, %add3A_1203 : vector<16xi32>
      %gather3A_1205 = arith.constant 0 : i32
      %gather3A_1206 = arith.constant 0 : i32
      %gather3A_1207 = arith.constant 0 : i32
      %gather3A_1208 = tpu.memref_slice %arg14[%gather3A_1205, %gather3A_1206, %gather3A_1207] : memref<2x256x128xf32, #tpu.memory_space<vmem>> -> memref<1x256x128xf32, #tpu.memory_space<vmem>>
      %gather3A_1209 = tpu.memref_squeeze %gather3A_1208 : memref<1x256x128xf32, #tpu.memory_space<vmem>> -> memref<256x128xf32, #tpu.memory_space<vmem>>
      %gather3A_1210 = tpu.vector_load_idx %gather3A_1209[%add3A_1061, %add3A_1204] : memref<256x128xf32, #tpu.memory_space<vmem>>[vector<16xi32>, vector<16xi32>], vector<16xf32>,
      %mul3A_1211 = arith.constant 16 : i32
      %mul3A_1212 = arith.muli %scan3A_1057, %mul3A_1211 : i32
      %add3A_1213 = arith.constant 4608 : i32
      %add3A_1214 = arith.addi %add3A_1213, %mul3A_1212 : i32
      %swap3A_1215 = arith.index_cast %add3A_1214 : i32 to index
      %swap3A_1216 = tpu.vector_load %arg16[%swap3A_1215] {strides = array<i32>} : memref<8192xf32, #tpu.memory_space<vmem>>, vector<16xf32>,
      tpu.vector_store %arg16[%swap3A_1215], %gather3A_1210 {strides = array<i32>} : memref<8192xf32, #tpu.memory_space<vmem>>, vector<16xf32>,
      %add3A_1217 = arith.constant 10 : i32
      %add3A_1218 = vector.broadcast %add3A_1217 : i32 to vector<16xi32>
      %add3A_1219 = arith.addi %get3A_1067, %add3A_1218 : vector<16xi32>
      %gather3A_1220 = arith.constant 0 : i32
      %gather3A_1221 = arith.constant 0 : i32
      %gather3A_1222 = arith.constant 0 : i32
      %gather3A_1223 = tpu.memref_slice %arg14[%gather3A_1220, %gather3A_1221, %gather3A_1222] : memref<2x256x128xf32, #tpu.memory_space<vmem>> -> memref<1x256x128xf32, #tpu.memory_space<vmem>>
      %gather3A_1224 = tpu.memref_squeeze %gather3A_1223 : memref<1x256x128xf32, #tpu.memory_space<vmem>> -> memref<256x128xf32, #tpu.memory_space<vmem>>
      %gather3A_1225 = tpu.vector_load_idx %gather3A_1224[%add3A_1061, %add3A_1219] : memref<256x128xf32, #tpu.memory_space<vmem>>[vector<16xi32>, vector<16xi32>], vector<16xf32>,
      %mul3A_1226 = arith.constant 16 : i32
      %mul3A_1227 = arith.muli %scan3A_1057, %mul3A_1226 : i32
      %add3A_1228 = arith.constant 5120 : i32
      %add3A_1229 = arith.addi %add3A_1228, %mul3A_1227 : i32
      %swap3A_1230 = arith.index_cast %add3A_1229 : i32 to index
      %swap3A_1231 = tpu.vector_load %arg16[%swap3A_1230] {strides = array<i32>} : memref<8192xf32, #tpu.memory_space<vmem>>, vector<16xf32>,
      tpu.vector_store %arg16[%swap3A_1230], %gather3A_1225 {strides = array<i32>} : memref<8192xf32, #tpu.memory_space<vmem>>, vector<16xf32>,
      %add3A_1232 = arith.constant 11 : i32
      %add3A_1233 = vector.broadcast %add3A_1232 : i32 to vector<16xi32>
      %add3A_1234 = arith.addi %get3A_1067, %add3A_1233 : vector<16xi32>
      %gather3A_1235 = arith.constant 0 : i32
      %gather3A_1236 = arith.constant 0 : i32
      %gather3A_1237 = arith.constant 0 : i32
      %gather3A_1238 = tpu.memref_slice %arg14[%gather3A_1235, %gather3A_1236, %gather3A_1237] : memref<2x256x128xf32, #tpu.memory_space<vmem>> -> memref<1x256x128xf32, #tpu.memory_space<vmem>>
      %gather3A_1239 = tpu.memref_squeeze %gather3A_1238 : memref<1x256x128xf32, #tpu.memory_space<vmem>> -> memref<256x128xf32, #tpu.memory_space<vmem>>
      %gather3A_1240 = tpu.vector_load_idx %gather3A_1239[%add3A_1061, %add3A_1234] : memref<256x128xf32, #tpu.memory_space<vmem>>[vector<16xi32>, vector<16xi32>], vector<16xf32>,
      %mul3A_1241 = arith.constant 16 : i32
      %mul3A_1242 = arith.muli %scan3A_1057, %mul3A_1241 : i32
      %add3A_1243 = arith.constant 5632 : i32
      %add3A_1244 = arith.addi %add3A_1243, %mul3A_1242 : i32
      %swap3A_1245 = arith.index_cast %add3A_1244 : i32 to index
      %swap3A_1246 = tpu.vector_load %arg16[%swap3A_1245] {strides = array<i32>} : memref<8192xf32, #tpu.memory_space<vmem>>, vector<16xf32>,
      tpu.vector_store %arg16[%swap3A_1245], %gather3A_1240 {strides = array<i32>} : memref<8192xf32, #tpu.memory_space<vmem>>, vector<16xf32>,
      %add3A_1247 = arith.constant 12 : i32
      %add3A_1248 = vector.broadcast %add3A_1247 : i32 to vector<16xi32>
      %add3A_1249 = arith.addi %get3A_1067, %add3A_1248 : vector<16xi32>
      %gather3A_1250 = arith.constant 0 : i32
      %gather3A_1251 = arith.constant 0 : i32
      %gather3A_1252 = arith.constant 0 : i32
      %gather3A_1253 = tpu.memref_slice %arg14[%gather3A_1250, %gather3A_1251, %gather3A_1252] : memref<2x256x128xf32, #tpu.memory_space<vmem>> -> memref<1x256x128xf32, #tpu.memory_space<vmem>>
      %gather3A_1254 = tpu.memref_squeeze %gather3A_1253 : memref<1x256x128xf32, #tpu.memory_space<vmem>> -> memref<256x128xf32, #tpu.memory_space<vmem>>
      %gather3A_1255 = tpu.vector_load_idx %gather3A_1254[%add3A_1061, %add3A_1249] : memref<256x128xf32, #tpu.memory_space<vmem>>[vector<16xi32>, vector<16xi32>], vector<16xf32>,
      %mul3A_1256 = arith.constant 16 : i32
      %mul3A_1257 = arith.muli %scan3A_1057, %mul3A_1256 : i32
      %add3A_1258 = arith.constant 6144 : i32
      %add3A_1259 = arith.addi %add3A_1258, %mul3A_1257 : i32
      %swap3A_1260 = arith.index_cast %add3A_1259 : i32 to index
      %swap3A_1261 = tpu.vector_load %arg16[%swap3A_1260] {strides = array<i32>} : memref<8192xf32, #tpu.memory_space<vmem>>, vector<16xf32>,
      tpu.vector_store %arg16[%swap3A_1260], %gather3A_1255 {strides = array<i32>} : memref<8192xf32, #tpu.memory_space<vmem>>, vector<16xf32>,
      %add3A_1262 = arith.constant 13 : i32
      %add3A_1263 = vector.broadcast %add3A_1262 : i32 to vector<16xi32>
      %add3A_1264 = arith.addi %get3A_1067, %add3A_1263 : vector<16xi32>
      %gather3A_1265 = arith.constant 0 : i32
      %gather3A_1266 = arith.constant 0 : i32
      %gather3A_1267 = arith.constant 0 : i32
      %gather3A_1268 = tpu.memref_slice %arg14[%gather3A_1265, %gather3A_1266, %gather3A_1267] : memref<2x256x128xf32, #tpu.memory_space<vmem>> -> memref<1x256x128xf32, #tpu.memory_space<vmem>>
      %gather3A_1269 = tpu.memref_squeeze %gather3A_1268 : memref<1x256x128xf32, #tpu.memory_space<vmem>> -> memref<256x128xf32, #tpu.memory_space<vmem>>
      %gather3A_1270 = tpu.vector_load_idx %gather3A_1269[%add3A_1061, %add3A_1264] : memref<256x128xf32, #tpu.memory_space<vmem>>[vector<16xi32>, vector<16xi32>], vector<16xf32>,
      %mul3A_1271 = arith.constant 16 : i32
      %mul3A_1272 = arith.muli %scan3A_1057, %mul3A_1271 : i32
      %add3A_1273 = arith.constant 6656 : i32
      %add3A_1274 = arith.addi %add3A_1273, %mul3A_1272 : i32
      %swap3A_1275 = arith.index_cast %add3A_1274 : i32 to index
      %swap3A_1276 = tpu.vector_load %arg16[%swap3A_1275] {strides = array<i32>} : memref<8192xf32, #tpu.memory_space<vmem>>, vector<16xf32>,
      tpu.vector_store %arg16[%swap3A_1275], %gather3A_1270 {strides = array<i32>} : memref<8192xf32, #tpu.memory_space<vmem>>, vector<16xf32>,
      %add3A_1277 = arith.constant 14 : i32
      %add3A_1278 = vector.broadcast %add3A_1277 : i32 to vector<16xi32>
      %add3A_1279 = arith.addi %get3A_1067, %add3A_1278 : vector<16xi32>
      %gather3A_1280 = arith.constant 0 : i32
      %gather3A_1281 = arith.constant 0 : i32
      %gather3A_1282 = arith.constant 0 : i32
      %gather3A_1283 = tpu.memref_slice %arg14[%gather3A_1280, %gather3A_1281, %gather3A_1282] : memref<2x256x128xf32, #tpu.memory_space<vmem>> -> memref<1x256x128xf32, #tpu.memory_space<vmem>>
      %gather3A_1284 = tpu.memref_squeeze %gather3A_1283 : memref<1x256x128xf32, #tpu.memory_space<vmem>> -> memref<256x128xf32, #tpu.memory_space<vmem>>
      %gather3A_1285 = tpu.vector_load_idx %gather3A_1284[%add3A_1061, %add3A_1279] : memref<256x128xf32, #tpu.memory_space<vmem>>[vector<16xi32>, vector<16xi32>], vector<16xf32>,
      %mul3A_1286 = arith.constant 16 : i32
      %mul3A_1287 = arith.muli %scan3A_1057, %mul3A_1286 : i32
      %add3A_1288 = arith.constant 7168 : i32
      %add3A_1289 = arith.addi %add3A_1288, %mul3A_1287 : i32
      %swap3A_1290 = arith.index_cast %add3A_1289 : i32 to index
      %swap3A_1291 = tpu.vector_load %arg16[%swap3A_1290] {strides = array<i32>} : memref<8192xf32, #tpu.memory_space<vmem>>, vector<16xf32>,
      tpu.vector_store %arg16[%swap3A_1290], %gather3A_1285 {strides = array<i32>} : memref<8192xf32, #tpu.memory_space<vmem>>, vector<16xf32>,
      %add3A_1292 = arith.constant 15 : i32
      %add3A_1293 = vector.broadcast %add3A_1292 : i32 to vector<16xi32>
      %add3A_1294 = arith.addi %get3A_1067, %add3A_1293 : vector<16xi32>
      %gather3A_1295 = arith.constant 0 : i32
      %gather3A_1296 = arith.constant 0 : i32
      %gather3A_1297 = arith.constant 0 : i32
      %gather3A_1298 = tpu.memref_slice %arg14[%gather3A_1295, %gather3A_1296, %gather3A_1297] : memref<2x256x128xf32, #tpu.memory_space<vmem>> -> memref<1x256x128xf32, #tpu.memory_space<vmem>>
      %gather3A_1299 = tpu.memref_squeeze %gather3A_1298 : memref<1x256x128xf32, #tpu.memory_space<vmem>> -> memref<256x128xf32, #tpu.memory_space<vmem>>
      %gather3A_1300 = tpu.vector_load_idx %gather3A_1299[%add3A_1061, %add3A_1294] : memref<256x128xf32, #tpu.memory_space<vmem>>[vector<16xi32>, vector<16xi32>], vector<16xf32>,
      %mul3A_1301 = arith.constant 16 : i32
      %mul3A_1302 = arith.muli %scan3A_1057, %mul3A_1301 : i32
      %add3A_1303 = arith.constant 7680 : i32
      %add3A_1304 = arith.addi %add3A_1303, %mul3A_1302 : i32
      %swap3A_1305 = arith.index_cast %add3A_1304 : i32 to index
      %swap3A_1306 = tpu.vector_load %arg16[%swap3A_1305] {strides = array<i32>} : memref<8192xf32, #tpu.memory_space<vmem>>, vector<16xf32>,
      tpu.vector_store %arg16[%swap3A_1305], %gather3A_1300 {strides = array<i32>} : memref<8192xf32, #tpu.memory_space<vmem>>, vector<16xf32>,
    }
    %scan3A_1040 = arith.constant 16 : i32
    %dma_wait3A_1041 = arith.constant 1 : i32
    %dma_wait3A_1042 = arith.constant 0 : i32
    %dma_wait3A_1043 = arith.constant 0 : i32
    %dma_wait3A_1044 = tpu.memref_slice %arg14[%dma_wait3A_1041, %dma_wait3A_1042, %dma_wait3A_1043] : memref<2x256x128xf32, #tpu.memory_space<vmem>> -> memref<1x256x128xf32, #tpu.memory_space<vmem>>
    %dma_wait3A_1045 = tpu.memref_squeeze %dma_wait3A_1044 : memref<1x256x128xf32, #tpu.memory_space<vmem>> -> memref<256x128xf32, #tpu.memory_space<vmem>>
    %dma_wait3A_1046 = arith.constant 256 : i32
    %dma_wait3A_1047 = tpu.memref_slice %arg11[%dma_wait3A_1046] : memref<512xi32, #tpu.memory_space<vmem>> -> memref<256xi32, #tpu.memory_space<vmem>>
    %dma_wait3A_1048 = arith.constant 0 : i32
    %dma_wait3A_1049 = arith.constant 0 : i32
    %dma_wait3A_1050 = tpu.memref_slice %arg5[%dma_wait3A_1048, %dma_wait3A_1049] : memref<125000x128xf32, #tpu.memory_space<hbm>> -> memref<125000x128xf32, #tpu.memory_space<hbm>>
    tpu.wait_indirect_dma semaphore(%arg17 : memref<!tpu.dma_semaphore, #tpu.memory_space<semaphore_mem>>) src(%dma_wait3A_1050 : memref<125000x128xf32, #tpu.memory_space<hbm>>) dst(%dma_wait3A_1045 : memref<256x128xf32, #tpu.memory_space<vmem>>)
    %scan3A_1051 = arith.constant 0 : i32
    %scan3A_1052 = arith.constant 0 : i32
    %scan3A_1053 = arith.constant 16 : i32
    %scan3A_1054 = arith.addi %scan3A_1052, %scan3A_1053 : i32
    %scan3A_1055 = arith.constant 1 : i32
    scf.for %scan3A_1057 = %scan3A_1052 to %scan3A_1054 step %scan3A_1055  : i32 {
      %iota3A = tpu.iota {dimensions = array<i32: 0>} : vector<16xi32>
      %mul3A_1058 = arith.constant 16 : i32
      %mul3A_1059 = arith.muli %scan3A_1057, %mul3A_1058 : i32
      %add3A_1060 = vector.broadcast %mul3A_1059 : i32 to vector<16xi32>
      %add3A_1061 = arith.addi %iota3A, %add3A_1060 : vector<16xi32>
      %mul3A_1062 = arith.constant 16 : i32
      %mul3A_1063 = arith.muli %scan3A_1057, %mul3A_1062 : i32
      %add3A_1064 = arith.constant 256 : i32
      %add3A_1065 = arith.addi %add3A_1064, %mul3A_1063 : i32
      %get3A_1066 = arith.index_cast %add3A_1065 : i32 to index
      %get3A_1067 = tpu.vector_load %arg13[%get3A_1066] {strides = array<i32>} : memref<512xi32, #tpu.memory_space<vmem>>, vector<16xi32>,
      %add3A_1068 = arith.constant 0 : i32
      %add3A_1069 = vector.broadcast %add3A_1068 : i32 to vector<16xi32>
      %add3A_1070 = arith.addi %get3A_1067, %add3A_1069 : vector<16xi32>
      %gather3A = arith.constant 1 : i32
      %gather3A_1071 = arith.constant 0 : i32
      %gather3A_1072 = arith.constant 0 : i32
      %gather3A_1073 = tpu.memref_slice %arg14[%gather3A, %gather3A_1071, %gather3A_1072] : memref<2x256x128xf32, #tpu.memory_space<vmem>> -> memref<1x256x128xf32, #tpu.memory_space<vmem>>
      %gather3A_1074 = tpu.memref_squeeze %gather3A_1073 : memref<1x256x128xf32, #tpu.memory_space<vmem>> -> memref<256x128xf32, #tpu.memory_space<vmem>>
      %gather3A_1075 = tpu.vector_load_idx %gather3A_1074[%add3A_1061, %add3A_1070] : memref<256x128xf32, #tpu.memory_space<vmem>>[vector<16xi32>, vector<16xi32>], vector<16xf32>,
      %mul3A_1076 = arith.constant 16 : i32
      %mul3A_1077 = arith.muli %scan3A_1057, %mul3A_1076 : i32
      %add3A_1078 = arith.constant 256 : i32
      %add3A_1079 = arith.addi %add3A_1078, %mul3A_1077 : i32
      %swap3A_1080 = arith.index_cast %add3A_1079 : i32 to index
      %swap3A_1081 = tpu.vector_load %arg16[%swap3A_1080] {strides = array<i32>} : memref<8192xf32, #tpu.memory_space<vmem>>, vector<16xf32>,
      tpu.vector_store %arg16[%swap3A_1080], %gather3A_1075 {strides = array<i32>} : memref<8192xf32, #tpu.memory_space<vmem>>, vector<16xf32>,
      %add3A_1082 = arith.constant 1 : i32
      %add3A_1083 = vector.broadcast %add3A_1082 : i32 to vector<16xi32>
      %add3A_1084 = arith.addi %get3A_1067, %add3A_1083 : vector<16xi32>
      %gather3A_1085 = arith.constant 1 : i32
      %gather3A_1086 = arith.constant 0 : i32
      %gather3A_1087 = arith.constant 0 : i32
      %gather3A_1088 = tpu.memref_slice %arg14[%gather3A_1085, %gather3A_1086, %gather3A_1087] : memref<2x256x128xf32, #tpu.memory_space<vmem>> -> memref<1x256x128xf32, #tpu.memory_space<vmem>>
      %gather3A_1089 = tpu.memref_squeeze %gather3A_1088 : memref<1x256x128xf32, #tpu.memory_space<vmem>> -> memref<256x128xf32, #tpu.memory_space<vmem>>
      %gather3A_1090 = tpu.vector_load_idx %gather3A_1089[%add3A_1061, %add3A_1084] : memref<256x128xf32, #tpu.memory_space<vmem>>[vector<16xi32>, vector<16xi32>], vector<16xf32>,
      %mul3A_1091 = arith.constant 16 : i32
      %mul3A_1092 = arith.muli %scan3A_1057, %mul3A_1091 : i32
      %add3A_1093 = arith.constant 768 : i32
      %add3A_1094 = arith.addi %add3A_1093, %mul3A_1092 : i32
      %swap3A_1095 = arith.index_cast %add3A_1094 : i32 to index
      %swap3A_1096 = tpu.vector_load %arg16[%swap3A_1095] {strides = array<i32>} : memref<8192xf32, #tpu.memory_space<vmem>>, vector<16xf32>,
      tpu.vector_store %arg16[%swap3A_1095], %gather3A_1090 {strides = array<i32>} : memref<8192xf32, #tpu.memory_space<vmem>>, vector<16xf32>,
      %add3A_1097 = arith.constant 2 : i32
      %add3A_1098 = vector.broadcast %add3A_1097 : i32 to vector<16xi32>
      %add3A_1099 = arith.addi %get3A_1067, %add3A_1098 : vector<16xi32>
      %gather3A_1100 = arith.constant 1 : i32
      %gather3A_1101 = arith.constant 0 : i32
      %gather3A_1102 = arith.constant 0 : i32
      %gather3A_1103 = tpu.memref_slice %arg14[%gather3A_1100, %gather3A_1101, %gather3A_1102] : memref<2x256x128xf32, #tpu.memory_space<vmem>> -> memref<1x256x128xf32, #tpu.memory_space<vmem>>
      %gather3A_1104 = tpu.memref_squeeze %gather3A_1103 : memref<1x256x128xf32, #tpu.memory_space<vmem>> -> memref<256x128xf32, #tpu.memory_space<vmem>>
      %gather3A_1105 = tpu.vector_load_idx %gather3A_1104[%add3A_1061, %add3A_1099] : memref<256x128xf32, #tpu.memory_space<vmem>>[vector<16xi32>, vector<16xi32>], vector<16xf32>,
      %mul3A_1106 = arith.constant 16 : i32
      %mul3A_1107 = arith.muli %scan3A_1057, %mul3A_1106 : i32
      %add3A_1108 = arith.constant 1280 : i32
      %add3A_1109 = arith.addi %add3A_1108, %mul3A_1107 : i32
      %swap3A_1110 = arith.index_cast %add3A_1109 : i32 to index
      %swap3A_1111 = tpu.vector_load %arg16[%swap3A_1110] {strides = array<i32>} : memref<8192xf32, #tpu.memory_space<vmem>>, vector<16xf32>,
      tpu.vector_store %arg16[%swap3A_1110], %gather3A_1105 {strides = array<i32>} : memref<8192xf32, #tpu.memory_space<vmem>>, vector<16xf32>,
      %add3A_1112 = arith.constant 3 : i32
      %add3A_1113 = vector.broadcast %add3A_1112 : i32 to vector<16xi32>
      %add3A_1114 = arith.addi %get3A_1067, %add3A_1113 : vector<16xi32>
      %gather3A_1115 = arith.constant 1 : i32
      %gather3A_1116 = arith.constant 0 : i32
      %gather3A_1117 = arith.constant 0 : i32
      %gather3A_1118 = tpu.memref_slice %arg14[%gather3A_1115, %gather3A_1116, %gather3A_1117] : memref<2x256x128xf32, #tpu.memory_space<vmem>> -> memref<1x256x128xf32, #tpu.memory_space<vmem>>
      %gather3A_1119 = tpu.memref_squeeze %gather3A_1118 : memref<1x256x128xf32, #tpu.memory_space<vmem>> -> memref<256x128xf32, #tpu.memory_space<vmem>>
      %gather3A_1120 = tpu.vector_load_idx %gather3A_1119[%add3A_1061, %add3A_1114] : memref<256x128xf32, #tpu.memory_space<vmem>>[vector<16xi32>, vector<16xi32>], vector<16xf32>,
      %mul3A_1121 = arith.constant 16 : i32
      %mul3A_1122 = arith.muli %scan3A_1057, %mul3A_1121 : i32
      %add3A_1123 = arith.constant 1792 : i32
      %add3A_1124 = arith.addi %add3A_1123, %mul3A_1122 : i32
      %swap3A_1125 = arith.index_cast %add3A_1124 : i32 to index
      %swap3A_1126 = tpu.vector_load %arg16[%swap3A_1125] {strides = array<i32>} : memref<8192xf32, #tpu.memory_space<vmem>>, vector<16xf32>,
      tpu.vector_store %arg16[%swap3A_1125], %gather3A_1120 {strides = array<i32>} : memref<8192xf32, #tpu.memory_space<vmem>>, vector<16xf32>,
      %add3A_1127 = arith.constant 4 : i32
      %add3A_1128 = vector.broadcast %add3A_1127 : i32 to vector<16xi32>
      %add3A_1129 = arith.addi %get3A_1067, %add3A_1128 : vector<16xi32>
      %gather3A_1130 = arith.constant 1 : i32
      %gather3A_1131 = arith.constant 0 : i32
      %gather3A_1132 = arith.constant 0 : i32
      %gather3A_1133 = tpu.memref_slice %arg14[%gather3A_1130, %gather3A_1131, %gather3A_1132] : memref<2x256x128xf32, #tpu.memory_space<vmem>> -> memref<1x256x128xf32, #tpu.memory_space<vmem>>
      %gather3A_1134 = tpu.memref_squeeze %gather3A_1133 : memref<1x256x128xf32, #tpu.memory_space<vmem>> -> memref<256x128xf32, #tpu.memory_space<vmem>>
      %gather3A_1135 = tpu.vector_load_idx %gather3A_1134[%add3A_1061, %add3A_1129] : memref<256x128xf32, #tpu.memory_space<vmem>>[vector<16xi32>, vector<16xi32>], vector<16xf32>,
      %mul3A_1136 = arith.constant 16 : i32
      %mul3A_1137 = arith.muli %scan3A_1057, %mul3A_1136 : i32
      %add3A_1138 = arith.constant 2304 : i32
      %add3A_1139 = arith.addi %add3A_1138, %mul3A_1137 : i32
      %swap3A_1140 = arith.index_cast %add3A_1139 : i32 to index
      %swap3A_1141 = tpu.vector_load %arg16[%swap3A_1140] {strides = array<i32>} : memref<8192xf32, #tpu.memory_space<vmem>>, vector<16xf32>,
      tpu.vector_store %arg16[%swap3A_1140], %gather3A_1135 {strides = array<i32>} : memref<8192xf32, #tpu.memory_space<vmem>>, vector<16xf32>,
      %add3A_1142 = arith.constant 5 : i32
      %add3A_1143 = vector.broadcast %add3A_1142 : i32 to vector<16xi32>
      %add3A_1144 = arith.addi %get3A_1067, %add3A_1143 : vector<16xi32>
      %gather3A_1145 = arith.constant 1 : i32
      %gather3A_1146 = arith.constant 0 : i32
      %gather3A_1147 = arith.constant 0 : i32
      %gather3A_1148 = tpu.memref_slice %arg14[%gather3A_1145, %gather3A_1146, %gather3A_1147] : memref<2x256x128xf32, #tpu.memory_space<vmem>> -> memref<1x256x128xf32, #tpu.memory_space<vmem>>
      %gather3A_1149 = tpu.memref_squeeze %gather3A_1148 : memref<1x256x128xf32, #tpu.memory_space<vmem>> -> memref<256x128xf32, #tpu.memory_space<vmem>>
      %gather3A_1150 = tpu.vector_load_idx %gather3A_1149[%add3A_1061, %add3A_1144] : memref<256x128xf32, #tpu.memory_space<vmem>>[vector<16xi32>, vector<16xi32>], vector<16xf32>,
      %mul3A_1151 = arith.constant 16 : i32
      %mul3A_1152 = arith.muli %scan3A_1057, %mul3A_1151 : i32
      %add3A_1153 = arith.constant 2816 : i32
      %add3A_1154 = arith.addi %add3A_1153, %mul3A_1152 : i32
      %swap3A_1155 = arith.index_cast %add3A_1154 : i32 to index
      %swap3A_1156 = tpu.vector_load %arg16[%swap3A_1155] {strides = array<i32>} : memref<8192xf32, #tpu.memory_space<vmem>>, vector<16xf32>,
      tpu.vector_store %arg16[%swap3A_1155], %gather3A_1150 {strides = array<i32>} : memref<8192xf32, #tpu.memory_space<vmem>>, vector<16xf32>,
      %add3A_1157 = arith.constant 6 : i32
      %add3A_1158 = vector.broadcast %add3A_1157 : i32 to vector<16xi32>
      %add3A_1159 = arith.addi %get3A_1067, %add3A_1158 : vector<16xi32>
      %gather3A_1160 = arith.constant 1 : i32
      %gather3A_1161 = arith.constant 0 : i32
      %gather3A_1162 = arith.constant 0 : i32
      %gather3A_1163 = tpu.memref_slice %arg14[%gather3A_1160, %gather3A_1161, %gather3A_1162] : memref<2x256x128xf32, #tpu.memory_space<vmem>> -> memref<1x256x128xf32, #tpu.memory_space<vmem>>
      %gather3A_1164 = tpu.memref_squeeze %gather3A_1163 : memref<1x256x128xf32, #tpu.memory_space<vmem>> -> memref<256x128xf32, #tpu.memory_space<vmem>>
      %gather3A_1165 = tpu.vector_load_idx %gather3A_1164[%add3A_1061, %add3A_1159] : memref<256x128xf32, #tpu.memory_space<vmem>>[vector<16xi32>, vector<16xi32>], vector<16xf32>,
      %mul3A_1166 = arith.constant 16 : i32
      %mul3A_1167 = arith.muli %scan3A_1057, %mul3A_1166 : i32
      %add3A_1168 = arith.constant 3328 : i32
      %add3A_1169 = arith.addi %add3A_1168, %mul3A_1167 : i32
      %swap3A_1170 = arith.index_cast %add3A_1169 : i32 to index
      %swap3A_1171 = tpu.vector_load %arg16[%swap3A_1170] {strides = array<i32>} : memref<8192xf32, #tpu.memory_space<vmem>>, vector<16xf32>,
      tpu.vector_store %arg16[%swap3A_1170], %gather3A_1165 {strides = array<i32>} : memref<8192xf32, #tpu.memory_space<vmem>>, vector<16xf32>,
      %add3A_1172 = arith.constant 7 : i32
      %add3A_1173 = vector.broadcast %add3A_1172 : i32 to vector<16xi32>
      %add3A_1174 = arith.addi %get3A_1067, %add3A_1173 : vector<16xi32>
      %gather3A_1175 = arith.constant 1 : i32
      %gather3A_1176 = arith.constant 0 : i32
      %gather3A_1177 = arith.constant 0 : i32
      %gather3A_1178 = tpu.memref_slice %arg14[%gather3A_1175, %gather3A_1176, %gather3A_1177] : memref<2x256x128xf32, #tpu.memory_space<vmem>> -> memref<1x256x128xf32, #tpu.memory_space<vmem>>
      %gather3A_1179 = tpu.memref_squeeze %gather3A_1178 : memref<1x256x128xf32, #tpu.memory_space<vmem>> -> memref<256x128xf32, #tpu.memory_space<vmem>>
      %gather3A_1180 = tpu.vector_load_idx %gather3A_1179[%add3A_1061, %add3A_1174] : memref<256x128xf32, #tpu.memory_space<vmem>>[vector<16xi32>, vector<16xi32>], vector<16xf32>,
      %mul3A_1181 = arith.constant 16 : i32
      %mul3A_1182 = arith.muli %scan3A_1057, %mul3A_1181 : i32
      %add3A_1183 = arith.constant 3840 : i32
      %add3A_1184 = arith.addi %add3A_1183, %mul3A_1182 : i32
      %swap3A_1185 = arith.index_cast %add3A_1184 : i32 to index
      %swap3A_1186 = tpu.vector_load %arg16[%swap3A_1185] {strides = array<i32>} : memref<8192xf32, #tpu.memory_space<vmem>>, vector<16xf32>,
      tpu.vector_store %arg16[%swap3A_1185], %gather3A_1180 {strides = array<i32>} : memref<8192xf32, #tpu.memory_space<vmem>>, vector<16xf32>,
      %add3A_1187 = arith.constant 8 : i32
      %add3A_1188 = vector.broadcast %add3A_1187 : i32 to vector<16xi32>
      %add3A_1189 = arith.addi %get3A_1067, %add3A_1188 : vector<16xi32>
      %gather3A_1190 = arith.constant 1 : i32
      %gather3A_1191 = arith.constant 0 : i32
      %gather3A_1192 = arith.constant 0 : i32
      %gather3A_1193 = tpu.memref_slice %arg14[%gather3A_1190, %gather3A_1191, %gather3A_1192] : memref<2x256x128xf32, #tpu.memory_space<vmem>> -> memref<1x256x128xf32, #tpu.memory_space<vmem>>
      %gather3A_1194 = tpu.memref_squeeze %gather3A_1193 : memref<1x256x128xf32, #tpu.memory_space<vmem>> -> memref<256x128xf32, #tpu.memory_space<vmem>>
      %gather3A_1195 = tpu.vector_load_idx %gather3A_1194[%add3A_1061, %add3A_1189] : memref<256x128xf32, #tpu.memory_space<vmem>>[vector<16xi32>, vector<16xi32>], vector<16xf32>,
      %mul3A_1196 = arith.constant 16 : i32
      %mul3A_1197 = arith.muli %scan3A_1057, %mul3A_1196 : i32
      %add3A_1198 = arith.constant 4352 : i32
      %add3A_1199 = arith.addi %add3A_1198, %mul3A_1197 : i32
      %swap3A_1200 = arith.index_cast %add3A_1199 : i32 to index
      %swap3A_1201 = tpu.vector_load %arg16[%swap3A_1200] {strides = array<i32>} : memref<8192xf32, #tpu.memory_space<vmem>>, vector<16xf32>,
      tpu.vector_store %arg16[%swap3A_1200], %gather3A_1195 {strides = array<i32>} : memref<8192xf32, #tpu.memory_space<vmem>>, vector<16xf32>,
      %add3A_1202 = arith.constant 9 : i32
      %add3A_1203 = vector.broadcast %add3A_1202 : i32 to vector<16xi32>
      %add3A_1204 = arith.addi %get3A_1067, %add3A_1203 : vector<16xi32>
      %gather3A_1205 = arith.constant 1 : i32
      %gather3A_1206 = arith.constant 0 : i32
      %gather3A_1207 = arith.constant 0 : i32
      %gather3A_1208 = tpu.memref_slice %arg14[%gather3A_1205, %gather3A_1206, %gather3A_1207] : memref<2x256x128xf32, #tpu.memory_space<vmem>> -> memref<1x256x128xf32, #tpu.memory_space<vmem>>
      %gather3A_1209 = tpu.memref_squeeze %gather3A_1208 : memref<1x256x128xf32, #tpu.memory_space<vmem>> -> memref<256x128xf32, #tpu.memory_space<vmem>>
      %gather3A_1210 = tpu.vector_load_idx %gather3A_1209[%add3A_1061, %add3A_1204] : memref<256x128xf32, #tpu.memory_space<vmem>>[vector<16xi32>, vector<16xi32>], vector<16xf32>,
      %mul3A_1211 = arith.constant 16 : i32
      %mul3A_1212 = arith.muli %scan3A_1057, %mul3A_1211 : i32
      %add3A_1213 = arith.constant 4864 : i32
      %add3A_1214 = arith.addi %add3A_1213, %mul3A_1212 : i32
      %swap3A_1215 = arith.index_cast %add3A_1214 : i32 to index
      %swap3A_1216 = tpu.vector_load %arg16[%swap3A_1215] {strides = array<i32>} : memref<8192xf32, #tpu.memory_space<vmem>>, vector<16xf32>,
      tpu.vector_store %arg16[%swap3A_1215], %gather3A_1210 {strides = array<i32>} : memref<8192xf32, #tpu.memory_space<vmem>>, vector<16xf32>,
      %add3A_1217 = arith.constant 10 : i32
      %add3A_1218 = vector.broadcast %add3A_1217 : i32 to vector<16xi32>
      %add3A_1219 = arith.addi %get3A_1067, %add3A_1218 : vector<16xi32>
      %gather3A_1220 = arith.constant 1 : i32
      %gather3A_1221 = arith.constant 0 : i32
      %gather3A_1222 = arith.constant 0 : i32
      %gather3A_1223 = tpu.memref_slice %arg14[%gather3A_1220, %gather3A_1221, %gather3A_1222] : memref<2x256x128xf32, #tpu.memory_space<vmem>> -> memref<1x256x128xf32, #tpu.memory_space<vmem>>
      %gather3A_1224 = tpu.memref_squeeze %gather3A_1223 : memref<1x256x128xf32, #tpu.memory_space<vmem>> -> memref<256x128xf32, #tpu.memory_space<vmem>>
      %gather3A_1225 = tpu.vector_load_idx %gather3A_1224[%add3A_1061, %add3A_1219] : memref<256x128xf32, #tpu.memory_space<vmem>>[vector<16xi32>, vector<16xi32>], vector<16xf32>,
      %mul3A_1226 = arith.constant 16 : i32
      %mul3A_1227 = arith.muli %scan3A_1057, %mul3A_1226 : i32
      %add3A_1228 = arith.constant 5376 : i32
      %add3A_1229 = arith.addi %add3A_1228, %mul3A_1227 : i32
      %swap3A_1230 = arith.index_cast %add3A_1229 : i32 to index
      %swap3A_1231 = tpu.vector_load %arg16[%swap3A_1230] {strides = array<i32>} : memref<8192xf32, #tpu.memory_space<vmem>>, vector<16xf32>,
      tpu.vector_store %arg16[%swap3A_1230], %gather3A_1225 {strides = array<i32>} : memref<8192xf32, #tpu.memory_space<vmem>>, vector<16xf32>,
      %add3A_1232 = arith.constant 11 : i32
      %add3A_1233 = vector.broadcast %add3A_1232 : i32 to vector<16xi32>
      %add3A_1234 = arith.addi %get3A_1067, %add3A_1233 : vector<16xi32>
      %gather3A_1235 = arith.constant 1 : i32
      %gather3A_1236 = arith.constant 0 : i32
      %gather3A_1237 = arith.constant 0 : i32
      %gather3A_1238 = tpu.memref_slice %arg14[%gather3A_1235, %gather3A_1236, %gather3A_1237] : memref<2x256x128xf32, #tpu.memory_space<vmem>> -> memref<1x256x128xf32, #tpu.memory_space<vmem>>
      %gather3A_1239 = tpu.memref_squeeze %gather3A_1238 : memref<1x256x128xf32, #tpu.memory_space<vmem>> -> memref<256x128xf32, #tpu.memory_space<vmem>>
      %gather3A_1240 = tpu.vector_load_idx %gather3A_1239[%add3A_1061, %add3A_1234] : memref<256x128xf32, #tpu.memory_space<vmem>>[vector<16xi32>, vector<16xi32>], vector<16xf32>,
      %mul3A_1241 = arith.constant 16 : i32
      %mul3A_1242 = arith.muli %scan3A_1057, %mul3A_1241 : i32
      %add3A_1243 = arith.constant 5888 : i32
      %add3A_1244 = arith.addi %add3A_1243, %mul3A_1242 : i32
      %swap3A_1245 = arith.index_cast %add3A_1244 : i32 to index
      %swap3A_1246 = tpu.vector_load %arg16[%swap3A_1245] {strides = array<i32>} : memref<8192xf32, #tpu.memory_space<vmem>>, vector<16xf32>,
      tpu.vector_store %arg16[%swap3A_1245], %gather3A_1240 {strides = array<i32>} : memref<8192xf32, #tpu.memory_space<vmem>>, vector<16xf32>,
      %add3A_1247 = arith.constant 12 : i32
      %add3A_1248 = vector.broadcast %add3A_1247 : i32 to vector<16xi32>
      %add3A_1249 = arith.addi %get3A_1067, %add3A_1248 : vector<16xi32>
      %gather3A_1250 = arith.constant 1 : i32
      %gather3A_1251 = arith.constant 0 : i32
      %gather3A_1252 = arith.constant 0 : i32
      %gather3A_1253 = tpu.memref_slice %arg14[%gather3A_1250, %gather3A_1251, %gather3A_1252] : memref<2x256x128xf32, #tpu.memory_space<vmem>> -> memref<1x256x128xf32, #tpu.memory_space<vmem>>
      %gather3A_1254 = tpu.memref_squeeze %gather3A_1253 : memref<1x256x128xf32, #tpu.memory_space<vmem>> -> memref<256x128xf32, #tpu.memory_space<vmem>>
      %gather3A_1255 = tpu.vector_load_idx %gather3A_1254[%add3A_1061, %add3A_1249] : memref<256x128xf32, #tpu.memory_space<vmem>>[vector<16xi32>, vector<16xi32>], vector<16xf32>,
      %mul3A_1256 = arith.constant 16 : i32
      %mul3A_1257 = arith.muli %scan3A_1057, %mul3A_1256 : i32
      %add3A_1258 = arith.constant 6400 : i32
      %add3A_1259 = arith.addi %add3A_1258, %mul3A_1257 : i32
      %swap3A_1260 = arith.index_cast %add3A_1259 : i32 to index
      %swap3A_1261 = tpu.vector_load %arg16[%swap3A_1260] {strides = array<i32>} : memref<8192xf32, #tpu.memory_space<vmem>>, vector<16xf32>,
      tpu.vector_store %arg16[%swap3A_1260], %gather3A_1255 {strides = array<i32>} : memref<8192xf32, #tpu.memory_space<vmem>>, vector<16xf32>,
      %add3A_1262 = arith.constant 13 : i32
      %add3A_1263 = vector.broadcast %add3A_1262 : i32 to vector<16xi32>
      %add3A_1264 = arith.addi %get3A_1067, %add3A_1263 : vector<16xi32>
      %gather3A_1265 = arith.constant 1 : i32
      %gather3A_1266 = arith.constant 0 : i32
      %gather3A_1267 = arith.constant 0 : i32
      %gather3A_1268 = tpu.memref_slice %arg14[%gather3A_1265, %gather3A_1266, %gather3A_1267] : memref<2x256x128xf32, #tpu.memory_space<vmem>> -> memref<1x256x128xf32, #tpu.memory_space<vmem>>
      %gather3A_1269 = tpu.memref_squeeze %gather3A_1268 : memref<1x256x128xf32, #tpu.memory_space<vmem>> -> memref<256x128xf32, #tpu.memory_space<vmem>>
      %gather3A_1270 = tpu.vector_load_idx %gather3A_1269[%add3A_1061, %add3A_1264] : memref<256x128xf32, #tpu.memory_space<vmem>>[vector<16xi32>, vector<16xi32>], vector<16xf32>,
      %mul3A_1271 = arith.constant 16 : i32
      %mul3A_1272 = arith.muli %scan3A_1057, %mul3A_1271 : i32
      %add3A_1273 = arith.constant 6912 : i32
      %add3A_1274 = arith.addi %add3A_1273, %mul3A_1272 : i32
      %swap3A_1275 = arith.index_cast %add3A_1274 : i32 to index
      %swap3A_1276 = tpu.vector_load %arg16[%swap3A_1275] {strides = array<i32>} : memref<8192xf32, #tpu.memory_space<vmem>>, vector<16xf32>,
      tpu.vector_store %arg16[%swap3A_1275], %gather3A_1270 {strides = array<i32>} : memref<8192xf32, #tpu.memory_space<vmem>>, vector<16xf32>,
      %add3A_1277 = arith.constant 14 : i32
      %add3A_1278 = vector.broadcast %add3A_1277 : i32 to vector<16xi32>
      %add3A_1279 = arith.addi %get3A_1067, %add3A_1278 : vector<16xi32>
      %gather3A_1280 = arith.constant 1 : i32
      %gather3A_1281 = arith.constant 0 : i32
      %gather3A_1282 = arith.constant 0 : i32
      %gather3A_1283 = tpu.memref_slice %arg14[%gather3A_1280, %gather3A_1281, %gather3A_1282] : memref<2x256x128xf32, #tpu.memory_space<vmem>> -> memref<1x256x128xf32, #tpu.memory_space<vmem>>
      %gather3A_1284 = tpu.memref_squeeze %gather3A_1283 : memref<1x256x128xf32, #tpu.memory_space<vmem>> -> memref<256x128xf32, #tpu.memory_space<vmem>>
      %gather3A_1285 = tpu.vector_load_idx %gather3A_1284[%add3A_1061, %add3A_1279] : memref<256x128xf32, #tpu.memory_space<vmem>>[vector<16xi32>, vector<16xi32>], vector<16xf32>,
      %mul3A_1286 = arith.constant 16 : i32
      %mul3A_1287 = arith.muli %scan3A_1057, %mul3A_1286 : i32
      %add3A_1288 = arith.constant 7424 : i32
      %add3A_1289 = arith.addi %add3A_1288, %mul3A_1287 : i32
      %swap3A_1290 = arith.index_cast %add3A_1289 : i32 to index
      %swap3A_1291 = tpu.vector_load %arg16[%swap3A_1290] {strides = array<i32>} : memref<8192xf32, #tpu.memory_space<vmem>>, vector<16xf32>,
      tpu.vector_store %arg16[%swap3A_1290], %gather3A_1285 {strides = array<i32>} : memref<8192xf32, #tpu.memory_space<vmem>>, vector<16xf32>,
      %add3A_1292 = arith.constant 15 : i32
      %add3A_1293 = vector.broadcast %add3A_1292 : i32 to vector<16xi32>
      %add3A_1294 = arith.addi %get3A_1067, %add3A_1293 : vector<16xi32>
      %gather3A_1295 = arith.constant 1 : i32
      %gather3A_1296 = arith.constant 0 : i32
      %gather3A_1297 = arith.constant 0 : i32
      %gather3A_1298 = tpu.memref_slice %arg14[%gather3A_1295, %gather3A_1296, %gather3A_1297] : memref<2x256x128xf32, #tpu.memory_space<vmem>> -> memref<1x256x128xf32, #tpu.memory_space<vmem>>
      %gather3A_1299 = tpu.memref_squeeze %gather3A_1298 : memref<1x256x128xf32, #tpu.memory_space<vmem>> -> memref<256x128xf32, #tpu.memory_space<vmem>>
      %gather3A_1300 = tpu.vector_load_idx %gather3A_1299[%add3A_1061, %add3A_1294] : memref<256x128xf32, #tpu.memory_space<vmem>>[vector<16xi32>, vector<16xi32>], vector<16xf32>,
      %mul3A_1301 = arith.constant 16 : i32
      %mul3A_1302 = arith.muli %scan3A_1057, %mul3A_1301 : i32
      %add3A_1303 = arith.constant 7936 : i32
      %add3A_1304 = arith.addi %add3A_1303, %mul3A_1302 : i32
      %swap3A_1305 = arith.index_cast %add3A_1304 : i32 to index
      %swap3A_1306 = tpu.vector_load %arg16[%swap3A_1305] {strides = array<i32>} : memref<8192xf32, #tpu.memory_space<vmem>>, vector<16xf32>,
      tpu.vector_store %arg16[%swap3A_1305], %gather3A_1300 {strides = array<i32>} : memref<8192xf32, #tpu.memory_space<vmem>>, vector<16xf32>,
    }
    %scan3A_1056 = arith.constant 16 : i32
    "tpu.region"() ({
      %run_scoped3A = tpu.sem_alloc : memref<!tpu.dma_semaphore, #tpu.memory_space<semaphore_mem>>
      %dma_start3A_1057 = arith.constant 0 : i32
      %dma_start3A_1058 = tpu.memref_slice %arg6[%add3A, %dma_start3A_1057] : memref<32x8192xf32, #tpu.memory_space<hbm>> -> memref<1x8192xf32, #tpu.memory_space<hbm>>
      %dma_start3A_1059 = tpu.memref_squeeze %dma_start3A_1058 : memref<1x8192xf32, #tpu.memory_space<hbm>> -> memref<8192xf32, #tpu.memory_space<hbm>>
      %dma_start3A_1060 = arith.constant 0 : i32
      %dma_start3A_1061 = tpu.memref_slice %arg6[%add3A, %dma_start3A_1060] : memref<32x8192xf32, #tpu.memory_space<hbm>> -> memref<1x8192xf32, #tpu.memory_space<hbm>>
      %dma_start3A_1062 = tpu.memref_squeeze %dma_start3A_1061 : memref<1x8192xf32, #tpu.memory_space<hbm>> -> memref<8192xf32, #tpu.memory_space<hbm>>
      tpu.enqueue_dma source(%arg15 : memref<8192xf32, #tpu.memory_space<vmem>>) target(%dma_start3A_1062 : memref<8192xf32, #tpu.memory_space<hbm>>) target_semaphore(%run_scoped3A : memref<!tpu.dma_semaphore, #tpu.memory_space<semaphore_mem>>)
      %dma_wait3A_1063 = arith.constant 0 : i32
      %dma_wait3A_1064 = tpu.memref_slice %arg6[%add3A, %dma_wait3A_1063] : memref<32x8192xf32, #tpu.memory_space<hbm>> -> memref<1x8192xf32, #tpu.memory_space<hbm>>
      %dma_wait3A_1065 = tpu.memref_squeeze %dma_wait3A_1064 : memref<1x8192xf32, #tpu.memory_space<hbm>> -> memref<8192xf32, #tpu.memory_space<hbm>>
      %dma_wait3A_1066 = arith.constant 0 : i32
      %dma_wait3A_1067 = tpu.memref_slice %arg6[%add3A, %dma_wait3A_1066] : memref<32x8192xf32, #tpu.memory_space<hbm>> -> memref<1x8192xf32, #tpu.memory_space<hbm>>
      %dma_wait3A_1068 = tpu.memref_squeeze %dma_wait3A_1067 : memref<1x8192xf32, #tpu.memory_space<hbm>> -> memref<8192xf32, #tpu.memory_space<hbm>>
      tpu.wait_dma2 semaphore(%run_scoped3A : memref<!tpu.dma_semaphore, #tpu.memory_space<semaphore_mem>>) src(%arg15 : memref<8192xf32, #tpu.memory_space<vmem>>) dst(%dma_wait3A_1068 : memref<8192xf32, #tpu.memory_space<hbm>>)
      tpu.yield
    }) : () -> ()
    "tpu.region"() ({
      %run_scoped3A = tpu.sem_alloc : memref<!tpu.dma_semaphore, #tpu.memory_space<semaphore_mem>>
      %dma_start3A_1057 = arith.constant 0 : i32
      %dma_start3A_1058 = tpu.memref_slice %arg7[%add3A, %dma_start3A_1057] : memref<32x8192xf32, #tpu.memory_space<hbm>> -> memref<1x8192xf32, #tpu.memory_space<hbm>>
      %dma_start3A_1059 = tpu.memref_squeeze %dma_start3A_1058 : memref<1x8192xf32, #tpu.memory_space<hbm>> -> memref<8192xf32, #tpu.memory_space<hbm>>
      %dma_start3A_1060 = arith.constant 0 : i32
      %dma_start3A_1061 = tpu.memref_slice %arg7[%add3A, %dma_start3A_1060] : memref<32x8192xf32, #tpu.memory_space<hbm>> -> memref<1x8192xf32, #tpu.memory_space<hbm>>
      %dma_start3A_1062 = tpu.memref_squeeze %dma_start3A_1061 : memref<1x8192xf32, #tpu.memory_space<hbm>> -> memref<8192xf32, #tpu.memory_space<hbm>>
      tpu.enqueue_dma source(%arg16 : memref<8192xf32, #tpu.memory_space<vmem>>) target(%dma_start3A_1062 : memref<8192xf32, #tpu.memory_space<hbm>>) target_semaphore(%run_scoped3A : memref<!tpu.dma_semaphore, #tpu.memory_space<semaphore_mem>>)
      %dma_wait3A_1063 = arith.constant 0 : i32
      %dma_wait3A_1064 = tpu.memref_slice %arg7[%add3A, %dma_wait3A_1063] : memref<32x8192xf32, #tpu.memory_space<hbm>> -> memref<1x8192xf32, #tpu.memory_space<hbm>>
      %dma_wait3A_1065 = tpu.memref_squeeze %dma_wait3A_1064 : memref<1x8192xf32, #tpu.memory_space<hbm>> -> memref<8192xf32, #tpu.memory_space<hbm>>
      %dma_wait3A_1066 = arith.constant 0 : i32
      %dma_wait3A_1067 = tpu.memref_slice %arg7[%add3A, %dma_wait3A_1066] : memref<32x8192xf32, #tpu.memory_space<hbm>> -> memref<1x8192xf32, #tpu.memory_space<hbm>>
      %dma_wait3A_1068 = tpu.memref_squeeze %dma_wait3A_1067 : memref<1x8192xf32, #tpu.memory_space<hbm>> -> memref<8192xf32, #tpu.memory_space<hbm>>
      tpu.wait_dma2 semaphore(%run_scoped3A : memref<!tpu.dma_semaphore, #tpu.memory_space<semaphore_mem>>) src(%arg16 : memref<8192xf32, #tpu.memory_space<vmem>>) dst(%dma_wait3A_1068 : memref<8192xf32, #tpu.memory_space<hbm>>)
      tpu.yield
    }) : () -> ()
    return
  }
}

module attributes {stable_mosaic.version = 14 : i64} {
  func.func @_tc_body(%arg0: i32, %arg1: memref<1x1x512xi32, #tpu.memory_space<vmem>>, %arg2: memref<1x1x512xi32, #tpu.memory_space<vmem>>, %arg3: memref<1x1x512xi32, #tpu.memory_space<vmem>>, %arg4: memref<1x16x512xf32, #tpu.memory_space<vmem>>, %arg5: memref<1x16x512xf32, #tpu.memory_space<vmem>>, %arg6: memref<2x16xf32, #tpu.memory_space<vmem>>, %arg7: memref<7x16xf32, #tpu.memory_space<vmem>>, %arg8: memref<21x16xf32, #tpu.memory_space<vmem>>, %arg9: memref<32x16xf32, #tpu.memory_space<vmem>>, %arg10: memref<16xf32, #tpu.memory_space<vmem>>, %arg11: memref<16x1xf32, #tpu.memory_space<vmem>>, %arg12: memref<32x1xf32, #tpu.memory_space<vmem>>, %arg13: memref<1xf32, #tpu.memory_space<vmem>>, %arg14: memref<1x512xf32, #tpu.memory_space<vmem>>, %arg15: memref<1x512xf32, #tpu.memory_space<vmem>>, %arg16: memref<1x512xf32, #tpu.memory_space<vmem>>, %arg17: memref<1x512xf32, #tpu.memory_space<vmem>>) attributes {dimension_semantics = [#tpu.dimension_semantics<arbitrary>], iteration_bounds = array<i64: 32>, scalar_prefetch = 0 : i64, scratch_operands = 0 : i64, tpu.core_type = #tpu.core_type<tc>, window_params = [{transform_indices = @transform_0, window_bounds = array<i64: 1, 1, 512>}, {transform_indices = @transform_1, window_bounds = array<i64: 1, 1, 512>}, {transform_indices = @transform_2, window_bounds = array<i64: 1, 1, 512>}, {transform_indices = @transform_3, window_bounds = array<i64: 1, 16, 512>}, {transform_indices = @transform_4, window_bounds = array<i64: 1, 16, 512>}, {pipeline_mode = #tpu.pipeline_mode<synchronous>, transform_indices = @transform_5, window_bounds = array<i64: 2, 16>}, {pipeline_mode = #tpu.pipeline_mode<synchronous>, transform_indices = @transform_6, window_bounds = array<i64: 7, 16>}, {pipeline_mode = #tpu.pipeline_mode<synchronous>, transform_indices = @transform_7, window_bounds = array<i64: 21, 16>}, {pipeline_mode = #tpu.pipeline_mode<synchronous>, transform_indices = @transform_8, window_bounds = array<i64: 32, 16>}, {pipeline_mode = #tpu.pipeline_mode<synchronous>, transform_indices = @transform_9, window_bounds = array<i64: 16>}, {pipeline_mode = #tpu.pipeline_mode<synchronous>, transform_indices = @transform_10, window_bounds = array<i64: 16, 1>}, {pipeline_mode = #tpu.pipeline_mode<synchronous>, transform_indices = @transform_11, window_bounds = array<i64: 32, 1>}, {pipeline_mode = #tpu.pipeline_mode<synchronous>, transform_indices = @transform_12, window_bounds = array<i64: 1>}, {transform_indices = @transform_13, window_bounds = array<i64: 1, 512>}, {transform_indices = @transform_14, window_bounds = array<i64: 1, 512>}, {transform_indices = @transform_15, window_bounds = array<i64: 1, 512>}, {transform_indices = @transform_16, window_bounds = array<i64: 1, 512>}]} {
    %get3A = arith.constant 0 : index
    %get3A_0 = arith.constant 0 : index
    %get3A_1 = arith.constant 0 : index
    %get3A_2 = vector.load %arg4[%get3A, %get3A_0, %get3A_1] : memref<1x16x512xf32, #tpu.memory_space<vmem>>, vector<1x16x512xf32>
    %get3A_3 = vector.shape_cast %get3A_2 : vector<1x16x512xf32> to vector<16x512xf32>
    %get3A_4 = arith.constant 0 : index
    %get3A_5 = arith.constant 0 : index
    %get3A_6 = arith.constant 0 : index
    %get3A_7 = vector.load %arg5[%get3A_4, %get3A_5, %get3A_6] : memref<1x16x512xf32, #tpu.memory_space<vmem>>, vector<1x16x512xf32>
    %get3A_8 = vector.shape_cast %get3A_7 : vector<1x16x512xf32> to vector<16x512xf32>
    %get3A_9 = arith.constant 0 : index
    %get3A_10 = arith.constant 0 : index
    %get3A_11 = arith.constant 0 : index
    %get3A_12 = vector.load %arg1[%get3A_9, %get3A_10, %get3A_11] : memref<1x1x512xi32, #tpu.memory_space<vmem>>, vector<1x1x512xi32>
    %get3A_13 = vector.shape_cast %get3A_12 : vector<1x1x512xi32> to vector<512xi32>
    %get3A_14 = arith.constant 0 : index
    %get3A_15 = arith.constant 0 : index
    %get3A_16 = arith.constant 0 : index
    %get3A_17 = vector.load %arg2[%get3A_14, %get3A_15, %get3A_16] : memref<1x1x512xi32, #tpu.memory_space<vmem>>, vector<1x1x512xi32>
    %get3A_18 = vector.shape_cast %get3A_17 : vector<1x1x512xi32> to vector<512xi32>
    %get3A_19 = arith.constant 0 : index
    %get3A_20 = arith.constant 0 : index
    %get3A_21 = arith.constant 0 : index
    %get3A_22 = vector.load %arg3[%get3A_19, %get3A_20, %get3A_21] : memref<1x1x512xi32, #tpu.memory_space<vmem>>, vector<1x1x512xi32>
    %get3A_23 = vector.shape_cast %get3A_22 : vector<1x1x512xi32> to vector<512xi32>
    %get3A_24 = arith.constant 0 : index
    %get3A_25 = arith.constant 0 : index
    %get3A_26 = vector.load %arg6[%get3A_24, %get3A_25] : memref<2x16xf32, #tpu.memory_space<vmem>>, vector<2x16xf32>
    %get3A_27 = arith.constant 0 : index
    %get3A_28 = arith.constant 0 : index
    %get3A_29 = vector.load %arg7[%get3A_27, %get3A_28] : memref<7x16xf32, #tpu.memory_space<vmem>>, vector<7x16xf32>
    %get3A_30 = arith.constant 0 : index
    %get3A_31 = arith.constant 0 : index
    %get3A_32 = vector.load %arg8[%get3A_30, %get3A_31] : memref<21x16xf32, #tpu.memory_space<vmem>>, vector<21x16xf32>
    %concatenate3A = tpu.concatenate %get3A_26, %get3A_29, %get3A_32 in 0 : vector<2x16xf32>, vector<7x16xf32>, vector<21x16xf32> -> vector<30x16xf32>
    %get3A_33 = arith.constant 0 : index
    %get3A_34 = arith.constant 0 : index
    %get3A_35 = vector.load %arg9[%get3A_33, %get3A_34] : memref<32x16xf32, #tpu.memory_space<vmem>>, vector<32x16xf32>
    %slice3A = vector.extract_strided_slice %get3A_35 {offsets = [0, 0], sizes = [16, 16], strides = [1, 1]} : vector<32x16xf32> to vector<16x16xf32>
    %slice3A_36 = vector.extract_strided_slice %get3A_35 {offsets = [16, 0], sizes = [16, 16], strides = [1, 1]} : vector<32x16xf32> to vector<16x16xf32>
    %get3A_37 = arith.constant 0 : index
    %get3A_38 = vector.load %arg10[%get3A_37] : memref<16xf32, #tpu.memory_space<vmem>>, vector<16xf32>
    %broadcast_in_dim3A = vector.shape_cast %get3A_38 : vector<16xf32> to vector<16x1xf32>
    %get3A_39 = arith.constant 0 : index
    %get3A_40 = arith.constant 0 : index
    %get3A_41 = vector.load %arg11[%get3A_39, %get3A_40] : memref<16x1xf32, #tpu.memory_space<vmem>>, vector<16x1xf32>
    %get3A_42 = arith.constant 0 : index
    %get3A_43 = arith.constant 0 : index
    %get3A_44 = vector.load %arg12[%get3A_42, %get3A_43] : memref<32x1xf32, #tpu.memory_space<vmem>>, vector<32x1xf32>
    %slice3A_45 = vector.extract_strided_slice %get3A_44 {offsets = [0, 0], sizes = [16, 1], strides = [1, 1]} : vector<32x1xf32> to vector<16x1xf32>
    %slice3A_46 = vector.extract_strided_slice %get3A_44 {offsets = [16, 0], sizes = [16, 1], strides = [1, 1]} : vector<32x1xf32> to vector<16x1xf32>
    %get3A_47 = arith.constant 0 : index
    %get3A_48 = vector.load %arg13[%get3A_47] : memref<1xf32, #tpu.memory_space<vmem>>, vector<1xf32>
    %get3A_49 = vector.extract %get3A_48[0] : f32 from vector<1xf32>
    %iota3A = tpu.iota {dimensions = array<i32: 0>} : vector<30x512xi32>
    %broadcast_in_dim3A_50 = vector.shape_cast %get3A_13 : vector<512xi32> to vector<1x512xi32>
    %eq3A = vector.broadcast %broadcast_in_dim3A_50 : vector<1x512xi32> to vector<30x512xi32>
    %eq3A_51 = arith.cmpi eq, %eq3A, %iota3A : vector<30x512xi32>
    %convert_element_type3A = arith.extui %eq3A_51 : vector<30x512xi1> to vector<30x512xi32>
    %convert_element_type3A_52 = arith.sitofp %convert_element_type3A : vector<30x512xi32> to vector<30x512xf32>
    %broadcast_in_dim3A_53 = vector.shape_cast %get3A_18 : vector<512xi32> to vector<1x512xi32>
    %add3A = arith.constant 2 : i32
    %add3A_54 = vector.broadcast %add3A : i32 to vector<1x512xi32>
    %add3A_55 = arith.addi %broadcast_in_dim3A_53, %add3A_54 : vector<1x512xi32>
    %eq3A_56 = vector.broadcast %add3A_55 : vector<1x512xi32> to vector<30x512xi32>
    %eq3A_57 = arith.cmpi eq, %eq3A_56, %iota3A : vector<30x512xi32>
    %convert_element_type3A_58 = arith.extui %eq3A_57 : vector<30x512xi1> to vector<30x512xi32>
    %convert_element_type3A_59 = arith.sitofp %convert_element_type3A_58 : vector<30x512xi32> to vector<30x512xf32>
    %broadcast_in_dim3A_60 = vector.shape_cast %get3A_23 : vector<512xi32> to vector<1x512xi32>
    %add3A_61 = arith.constant 9 : i32
    %add3A_62 = vector.broadcast %add3A_61 : i32 to vector<1x512xi32>
    %add3A_63 = arith.addi %broadcast_in_dim3A_60, %add3A_62 : vector<1x512xi32>
    %eq3A_64 = vector.broadcast %add3A_63 : vector<1x512xi32> to vector<30x512xi32>
    %eq3A_65 = arith.cmpi eq, %eq3A_64, %iota3A : vector<30x512xi32>
    %convert_element_type3A_66 = arith.extui %eq3A_65 : vector<30x512xi1> to vector<30x512xi32>
    %convert_element_type3A_67 = arith.sitofp %convert_element_type3A_66 : vector<30x512xi32> to vector<30x512xf32>
    %dot_general3A = arith.constant dense<0.000000e+00> : vector<16x512xf32>
    %dot_general3A_68 = tpu.matmul %concatenate3A, %convert_element_type3A_52, %dot_general3A {dimension_numbers = #tpu.dot_dimension_numbers<[0], [0], [1], [1], [0, 1, 1, 1], [], []>, transpose_lhs_hint = false} : vector<30x16xf32>, vector<30x512xf32>, vector<16x512xf32> -> vector<16x512xf32>
    %dot_general3A_69 = arith.constant dense<0.000000e+00> : vector<16x512xf32>
    %dot_general3A_70 = tpu.matmul %concatenate3A, %convert_element_type3A_59, %dot_general3A_69 {dimension_numbers = #tpu.dot_dimension_numbers<[0], [0], [1], [1], [0, 1, 1, 1], [], []>, transpose_lhs_hint = false} : vector<30x16xf32>, vector<30x512xf32>, vector<16x512xf32> -> vector<16x512xf32>
    %dot_general3A_71 = arith.constant dense<0.000000e+00> : vector<16x512xf32>
    %dot_general3A_72 = tpu.matmul %concatenate3A, %convert_element_type3A_67, %dot_general3A_71 {dimension_numbers = #tpu.dot_dimension_numbers<[0], [0], [1], [1], [0, 1, 1, 1], [], []>, transpose_lhs_hint = false} : vector<30x16xf32>, vector<30x512xf32>, vector<16x512xf32> -> vector<16x512xf32>
    %dot_general3A_73 = arith.constant dense<0.000000e+00> : vector<16x512xf32>
    %dot_general3A_74 = tpu.matmul %slice3A, %get3A_8, %dot_general3A_73 {dimension_numbers = #tpu.dot_dimension_numbers<[0], [0], [1], [1], [0, 1, 1, 1], [], []>, transpose_lhs_hint = false} : vector<16x16xf32>, vector<16x512xf32>, vector<16x512xf32> -> vector<16x512xf32>
    %add3A_75 = vector.broadcast %broadcast_in_dim3A : vector<16x1xf32> to vector<16x512xf32>
    %add3A_76 = arith.addf %dot_general3A_74, %add3A_75 : vector<16x512xf32>
    %dot_general3A_77 = arith.constant dense<0.000000e+00> : vector<16x512xf32>
    %dot_general3A_78 = tpu.matmul %slice3A_36, %dot_general3A_68, %dot_general3A_77 {dimension_numbers = #tpu.dot_dimension_numbers<[0], [0], [1], [1], [0, 1, 1, 1], [], []>, transpose_lhs_hint = false} : vector<16x16xf32>, vector<16x512xf32>, vector<16x512xf32> -> vector<16x512xf32>
    %add3A_79 = arith.addf %add3A_76, %dot_general3A_78 : vector<16x512xf32>
    %tanh3A = math.tanh %add3A_79 : vector<16x512xf32>
    %mul3A = vector.broadcast %get3A_41 : vector<16x1xf32> to vector<16x512xf32>
    %mul3A_80 = arith.mulf %tanh3A, %mul3A : vector<16x512xf32>
    %reduce_sum3A = arith.constant dense<0.000000e+00> : vector<512xf32>
    %reduce_sum3A_81 = vector.multi_reduction <add>, %mul3A_80, %reduce_sum3A [0] : vector<16x512xf32> to vector<512xf32>
    %broadcast_in_dim3A_82 = vector.shape_cast %reduce_sum3A_81 : vector<512xf32> to vector<1x512xf32>
    %dot_general3A_83 = arith.constant dense<0.000000e+00> : vector<16x512xf32>
    %dot_general3A_84 = tpu.matmul %slice3A_36, %dot_general3A_70, %dot_general3A_83 {dimension_numbers = #tpu.dot_dimension_numbers<[0], [0], [1], [1], [0, 1, 1, 1], [], []>, transpose_lhs_hint = false} : vector<16x16xf32>, vector<16x512xf32>, vector<16x512xf32> -> vector<16x512xf32>
    %add3A_85 = arith.addf %add3A_76, %dot_general3A_84 : vector<16x512xf32>
    %tanh3A_86 = math.tanh %add3A_85 : vector<16x512xf32>
    %mul3A_87 = vector.broadcast %get3A_41 : vector<16x1xf32> to vector<16x512xf32>
    %mul3A_88 = arith.mulf %tanh3A_86, %mul3A_87 : vector<16x512xf32>
    %reduce_sum3A_89 = arith.constant dense<0.000000e+00> : vector<512xf32>
    %reduce_sum3A_90 = vector.multi_reduction <add>, %mul3A_88, %reduce_sum3A_89 [0] : vector<16x512xf32> to vector<512xf32>
    %broadcast_in_dim3A_91 = vector.shape_cast %reduce_sum3A_90 : vector<512xf32> to vector<1x512xf32>
    %dot_general3A_92 = arith.constant dense<0.000000e+00> : vector<16x512xf32>
    %dot_general3A_93 = tpu.matmul %slice3A_36, %dot_general3A_72, %dot_general3A_92 {dimension_numbers = #tpu.dot_dimension_numbers<[0], [0], [1], [1], [0, 1, 1, 1], [], []>, transpose_lhs_hint = false} : vector<16x16xf32>, vector<16x512xf32>, vector<16x512xf32> -> vector<16x512xf32>
    %add3A_94 = arith.addf %add3A_76, %dot_general3A_93 : vector<16x512xf32>
    %tanh3A_95 = math.tanh %add3A_94 : vector<16x512xf32>
    %mul3A_96 = vector.broadcast %get3A_41 : vector<16x1xf32> to vector<16x512xf32>
    %mul3A_97 = arith.mulf %tanh3A_95, %mul3A_96 : vector<16x512xf32>
    %reduce_sum3A_98 = arith.constant dense<0.000000e+00> : vector<512xf32>
    %reduce_sum3A_99 = vector.multi_reduction <add>, %mul3A_97, %reduce_sum3A_98 [0] : vector<16x512xf32> to vector<512xf32>
    %broadcast_in_dim3A_100 = vector.shape_cast %reduce_sum3A_99 : vector<512xf32> to vector<1x512xf32>
    %max3A = arith.maximumf %broadcast_in_dim3A_82, %broadcast_in_dim3A_91 : vector<1x512xf32>
    %max3A_101 = arith.maximumf %max3A, %broadcast_in_dim3A_100 : vector<1x512xf32>
    %sub3A = arith.subf %broadcast_in_dim3A_82, %max3A_101 : vector<1x512xf32>
    %exp3A = math.exp %sub3A : vector<1x512xf32>
    %sub3A_102 = arith.subf %broadcast_in_dim3A_91, %max3A_101 : vector<1x512xf32>
    %exp3A_103 = math.exp %sub3A_102 : vector<1x512xf32>
    %sub3A_104 = arith.subf %broadcast_in_dim3A_100, %max3A_101 : vector<1x512xf32>
    %exp3A_105 = math.exp %sub3A_104 : vector<1x512xf32>
    %add3A_106 = arith.addf %exp3A, %exp3A_103 : vector<1x512xf32>
    %add3A_107 = arith.addf %add3A_106, %exp3A_105 : vector<1x512xf32>
    %div3A = arith.divf %exp3A, %add3A_107 : vector<1x512xf32>
    %div3A_108 = arith.divf %exp3A_103, %add3A_107 : vector<1x512xf32>
    %div3A_109 = arith.divf %exp3A_105, %add3A_107 : vector<1x512xf32>
    %mul3A_110 = vector.broadcast %div3A : vector<1x512xf32> to vector<16x512xf32>
    %mul3A_111 = arith.mulf %mul3A_110, %dot_general3A_68 : vector<16x512xf32>
    %mul3A_112 = vector.broadcast %div3A_108 : vector<1x512xf32> to vector<16x512xf32>
    %mul3A_113 = arith.mulf %mul3A_112, %dot_general3A_70 : vector<16x512xf32>
    %add3A_114 = arith.addf %mul3A_111, %mul3A_113 : vector<16x512xf32>
    %mul3A_115 = vector.broadcast %div3A_109 : vector<1x512xf32> to vector<16x512xf32>
    %mul3A_116 = arith.mulf %mul3A_115, %dot_general3A_72 : vector<16x512xf32>
    %add3A_117 = arith.addf %add3A_114, %mul3A_116 : vector<16x512xf32>
    %add3A_118 = arith.addf %add3A_117, %get3A_3 : vector<16x512xf32>
    %mul3A_119 = vector.broadcast %slice3A_45 : vector<16x1xf32> to vector<16x512xf32>
    %mul3A_120 = arith.mulf %add3A_118, %mul3A_119 : vector<16x512xf32>
    %mul3A_121 = vector.broadcast %slice3A_46 : vector<16x1xf32> to vector<16x512xf32>
    %mul3A_122 = arith.mulf %get3A_8, %mul3A_121 : vector<16x512xf32>
    %add3A_123 = arith.addf %mul3A_120, %mul3A_122 : vector<16x512xf32>
    %reduce_sum3A_124 = arith.constant dense<0.000000e+00> : vector<512xf32>
    %reduce_sum3A_125 = vector.multi_reduction <add>, %add3A_123, %reduce_sum3A_124 [0] : vector<16x512xf32> to vector<512xf32>
    %broadcast_in_dim3A_126 = vector.shape_cast %reduce_sum3A_125 : vector<512xf32> to vector<1x512xf32>
    %add3A_127 = vector.broadcast %get3A_49 : f32 to vector<1x512xf32>
    %add3A_128 = arith.addf %broadcast_in_dim3A_126, %add3A_127 : vector<1x512xf32>
    %swap3A = arith.constant 0 : index
    %swap3A_129 = arith.constant 0 : index
    %swap3A_130 = vector.load %arg14[%swap3A, %swap3A_129] : memref<1x512xf32, #tpu.memory_space<vmem>>, vector<1x512xf32>
    tpu.vector_store %arg14[%swap3A, %swap3A_129], %add3A_128 {strides = array<i32>} : memref<1x512xf32, #tpu.memory_space<vmem>>, vector<1x512xf32>,
    %swap3A_131 = arith.constant 0 : index
    %swap3A_132 = arith.constant 0 : index
    %swap3A_133 = vector.load %arg15[%swap3A_131, %swap3A_132] : memref<1x512xf32, #tpu.memory_space<vmem>>, vector<1x512xf32>
    tpu.vector_store %arg15[%swap3A_131, %swap3A_132], %div3A {strides = array<i32>} : memref<1x512xf32, #tpu.memory_space<vmem>>, vector<1x512xf32>,
    %swap3A_134 = arith.constant 0 : index
    %swap3A_135 = arith.constant 0 : index
    %swap3A_136 = vector.load %arg16[%swap3A_134, %swap3A_135] : memref<1x512xf32, #tpu.memory_space<vmem>>, vector<1x512xf32>
    tpu.vector_store %arg16[%swap3A_134, %swap3A_135], %div3A_108 {strides = array<i32>} : memref<1x512xf32, #tpu.memory_space<vmem>>, vector<1x512xf32>,
    %swap3A_137 = arith.constant 0 : index
    %swap3A_138 = arith.constant 0 : index
    %swap3A_139 = vector.load %arg17[%swap3A_137, %swap3A_138] : memref<1x512xf32, #tpu.memory_space<vmem>>, vector<1x512xf32>
    tpu.vector_store %arg17[%swap3A_137, %swap3A_138], %div3A_109 {strides = array<i32>} : memref<1x512xf32, #tpu.memory_space<vmem>>, vector<1x512xf32>,
    return
  }
  func.func @transform_0(%arg0: i32) -> (i32, i32, i32) {
    %c0_i32 = arith.constant 0 : i32
    %c0_i32_0 = arith.constant 0 : i32
    %c0_i32_1 = arith.constant 0 : i32
    return %arg0, %c0_i32, %c0_i32_0 : i32, i32, i32
  }
  func.func @transform_1(%arg0: i32) -> (i32, i32, i32) {
    %c0_i32 = arith.constant 0 : i32
    %c0_i32_0 = arith.constant 0 : i32
    %c0_i32_1 = arith.constant 0 : i32
    return %arg0, %c0_i32, %c0_i32_0 : i32, i32, i32
  }
  func.func @transform_2(%arg0: i32) -> (i32, i32, i32) {
    %c0_i32 = arith.constant 0 : i32
    %c0_i32_0 = arith.constant 0 : i32
    %c0_i32_1 = arith.constant 0 : i32
    return %arg0, %c0_i32, %c0_i32_0 : i32, i32, i32
  }
  func.func @transform_3(%arg0: i32) -> (i32, i32, i32) {
    %c0_i32 = arith.constant 0 : i32
    %c0_i32_0 = arith.constant 0 : i32
    %c0_i32_1 = arith.constant 0 : i32
    return %arg0, %c0_i32, %c0_i32_0 : i32, i32, i32
  }
  func.func @transform_4(%arg0: i32) -> (i32, i32, i32) {
    %c0_i32 = arith.constant 0 : i32
    %c0_i32_0 = arith.constant 0 : i32
    %c0_i32_1 = arith.constant 0 : i32
    return %arg0, %c0_i32, %c0_i32_0 : i32, i32, i32
  }
  func.func @transform_5(%arg0: i32) -> (i32, i32) {
    %c0_i32 = arith.constant 0 : i32
    %c0_i32_0 = arith.constant 0 : i32
    %c0_i32_1 = arith.constant 0 : i32
    return %c0_i32, %c0_i32_0 : i32, i32
  }
  func.func @transform_6(%arg0: i32) -> (i32, i32) {
    %c0_i32 = arith.constant 0 : i32
    %c0_i32_0 = arith.constant 0 : i32
    %c0_i32_1 = arith.constant 0 : i32
    return %c0_i32, %c0_i32_0 : i32, i32
  }
  func.func @transform_7(%arg0: i32) -> (i32, i32) {
    %c0_i32 = arith.constant 0 : i32
    %c0_i32_0 = arith.constant 0 : i32
    %c0_i32_1 = arith.constant 0 : i32
    return %c0_i32, %c0_i32_0 : i32, i32
  }
  func.func @transform_8(%arg0: i32) -> (i32, i32) {
    %c0_i32 = arith.constant 0 : i32
    %c0_i32_0 = arith.constant 0 : i32
    %c0_i32_1 = arith.constant 0 : i32
    return %c0_i32, %c0_i32_0 : i32, i32
  }
  func.func @transform_9(%arg0: i32) -> i32 {
    %c0_i32 = arith.constant 0 : i32
    %c0_i32_0 = arith.constant 0 : i32
    return %c0_i32 : i32
  }
  func.func @transform_10(%arg0: i32) -> (i32, i32) {
    %c0_i32 = arith.constant 0 : i32
    %c0_i32_0 = arith.constant 0 : i32
    %c0_i32_1 = arith.constant 0 : i32
    return %c0_i32, %c0_i32_0 : i32, i32
  }
  func.func @transform_11(%arg0: i32) -> (i32, i32) {
    %c0_i32 = arith.constant 0 : i32
    %c0_i32_0 = arith.constant 0 : i32
    %c0_i32_1 = arith.constant 0 : i32
    return %c0_i32, %c0_i32_0 : i32, i32
  }
  func.func @transform_12(%arg0: i32) -> i32 {
    %c0_i32 = arith.constant 0 : i32
    %c0_i32_0 = arith.constant 0 : i32
    return %c0_i32 : i32
  }
  func.func @transform_13(%arg0: i32) -> (i32, i32) {
    %c0_i32 = arith.constant 0 : i32
    %c0_i32_0 = arith.constant 0 : i32
    return %c0_i32, %arg0 : i32, i32
  }
  func.func @transform_14(%arg0: i32) -> (i32, i32) {
    %c0_i32 = arith.constant 0 : i32
    %c0_i32_0 = arith.constant 0 : i32
    return %c0_i32, %arg0 : i32, i32
  }
  func.func @transform_15(%arg0: i32) -> (i32, i32) {
    %c0_i32 = arith.constant 0 : i32
    %c0_i32_0 = arith.constant 0 : i32
    return %c0_i32, %arg0 : i32, i32
  }
  func.func @transform_16(%arg0: i32) -> (i32, i32) {
    %c0_i32 = arith.constant 0 : i32
    %c0_i32_0 = arith.constant 0 : i32
    return %c0_i32, %arg0 : i32, i32
  }
}

</mosaic_0001>

<sc_bundles>
// kernel: kernel.4.cloned.1.call-start
scs
__scs_entry_jumppad:
0x0: {  	(pc) =	sbr.rel $0x88, $3  }
0x1: {  	(tag) =	ssettag $0x0;
	lr =	simm.s32 $0x1  }
0x2: {  	[smem:$0x3F92] =	sst lr;
	_ =	strace $0xD0000000  }
0x3: {  	_ = 	snop  }
0x4: {  	_ = 	snop  }
0x5: {  	_ = 	snop  }
0x6: {  	_ = 	snop  }
0x7: {  	_ = 	snop  }
__scs_overlays_trampoline_lowered:
0x8: {  	[smem:$0x3FA1] =	sst s0  }
0x9: {  	[smem:$0x3FA2] =	sst s1  }
0xa: {  	[smem:$0x3FA3] =	sst s2  }
0xb: {  	[smem:$0x3FA4] =	sst s3  }
0xc: {  	[smem:$0x3FA5] =	sst s4  }
0xd: {  	[smem:$0x3FA6] =	sst s5  }
0xe: {  	[smem:$0x3FA7] =	sst s6  }
0xf: {  	[smem:$0x3FA8] =	sst s7  }
0x10: {  	[smem:$0x3FA9] =	sst s8  }
0x11: {  	[smem:$0x3FAA] =	sst s9;
	s0 =	simm.s32 @!p0 $0x0  }
0x12: {  	s1 =	sld [smem:$0x3F90];
	s0 =	simm.s32 @p0 $0x1  }
0x13: {  	[smem:$0x3FAB] =	sst s0;
	s0 =	simm.s32 @!p1 $0x0  }
0x14: {  	s2 =	sld [smem:$0x3F8F];
	s0 =	simm.s32 @p1 $0x1  }
0x15: {  	[smem:$0x3FAC] =	sst s0;
	s0 =	simm.s32 @!p2 $0x0  }
0x16: {  	s3 =	sld [smem:$0x3FDB];
	s0 =	simm.s32 @p2 $0x1  }
0x17: {  	s4 =	simm.s32 $0x1BF5;
	[smem:$0x3FAE] =	sst s0  }
0x18: {  	s0 =	sld [smem:$0x3F91];
	_ =	swait.ge [sflag:s4], $0x0  }
0x19: {  	s7 =	sld [smem:$0x3F92]  }
0x1a: {  	s8 =	sadd.s32 $0xFFFFE003, lr  }
0x1b: {  	s9 =	sadd.s32 $0xFFFFFEF7, lr;
	s5 =	simm.s32 $0xFFFFFFFF;
	p2 =	slt.u32 s8, $0xFFFFF086  }
0x1c: {  	p1 =	slt.u32 s9, $0xF7A;
	s5 =	simm.s32 @!p2 $0x0  }
0x1d: {  	s5 =	simm.s32 @p1 $0x1;
	p0 =	seq.s32 s7, s2  }
0x1e: {  	s7 =	smul.u32 @!p0 $0xF7A, s2;
	p2 =	seq.s32 @!p0 s5, $0x0  }
0x1f: {  	s9 =	smul.u32 $0xF7A, s1;
	s8 =	simm.s32 @!p0 $0x1BF5;
	p2 =	por !p2, p0  }
0x20: {  	[sflag:s8] =	ssyncset.s32 @!p0 $0xFFFFF086;
	s6 =	sadd.s32 @!p0 s3, s7;
	s7 =	simm.s32 @!p0 $0x108  }
0x21: {  	s3 =	sadd.s32 s3, s9;
	s6 =	sadd.s32 @!p0 $0x88, s6;
	s7 =	simm.s32 @p2 $0x1082  }
0x22: {  	[simem:s7], [sflag:s8] =	dma.local @!p0 [hbm:s6], $0xF7A  }
0x23: {  	s9 =	sor.u32 $0xD0000000, s2;
	s6 =	simm.s32 $0x108;
	_ =	swait.ge @!p0 [sflag:s8], $0x0  }
0x24: {  	s3 =	sadd.s32 $0x88, s3;
	s6 =	simm.s32 @!p1 $0x1082;
	[sflag:s4] =	ssyncset.s32 $0xFFFFF086  }
0x25: {  	[simem:s6], [sflag:s4] =	dma.local [hbm:s3], $0xF7A  }
0x26: {  	[smem:$0x3F92] =	sst s1;
	(tag) =	ssettag s2;
	_ =	strace s9  }
0x27: {  	s1 =	sld [smem:$0x3FA2]  }
0x28: {  	s2 =	sld [smem:$0x3FA3]  }
0x29: {  	s4 =	sld [smem:$0x3FA5]  }
0x2a: {  	p0 =	seq.s32 s5, $0x0;
	s5 =	sld [smem:$0x3FA6]  }
0x2b: {  	s6 =	sld [smem:$0x3FA7]  }
0x2c: {  	s7 =	sld [smem:$0x3FA8]  }
0x2d: {  	s3 =	simm.s32 $0x108;
	s8 =	sld [smem:$0x3FA9]  }
0x2e: {  	s3 =	simm.s32 @!p0 $0x1082;
	s9 =	sld [smem:$0x3FAA]  }
0x2f: {  	lr =	sadd.s32 s0, s3;
	s0 =	sld [smem:$0x3FA1]  }
0x30: {  	s3 =	sld [smem:$0x3FA4]  }
0x31: {  	[smem:$0x3FAD] =	sst s10  }
0x32: {  	s10 =	sld [smem:$0x3FAB];
	_ =	sdelay $0x3  }
0x33: {  	p0 =	seq.s32 s10, $0x1;
	s10 =	sld [smem:$0x3FAD];
	_ =	sdelay $0x3  }
0x34: {  	[smem:$0x3FAD] =	sst s10  }
0x35: {  	s10 =	sld [smem:$0x3FAC];
	_ =	sdelay $0x3  }
0x36: {  	p1 =	seq.s32 s10, $0x1;
	s10 =	sld [smem:$0x3FAD];
	_ =	sdelay $0x3  }
0x37: {  	[smem:$0x3FAD] =	sst s10  }
0x38: {  	s10 =	sld [smem:$0x3FAE]  }
0x39: {  	_ = 	snop;
	(pc) =	sbr.ind lr, $3  }
0x3a: {  	_ = 	snop  }
0x3b: {  	_ = 	snop  }
0x3c: {  	p2 =	seq.s32 s10, $0x1;
	s10 =	sld [smem:$0x3FAD]  }
0x3d: {  	_ =	shalt  }
0x3e: {  	_ =	shalt  }
0x3f: {  	_ =	shalt  }
0x40: {  	_ =	shalt  }
0x41: {  	_ =	shalt  }
0x42: {  	_ =	shalt  }
0x43: {  	_ =	shalt  }
0x44: {  	_ =	shalt  }
0x45: {  	_ =	shalt  }
0x46: {  	_ =	shalt  }
0x47: {  	_ =	shalt  }
0x48: {  	_ =	shalt  }
0x49: {  	_ =	shalt  }
0x4a: {  	_ =	shalt  }
0x4b: {  	_ =	shalt  }
0x4c: {  	_ =	shalt  }
0x4d: {  	_ =	shalt  }
0x4e: {  	_ =	shalt  }
0x4f: {  	_ =	shalt  }
0x50: {  	_ =	shalt  }
0x51: {  	_ =	shalt  }
0x52: {  	_ =	shalt  }
0x53: {  	_ =	shalt  }
0x54: {  	_ =	shalt  }
0x55: {  	_ =	shalt  }
0x56: {  	_ =	shalt  }
0x57: {  	_ =	shalt  }
0x58: {  	_ =	shalt  }
0x59: {  	_ =	shalt  }
0x5a: {  	_ =	shalt  }
0x5b: {  	_ =	shalt  }
0x5c: {  	_ =	shalt  }
0x5d: {  	_ =	shalt  }
0x5e: {  	_ =	shalt  }
0x5f: {  	_ =	shalt  }
0x60: {  	_ =	shalt  }
0x61: {  	_ =	shalt  }
0x62: {  	_ =	shalt  }
0x63: {  	_ =	shalt  }
0x64: {  	_ =	shalt  }
0x65: {  	_ =	shalt  }
0x66: {  	_ =	shalt  }
0x67: {  	_ =	shalt  }
0x68: {  	_ =	shalt  }
0x69: {  	_ =	shalt  }
0x6a: {  	_ =	shalt  }
0x6b: {  	_ =	shalt  }
0x6c: {  	_ =	shalt  }
0x6d: {  	_ =	shalt  }
0x6e: {  	_ =	shalt  }
0x6f: {  	_ =	shalt  }
0x70: {  	_ =	shalt  }
0x71: {  	_ =	shalt  }
0x72: {  	_ =	shalt  }
0x73: {  	_ =	shalt  }
0x74: {  	_ =	shalt  }
0x75: {  	_ =	shalt  }
0x76: {  	_ =	shalt  }
0x77: {  	_ =	shalt  }
0x78: {  	_ =	shalt  }
0x79: {  	_ =	shalt  }
0x7a: {  	_ =	shalt  }
0x7b: {  	_ =	shalt  }
0x7c: {  	_ =	shalt  }
0x7d: {  	_ =	shalt  }
0x7e: {  	_ =	shalt  }
0x7f: {  	_ =	shalt  }
0x80: {  	_ =	shalt  }
0x81: {  	_ =	shalt  }
0x82: {  	_ =	shalt  }
0x83: {  	_ =	shalt  }
0x84: {  	_ =	shalt  }
0x85: {  	_ =	shalt  }
0x86: {  	_ =	shalt  }
0x87: {  	_ =	shalt  }
.Lfunc_end0:
.L_simem_size_0:
called_computation_lowered:
.L_overlay_start_0:
0x88: {  	s2 =	sld [smem:$0x3FD9]  }
0x89: {  	s3 =	sld [smem:$0x3FFE];
	_ =	sdelay $0x1  }
0x8a: {  	s1 =	srdreg.scid  }
0x8b: {  	s0 =	sand.u32 $0x1, s1  }
0x8c: {  	s17 =	sshll.u32 s0, $0xA;
	s2 =	sadd.s32 s3, s2  }
0x8d: {  	s2 =	sadd.s32 s2, s17  }
0x8e: {  	[smem:$0x3FB9] =	sst s2  }
0x8f: {  	_ = 	snop  }
0x90: {  	s2 =	sld [smem:$0x3FBF]  }
0x91: {  	s18 =	sld [smem:$0x3FBB];
	(tm) =	ssettm $0x1  }
0x92: {  	s4 =	sld [smem:$0x3FFB];
	_ =	sdelay $0x3  }
0x93: {  	_ =	strace s4  }
0x94: {  	s4 =	sld [smem:$0x3FFC];
	_ =	sdelay $0x3  }
0x95: {  	_ =	strace s4  }
0x96: {  	s4 =	sld [smem:$0x3FFD];
	_ =	sdelay $0x3  }
0x97: {  	_ =	strace s4  }
0x98: {  	_ =	strace $0x8FFFFFFF  }
0x99: {  	s19 =	sld [smem:$0x3FDB];
	_ =	sdelay $0x1  }
0x9a: {  	s5 =	simm.s32 $_scs_section_size  }
0x9b: {  	s6 =	simm.s32 $_size__tile_overlayer_lowered;
	s7 =	simm.s32 $_tile_overlayer_lowered  }
0x9c: {  	s22 =	simm.s32 $0x1BFF;
	s21 =	sshll.u32 s7, $0x1;
	s4 =	sadd.s32 s5, s19  }
0x9d: {  	s8 =	simm.s32 $0x0;
	s20 =	sshll.u32 s6, $0x1;
	s6 =	sadd.s32 s21, s4  }
0x9e: {  	[timem:s8], [sflag:s22] =	dma.local [hbm:s6], s20  }
0x9f: {  	_ =	swait.ge [sflag:s22], s20  }
0xa0: {  	s5 =	ssub.s32 $0x0, s20;
	[sflag:s22] =	ssyncset.done $0x0  }
0xa1: {  	[sflag:s22] =	ssyncadd.s32 s5;
	_ =	sdelay $0x1  }
0xa2: {  	s23 =	simm.s32 $0x1B8B  }
0xa3: {  	_ =	swait.ge [sflag:s23], $0x1  }
0xa4: {  	[sflag:s23] =	ssyncset.done $0x0  }
0xa5: {  	s25 =	simm.s32 $0x1B8E;
	s24 =	sld [smem:$0x3FFE];
	[sflag:s23] =	ssyncadd.s32 $0xFFFFFFFF  }
0xa6: {  	s26 =	simm.s32 $execute0_lowered;
	[smem:$0x3FD2] =	sst s25  }
0xa7: {  	s6 =	sshll.u32 s26, $0x1;
	_ =	strace $0x80000046;
	[dreg:$0x1] =	wrdreg $0xFFFFFFFF  }
0xa8: {  	s28 =	simm.s32 $_size_execute0_lowered;
	s4 =	sadd.s32 s4, s6;
	[dreg:$0x0] =	wrdreg $0x0  }
0xa9: {  	s6 =	sshll.u32 s28, $0x1;
	[dreg:$0x2] =	wrdreg s4  }
0xaa: {  	[dreg:$0x3] =	wrdreg s6  }
0xab: {  	[dreg:$0x4] =	wrdreg $0xC0  }
0xac: {  	_ =	task [dreg:s8], $0x5FFFF  }
0xad: {  	[dreg:$0x1] =	wrdreg $0xFFFFFFFF  }
0xae: {  	[dreg:$0x0] =	wrdreg $0x60  }
0xaf: {  	[dreg:$0x2] =	wrdreg s2  }
0xb0: {  	[dreg:$0x3] =	wrdreg s18  }
0xb1: {  	[dreg:$0x4] =	wrdreg s24  }
0xb2: {  	[dreg:$0x5] =	wrdreg $0x9  }
0xb3: {  	_ =	task.clear_ibuf [dreg:s8], $0x6FFFF;
	_ =	strace $0x90000046  }
0xb4: {  	s29 =	simm.s32 $0x9;
	_ =	strace $0x80000048  }
0xb5: {  	_ =	swait.ge [sflag:s29], $0x1  }
0xb6: {  	[sflag:s29] =	ssyncadd.s32 $0xFFFFFFFF  }
0xb7: {  	_ =	strace $0x90000048  }
0xb8: {  	_ =	sfence  }
0xb9: {  	s30 =	sld [smem:$0x0];
	_ =	sdelay $0x2  }
0xba: {  	s31 =	sshll.u32 s1, $0xD;
	s1 =	sshrl.u32 s1, $0x2  }
0xbb: {  	s3 =	sand.u32 $0x4000, s31;
	s1 =	sadd.s32 s1, s30  }
0xbc: {  	s0 =	sor.u32 s3, s0;
	s1 =	sshll.u32 s1, $0x11  }
0xbd: {  	s0 =	sor.u32 s1, s0  }
0xbe: {  	s0 =	sadd.s32 $0x8F2B, s0  }
0xbf: {  	[sflag:s0] =	ssyncadd.remote.s32 $0x1  }
0xc0: {  	_ =	sfence.sel $0xFFFF  }
0xc1: {  	[dreg:$0x0] =	wrdreg $0xFFFFFFFF;
	(pc) =	sbr.abs _section_cstart, $3  }
0xc2: {  	[dreg:$0x1] =	wrdreg $0xFFFFFFFF  }
0xc3: {  	_ =	task.clear_ibuf [dreg:s8], $0x2FFFF;
	_ =	strace $0x9FFFFFFF  }
0xc4: {  	(tm) =	ssettm $0x7FFFFFFF  }
0xc5: {  	_ =	shalt  }
tec
execute0_lowered:
.L_overlay_start_1:
0x0: {  	(tag) =	ssettag $0x1  }
0x1: {  	s5 =	rddreg [dreg:$0x0]  }
0x2: {  	s6 =	rddreg [dreg:$0x1]  }
0x3: {  	s7 =	rddreg [dreg:$0x2]  }
0x4: {  	s0 =	rddreg [dreg:$0x3];
	s2 =	simm.s32 $0x0  }
0x5: {  	s3 =	srdreg.scid;
	s1 =	stileid.u32;
	s12 =	simm.s32 $0x100  }
0x6: {  	s13 =	simm.s32 $0x400;
	s14 =	simm.s32 $0xC00;
	s15 =	simm.s32 $0x500  }
0x7: {  	s16 =	simm.s32 $0x8C00;
	s17 =	simm.s32 $0x1;
	s18 =	simm.s32 $0x600  }
0x8: {  	s19 =	simm.s32 $0x700;
	s20 =	simm.s32 $0x10C00;
	s21 =	simm.s32 $0x12C00  }
0x9: {  	s22 =	simm.s32 $0x0;
	[smem:$0x7FF] =	sst s2;
	s4 =	sand.u32 $0x1, s3  }
0xa: {  	s8 =	sshll.u32 s1, $0x1;
	s3 =	sadd.s32 $0x112C800, s7;
	_ =	strace $0x80000047  }
0xb: {  	s8 =	sor.u32 s4, s8;
	s9 =	ssub.s32 $0x2, s4;
	s4 =	sadd.s32 $0xF44200, s7  }
0xc: {  	s10 =	sshll.u32 s8, $0xA;
	s11 =	sshrl.u32 s9, $0x1;
	s31 =	sshll.u32 s8, $0x6  }
0xd: {  	s10 =	sadd.s32 s10, s7;
	s9 =	ssub.s32 s9, s11;
	s5 =	sadd.s32 s5, s31  }
0xe: {  	v0 =	vlaneseq.u32;
	s6 =	sadd.s32 s6, s31;
	s11 =	simm.s32 $0x200;
	s7 =	sadd.s32 $0x1E00, s10  }
0xf: {  	v0 =	vmul.u32 $0x80, v0;
	s8 =	sadd.s32 $0x9E00, s10;
	s9 =	smax.u32 s9, $0x1;
	s10 =	simm.s32 $0x2  }
.LBB2_1:
0x10: {  	[tilespmem:s2], [sflag:$0x2] =	stream.linear.gather [hbm4b:s5+s2], $0x200, $0x38;
	[tilespmem:$0x14C00] =	vst v63  }
0x11: {  	_ =	swait.ge [sflag:s10], $0x200  }
0x12: {  	[sflag:s10] =	ssyncset.done $0x0  }
0x13: {  	[sflag:s10] =	ssyncadd.s32 $0xFFFFFE00  }
0x14: {  	[tilespmem:s11], [sflag:$0x2] =	stream.linear.gather [hbm4b:s6+s2], $0x200, $0x38;
	[tilespmem:$0x14C00] =	vst v63  }
0x15: {  	_ =	swait.ge [sflag:s10], $0x200  }
0x16: {  	[sflag:s10] =	ssyncset.done $0x0  }
0x17: {  	[sflag:s10] =	ssyncadd.s32 $0xFFFFFE00  }
0x18: {  	v1 =	vld [tilespmem:$0x0];
	_ =	sdelay $0x1  }
0x19: {  	v2 =	vld [tilespmem:$0x10];
	_ =	sdelay $0x1  }
0x1a: {  	v3 =	vld [tilespmem:$0x20]  }
0x1b: {  	v4 =	vshra.s32 v1, $0x3;
	v1 =	vshll.u32 v1, $0x4  }
0x1c: {  	v8 =	vld [tilespmem:$0x30];
	[tilespmem:$0x400] =	vst v4;
	v1 =	vand.u32 $0x70, v1  }
0x1d: {  	[tilespmem:$0x800] =	vst v1;
	v1 =	vshra.s32 v2, $0x3;
	v2 =	vshll.u32 v2, $0x4  }
0x1e: {  	[tilespmem:$0x410] =	vst v1;
	v1 =	vand.u32 $0x70, v2;
	v2 =	vld [tilespmem:$0x40]  }
0x1f: {  	[tilespmem:$0x810] =	vst v1;
	v1 =	vshra.s32 v3, $0x3;
	v3 =	vshll.u32 v3, $0x4  }
0x20: {  	[tilespmem:$0x420] =	vst v1;
	v1 =	vand.u32 $0x70, v3;
	v3 =	vld [tilespmem:$0x50]  }
0x21: {  	v4 =	vshll.u32 v8, $0x4;
	[tilespmem:$0x820] =	vst v1;
	v1 =	vshra.s32 v8, $0x3  }
0x22: {  	v9 =	vld [tilespmem:$0x60];
	[tilespmem:$0x430] =	vst v1;
	v1 =	vand.u32 $0x70, v4  }
0x23: {  	[tilespmem:$0x830] =	vst v1;
	v1 =	vshra.s32 v2, $0x3;
	v2 =	vshll.u32 v2, $0x4  }
0x24: {  	[tilespmem:$0x440] =	vst v1;
	v1 =	vand.u32 $0x70, v2;
	v2 =	vld [tilespmem:$0x70]  }
0x25: {  	[tilespmem:$0x840] =	vst v1;
	v1 =	vshra.s32 v3, $0x3;
	v3 =	vshll.u32 v3, $0x4  }
0x26: {  	[tilespmem:$0x450] =	vst v1;
	v1 =	vand.u32 $0x70, v3;
	v3 =	vld [tilespmem:$0x80]  }
0x27: {  	v4 =	vshll.u32 v9, $0x4;
	[tilespmem:$0x850] =	vst v1;
	v1 =	vshra.s32 v9, $0x3  }
0x28: {  	v10 =	vld [tilespmem:$0x90];
	[tilespmem:$0x460] =	vst v1;
	v1 =	vand.u32 $0x70, v4  }
0x29: {  	[tilespmem:$0x860] =	vst v1;
	v1 =	vshra.s32 v2, $0x3;
	v2 =	vshll.u32 v2, $0x4  }
0x2a: {  	[tilespmem:$0x470] =	vst v1;
	v1 =	vand.u32 $0x70, v2;
	v2 =	vld [tilespmem:$0xA0]  }
0x2b: {  	[tilespmem:$0x870] =	vst v1;
	v1 =	vshra.s32 v3, $0x3;
	v3 =	vshll.u32 v3, $0x4  }
0x2c: {  	[tilespmem:$0x480] =	vst v1;
	v1 =	vand.u32 $0x70, v3;
	v3 =	vld [tilespmem:$0xB0]  }
0x2d: {  	v4 =	vshll.u32 v10, $0x4;
	[tilespmem:$0x880] =	vst v1;
	v1 =	vshra.s32 v10, $0x3  }
0x2e: {  	v11 =	vld [tilespmem:$0xC0];
	[tilespmem:$0x490] =	vst v1;
	v1 =	vand.u32 $0x70, v4  }
0x2f: {  	[tilespmem:$0x890] =	vst v1;
	v1 =	vshra.s32 v2, $0x3;
	v2 =	vshll.u32 v2, $0x4  }
0x30: {  	[tilespmem:$0x4A0] =	vst v1;
	v1 =	vand.u32 $0x70, v2;
	v2 =	vld [tilespmem:$0xD0]  }
0x31: {  	[tilespmem:$0x8A0] =	vst v1;
	v1 =	vshra.s32 v3, $0x3;
	v3 =	vshll.u32 v3, $0x4  }
0x32: {  	[tilespmem:$0x4B0] =	vst v1;
	v1 =	vand.u32 $0x70, v3;
	v3 =	vld [tilespmem:$0xE0]  }
0x33: {  	v4 =	vshll.u32 v11, $0x4;
	[tilespmem:$0x8B0] =	vst v1;
	v1 =	vshra.s32 v11, $0x3  }
0x34: {  	v12 =	vld [tilespmem:$0xF0];
	[tilespmem:$0x4C0] =	vst v1;
	v1 =	vand.u32 $0x70, v4  }
0x35: {  	[tilespmem:$0x8C0] =	vst v1;
	v1 =	vshra.s32 v2, $0x3;
	v2 =	vshll.u32 v2, $0x4  }
0x36: {  	[tilespmem:$0x4D0] =	vst v1;
	v1 =	vand.u32 $0x70, v2;
	v2 =	vld [tilespmem:$0x100]  }
0x37: {  	[tilespmem:$0x8D0] =	vst v1;
	v1 =	vshra.s32 v3, $0x3;
	v3 =	vshll.u32 v3, $0x4  }
0x38: {  	[tilespmem:$0x4E0] =	vst v1;
	v1 =	vand.u32 $0x70, v3;
	v3 =	vld [tilespmem:$0x110]  }
0x39: {  	v4 =	vshll.u32 v12, $0x4;
	[tilespmem:$0x8E0] =	vst v1;
	v1 =	vshra.s32 v12, $0x3  }
0x3a: {  	v13 =	vld [tilespmem:$0x120];
	[tilespmem:$0x4F0] =	vst v1;
	v1 =	vand.u32 $0x70, v4  }
0x3b: {  	[tilespmem:$0x8F0] =	vst v1;
	v1 =	vshra.s32 v2, $0x3;
	v2 =	vshll.u32 v2, $0x4  }
0x3c: {  	[tilespmem:$0x500] =	vst v1;
	v1 =	vand.u32 $0x70, v2;
	v2 =	vld [tilespmem:$0x130]  }
0x3d: {  	[tilespmem:$0x900] =	vst v1;
	v1 =	vshra.s32 v3, $0x3;
	v3 =	vshll.u32 v3, $0x4  }
0x3e: {  	[tilespmem:$0x510] =	vst v1;
	v1 =	vand.u32 $0x70, v3;
	v3 =	vld [tilespmem:$0x140]  }
0x3f: {  	v4 =	vshll.u32 v13, $0x4;
	[tilespmem:$0x910] =	vst v1;
	v1 =	vshra.s32 v13, $0x3  }
0x40: {  	v14 =	vld [tilespmem:$0x150];
	[tilespmem:$0x520] =	vst v1;
	v1 =	vand.u32 $0x70, v4  }
0x41: {  	[tilespmem:$0x920] =	vst v1;
	v1 =	vshra.s32 v2, $0x3;
	v2 =	vshll.u32 v2, $0x4  }
0x42: {  	[tilespmem:$0x530] =	vst v1;
	v1 =	vand.u32 $0x70, v2;
	v2 =	vld [tilespmem:$0x160]  }
0x43: {  	[tilespmem:$0x930] =	vst v1;
	v1 =	vshra.s32 v3, $0x3;
	v3 =	vshll.u32 v3, $0x4  }
0x44: {  	[tilespmem:$0x540] =	vst v1;
	v1 =	vand.u32 $0x70, v3;
	v3 =	vld [tilespmem:$0x170]  }
0x45: {  	v4 =	vshll.u32 v14, $0x4;
	[tilespmem:$0x940] =	vst v1;
	v1 =	vshra.s32 v14, $0x3  }
0x46: {  	v15 =	vld [tilespmem:$0x180];
	[tilespmem:$0x550] =	vst v1;
	v1 =	vand.u32 $0x70, v4  }
0x47: {  	[tilespmem:$0x950] =	vst v1;
	v1 =	vshra.s32 v2, $0x3;
	v2 =	vshll.u32 v2, $0x4  }
0x48: {  	[tilespmem:$0x560] =	vst v1;
	v1 =	vand.u32 $0x70, v2;
	v2 =	vld [tilespmem:$0x190]  }
0x49: {  	[tilespmem:$0x960] =	vst v1;
	v1 =	vshra.s32 v3, $0x3;
	v3 =	vshll.u32 v3, $0x4  }
0x4a: {  	[tilespmem:$0x570] =	vst v1;
	v1 =	vand.u32 $0x70, v3;
	v3 =	vld [tilespmem:$0x1A0]  }
0x4b: {  	v4 =	vshll.u32 v15, $0x4;
	[tilespmem:$0x970] =	vst v1;
	v1 =	vshra.s32 v15, $0x3  }
0x4c: {  	v16 =	vld [tilespmem:$0x1B0];
	[tilespmem:$0x580] =	vst v1;
	v1 =	vand.u32 $0x70, v4  }
0x4d: {  	[tilespmem:$0x980] =	vst v1;
	v1 =	vshra.s32 v2, $0x3;
	v2 =	vshll.u32 v2, $0x4  }
0x4e: {  	[tilespmem:$0x590] =	vst v1;
	v1 =	vand.u32 $0x70, v2;
	v2 =	vld [tilespmem:$0x1C0]  }
0x4f: {  	[tilespmem:$0x990] =	vst v1;
	v1 =	vshra.s32 v3, $0x3;
	v3 =	vshll.u32 v3, $0x4  }
0x50: {  	[tilespmem:$0x5A0] =	vst v1;
	v1 =	vand.u32 $0x70, v3;
	v3 =	vld [tilespmem:$0x1D0]  }
0x51: {  	v4 =	vshll.u32 v16, $0x4;
	[tilespmem:$0x9A0] =	vst v1;
	v1 =	vshra.s32 v16, $0x3  }
0x52: {  	v17 =	vld [tilespmem:$0x1E0];
	[tilespmem:$0x5B0] =	vst v1;
	v1 =	vand.u32 $0x70, v4  }
0x53: {  	[tilespmem:$0x9B0] =	vst v1;
	v1 =	vshra.s32 v2, $0x3;
	v2 =	vshll.u32 v2, $0x4  }
0x54: {  	[tilespmem:$0x5C0] =	vst v1;
	v1 =	vand.u32 $0x70, v2;
	v2 =	vld [tilespmem:$0x1F0]  }
0x55: {  	[tilespmem:$0x9C0] =	vst v1;
	v1 =	vshra.s32 v3, $0x3;
	v3 =	vshll.u32 v3, $0x4  }
0x56: {  	[tilespmem:$0x5D0] =	vst v1;
	v1 =	vand.u32 $0x70, v3;
	v3 =	vld [tilespmem:$0x200]  }
0x57: {  	v4 =	vshll.u32 v17, $0x4;
	[tilespmem:$0x9D0] =	vst v1;
	v1 =	vshra.s32 v17, $0x3  }
0x58: {  	v18 =	vld [tilespmem:$0x210];
	[tilespmem:$0x5E0] =	vst v1;
	v1 =	vand.u32 $0x70, v4  }
0x59: {  	[tilespmem:$0x9E0] =	vst v1;
	v1 =	vshra.s32 v2, $0x3;
	v2 =	vshll.u32 v2, $0x4  }
0x5a: {  	[tilespmem:$0x5F0] =	vst v1;
	v1 =	vand.u32 $0x70, v2;
	v2 =	vld [tilespmem:$0x220]  }
0x5b: {  	[tilespmem:$0x9F0] =	vst v1;
	v1 =	vshra.s32 v3, $0x3;
	v3 =	vshll.u32 v3, $0x4  }
0x5c: {  	[tilespmem:$0x600] =	vst v1;
	v1 =	vand.u32 $0x70, v3;
	v3 =	vld [tilespmem:$0x230]  }
0x5d: {  	v4 =	vshll.u32 v18, $0x4;
	[tilespmem:$0xA00] =	vst v1;
	v1 =	vshra.s32 v18, $0x3  }
0x5e: {  	v19 =	vld [tilespmem:$0x240];
	[tilespmem:$0x610] =	vst v1;
	v1 =	vand.u32 $0x70, v4  }
0x5f: {  	[tilespmem:$0xA10] =	vst v1;
	v1 =	vshra.s32 v2, $0x3;
	v2 =	vshll.u32 v2, $0x4  }
0x60: {  	[tilespmem:$0x620] =	vst v1;
	v1 =	vand.u32 $0x70, v2;
	v2 =	vld [tilespmem:$0x250]  }
0x61: {  	[tilespmem:$0xA20] =	vst v1;
	v1 =	vshra.s32 v3, $0x3;
	v3 =	vshll.u32 v3, $0x4  }
0x62: {  	[tilespmem:$0x630] =	vst v1;
	v1 =	vand.u32 $0x70, v3;
	v3 =	vld [tilespmem:$0x260]  }
0x63: {  	v4 =	vshll.u32 v19, $0x4;
	[tilespmem:$0xA30] =	vst v1;
	v1 =	vshra.s32 v19, $0x3  }
0x64: {  	v20 =	vld [tilespmem:$0x270];
	[tilespmem:$0x640] =	vst v1;
	v1 =	vand.u32 $0x70, v4  }
0x65: {  	[tilespmem:$0xA40] =	vst v1;
	v1 =	vshra.s32 v2, $0x3;
	v2 =	vshll.u32 v2, $0x4  }
0x66: {  	[tilespmem:$0x650] =	vst v1;
	v1 =	vand.u32 $0x70, v2;
	v2 =	vld [tilespmem:$0x280]  }
0x67: {  	[tilespmem:$0xA50] =	vst v1;
	v1 =	vshra.s32 v3, $0x3;
	v3 =	vshll.u32 v3, $0x4  }
0x68: {  	[tilespmem:$0x660] =	vst v1;
	v1 =	vand.u32 $0x70, v3;
	v3 =	vld [tilespmem:$0x290]  }
0x69: {  	v4 =	vshll.u32 v20, $0x4;
	[tilespmem:$0xA60] =	vst v1;
	v1 =	vshra.s32 v20, $0x3  }
0x6a: {  	v21 =	vld [tilespmem:$0x2A0];
	[tilespmem:$0x670] =	vst v1;
	v1 =	vand.u32 $0x70, v4  }
0x6b: {  	[tilespmem:$0xA70] =	vst v1;
	v1 =	vshra.s32 v2, $0x3;
	v2 =	vshll.u32 v2, $0x4  }
0x6c: {  	[tilespmem:$0x680] =	vst v1;
	v1 =	vand.u32 $0x70, v2;
	v2 =	vld [tilespmem:$0x2B0]  }
0x6d: {  	[tilespmem:$0xA80] =	vst v1;
	v1 =	vshra.s32 v3, $0x3;
	v3 =	vshll.u32 v3, $0x4  }
0x6e: {  	[tilespmem:$0x690] =	vst v1;
	v1 =	vand.u32 $0x70, v3;
	v3 =	vld [tilespmem:$0x2C0]  }
0x6f: {  	v4 =	vshll.u32 v21, $0x4;
	[tilespmem:$0xA90] =	vst v1;
	v1 =	vshra.s32 v21, $0x3  }
0x70: {  	v22 =	vld [tilespmem:$0x2D0];
	[tilespmem:$0x6A0] =	vst v1;
	v1 =	vand.u32 $0x70, v4  }
0x71: {  	[tilespmem:$0xAA0] =	vst v1;
	v1 =	vshra.s32 v2, $0x3;
	v2 =	vshll.u32 v2, $0x4  }
0x72: {  	[tilespmem:$0x6B0] =	vst v1;
	v1 =	vand.u32 $0x70, v2;
	v2 =	vld [tilespmem:$0x2E0]  }
0x73: {  	[tilespmem:$0xAB0] =	vst v1;
	v1 =	vshra.s32 v3, $0x3;
	v3 =	vshll.u32 v3, $0x4  }
0x74: {  	[tilespmem:$0x6C0] =	vst v1;
	v1 =	vand.u32 $0x70, v3;
	v3 =	vld [tilespmem:$0x2F0]  }
0x75: {  	v4 =	vshll.u32 v22, $0x4;
	[tilespmem:$0xAC0] =	vst v1;
	v1 =	vshra.s32 v22, $0x3  }
0x76: {  	v23 =	vld [tilespmem:$0x300];
	[tilespmem:$0x6D0] =	vst v1;
	v1 =	vand.u32 $0x70, v4  }
0x77: {  	[tilespmem:$0xAD0] =	vst v1;
	v1 =	vshra.s32 v2, $0x3;
	v2 =	vshll.u32 v2, $0x4  }
0x78: {  	[tilespmem:$0x6E0] =	vst v1;
	v1 =	vand.u32 $0x70, v2;
	v2 =	vld [tilespmem:$0x310]  }
0x79: {  	[tilespmem:$0xAE0] =	vst v1;
	v1 =	vshra.s32 v3, $0x3;
	v3 =	vshll.u32 v3, $0x4  }
0x7a: {  	[tilespmem:$0x6F0] =	vst v1;
	v1 =	vand.u32 $0x70, v3;
	v3 =	vld [tilespmem:$0x320]  }
0x7b: {  	v4 =	vshll.u32 v23, $0x4;
	[tilespmem:$0xAF0] =	vst v1;
	v1 =	vshra.s32 v23, $0x3  }
0x7c: {  	v24 =	vld [tilespmem:$0x330];
	[tilespmem:$0x700] =	vst v1;
	v1 =	vand.u32 $0x70, v4  }
0x7d: {  	[tilespmem:$0xB00] =	vst v1;
	v1 =	vshra.s32 v2, $0x3;
	v2 =	vshll.u32 v2, $0x4  }
0x7e: {  	[tilespmem:$0x710] =	vst v1;
	v1 =	vand.u32 $0x70, v2;
	v2 =	vld [tilespmem:$0x340]  }
0x7f: {  	[tilespmem:$0xB10] =	vst v1;
	v1 =	vshra.s32 v3, $0x3;
	v3 =	vshll.u32 v3, $0x4  }
0x80: {  	[tilespmem:$0x720] =	vst v1;
	v1 =	vand.u32 $0x70, v3;
	v3 =	vld [tilespmem:$0x350]  }
0x81: {  	v4 =	vshll.u32 v24, $0x4;
	[tilespmem:$0xB20] =	vst v1;
	v1 =	vshra.s32 v24, $0x3  }
0x82: {  	v25 =	vld [tilespmem:$0x360];
	[tilespmem:$0x730] =	vst v1;
	v1 =	vand.u32 $0x70, v4  }
0x83: {  	[tilespmem:$0xB30] =	vst v1;
	v1 =	vshra.s32 v2, $0x3;
	v2 =	vshll.u32 v2, $0x4  }
0x84: {  	[tilespmem:$0x740] =	vst v1;
	v1 =	vand.u32 $0x70, v2;
	v2 =	vld [tilespmem:$0x370]  }
0x85: {  	[tilespmem:$0xB40] =	vst v1;
	v1 =	vshra.s32 v3, $0x3;
	v3 =	vshll.u32 v3, $0x4  }
0x86: {  	[tilespmem:$0x750] =	vst v1;
	v1 =	vand.u32 $0x70, v3;
	v3 =	vld [tilespmem:$0x380]  }
0x87: {  	v4 =	vshll.u32 v25, $0x4;
	[tilespmem:$0xB50] =	vst v1;
	v1 =	vshra.s32 v25, $0x3  }
0x88: {  	v26 =	vld [tilespmem:$0x390];
	[tilespmem:$0x760] =	vst v1;
	v1 =	vand.u32 $0x70, v4  }
0x89: {  	[tilespmem:$0xB60] =	vst v1;
	v1 =	vshra.s32 v2, $0x3;
	v2 =	vshll.u32 v2, $0x4  }
0x8a: {  	[tilespmem:$0x770] =	vst v1;
	v1 =	vand.u32 $0x70, v2;
	v2 =	vld [tilespmem:$0x3A0]  }
0x8b: {  	[tilespmem:$0xB70] =	vst v1;
	v1 =	vshra.s32 v3, $0x3;
	v3 =	vshll.u32 v3, $0x4  }
0x8c: {  	[tilespmem:$0x780] =	vst v1;
	v1 =	vand.u32 $0x70, v3;
	v3 =	vld [tilespmem:$0x3B0]  }
0x8d: {  	v4 =	vshll.u32 v26, $0x4;
	[tilespmem:$0xB80] =	vst v1;
	v1 =	vshra.s32 v26, $0x3  }
0x8e: {  	v27 =	vld [tilespmem:$0x3C0];
	[tilespmem:$0x790] =	vst v1;
	v1 =	vand.u32 $0x70, v4  }
0x8f: {  	[tilespmem:$0xB90] =	vst v1;
	v1 =	vshra.s32 v2, $0x3;
	v2 =	vshll.u32 v2, $0x4  }
0x90: {  	[tilespmem:$0x7A0] =	vst v1;
	v1 =	vand.u32 $0x70, v2;
	v2 =	vld [tilespmem:$0x3D0]  }
0x91: {  	[tilespmem:$0xBA0] =	vst v1;
	v1 =	vshra.s32 v3, $0x3;
	v3 =	vshll.u32 v3, $0x4  }
0x92: {  	[tilespmem:$0x7B0] =	vst v1;
	v1 =	vand.u32 $0x70, v3;
	v3 =	vld [tilespmem:$0x3E0]  }
0x93: {  	v4 =	vshll.u32 v27, $0x4;
	[tilespmem:$0xBB0] =	vst v1;
	v1 =	vshra.s32 v27, $0x3  }
0x94: {  	v28 =	vld [tilespmem:$0x3F0];
	[tilespmem:$0x7C0] =	vst v1;
	v1 =	vand.u32 $0x70, v4  }
0x95: {  	[tilespmem:$0xBC0] =	vst v1;
	v1 =	vshra.s32 v2, $0x3;
	v2 =	vshll.u32 v2, $0x4  }
0x96: {  	[tilespmem:$0x7D0] =	vst v1;
	v1 =	vand.u32 $0x70, v2  }
0x97: {  	[tilespmem:$0xBD0] =	vst v1;
	v1 =	vshra.s32 v3, $0x3;
	v2 =	vshll.u32 v3, $0x4  }
0x98: {  	[tilespmem:$0x7E0] =	vst v1;
	v1 =	vand.u32 $0x70, v2  }
0x99: {  	v2 =	vshll.u32 v28, $0x4;
	[tilespmem:$0xBE0] =	vst v1;
	v1 =	vshra.s32 v28, $0x3  }
0x9a: {  	[tilespmem:$0x7F0] =	vst v1;
	v1 =	vand.u32 $0x70, v2  }
0x9b: {  	[tilespmem:$0xBF0] =	vst v1  }
0x9c: {  	[tilespmem:s14], [sflag:$0x1] =	stream.indirect.gather [hbm4b:s3+s12], $0x80, s13, s12, $0xb8;
	[tilespmem:$0x14C00] =	vst v63  }
0x9d: {  	_ = 	snop  }
0x9e: {  	[tilespmem:s16], [sflag:$0x1] =	stream.indirect.gather [hbm4b:s3+s12], $0x80, s15, s12, $0xb8;
	[tilespmem:$0x14C00] =	vst v63  }
0x9f: {  	_ =	swait.ge [sflag:s17], $0x8000  }
0xa0: {  	[sflag:s17] =	ssyncset.done $0x0  }
0xa1: {  	s23 =	simm.s32 $0x800;
	[sflag:s17] =	ssyncadd.s32 $0xFFFF8000  }
0xa2: {  	v1 =	vld [tilespmem:s23+$0x0];
	_ =	sdelay $0x2  }
0xa3: {  	v2 =	vmov s2  }
0xa4: {  	v2 =	vshll.u32 v2, $0x7  }
0xa5: {  	v2 =	vor.u32 v0, v2;
	v3 =	vand.u32 $0xFFFFFFF8, v1  }
0xa6: {  	v29 =	vand.u32 $0x7, v1;
	v3 =	vadd.s32 v2, v3  }
0xa7: {  	v3 =	vor.u32 v29, v3;
	_ =	sdelay $0x2  }
0xa8: {  	v30 =	vadd.s32 $0x1, v1  }
0xa9: {  	v5 =	vand.u32 $0xFFFFFFF8, v30  }
0xaa: {  	v4 =	vand.u32 $0x7, v30;
	v5 =	vadd.s32 v2, v5;
	v6 =	vld.idx.msk [tilespmem:v3+s14+$0x0], $0xffff  }
0xab: {  	v4 =	vor.u32 v4, v5;
	_ =	sdelay $0x2  }
0xac: {  	s24 =	simm.s32 $0x11C00;
	v31 =	vadd.s32 $0x2, v1  }
0xad: {  	v7 =	vand.u32 $0xFFFFFFF8, v31;
	[tilespmem:s24+$0xFFFFF000] =	vst v6  }
0xae: {  	v32 =	vadd.s32 v2, v7;
	v5 =	vand.u32 $0x7, v31;
	v4 =	vld.idx.msk [tilespmem:v4+s14+$0x0], $0xffff  }
0xaf: {  	v5 =	vor.u32 v5, v32;
	_ =	sdelay $0x2  }
0xb0: {  	v33 =	vadd.s32 $0x3, v1  }
0xb1: {  	v34 =	vand.u32 $0xFFFFFFF8, v33;
	[tilespmem:s24+$0xFFFFF200] =	vst v4  }
0xb2: {  	v35 =	vadd.s32 v2, v34;
	v6 =	vand.u32 $0x7, v33;
	v5 =	vld.idx.msk [tilespmem:v5+s14+$0x0], $0xffff  }
0xb3: {  	v4 =	vor.u32 v6, v35;
	_ =	sdelay $0x2  }
0xb4: {  	v36 =	vadd.s32 $0x4, v1  }
0xb5: {  	v37 =	vand.u32 $0xFFFFFFF8, v36;
	[tilespmem:s24+$0xFFFFF400] =	vst v5  }
0xb6: {  	v38 =	vadd.s32 v2, v37;
	v6 =	vand.u32 $0x7, v36;
	v4 =	vld.idx.msk [tilespmem:v4+s14+$0x0], $0xffff  }
0xb7: {  	v5 =	vor.u32 v6, v38;
	_ =	sdelay $0x2  }
0xb8: {  	v39 =	vadd.s32 $0x5, v1  }
0xb9: {  	v40 =	vand.u32 $0xFFFFFFF8, v39;
	[tilespmem:s24+$0xFFFFF600] =	vst v4  }
0xba: {  	v41 =	vadd.s32 v2, v40;
	v6 =	vand.u32 $0x7, v39;
	v5 =	vld.idx.msk [tilespmem:v5+s14+$0x0], $0xffff  }
0xbb: {  	v4 =	vor.u32 v6, v41;
	_ =	sdelay $0x2  }
0xbc: {  	v42 =	vadd.s32 $0x6, v1  }
0xbd: {  	v43 =	vand.u32 $0xFFFFFFF8, v42;
	[tilespmem:s24+$0xFFFFF800] =	vst v5  }
0xbe: {  	v44 =	vadd.s32 v2, v43;
	v6 =	vand.u32 $0x7, v42;
	v4 =	vld.idx.msk [tilespmem:v4+s14+$0x0], $0xffff  }
0xbf: {  	v5 =	vor.u32 v6, v44;
	_ =	sdelay $0x2  }
0xc0: {  	v45 =	vadd.s32 $0x7, v1  }
0xc1: {  	v46 =	vand.u32 $0xFFFFFFF8, v45;
	[tilespmem:s24+$0xFFFFFA00] =	vst v4  }
0xc2: {  	v47 =	vadd.s32 v2, v46;
	v6 =	vand.u32 $0x7, v45;
	v5 =	vld.idx.msk [tilespmem:v5+s14+$0x0], $0xffff  }
0xc3: {  	v4 =	vor.u32 v6, v47;
	_ =	sdelay $0x3  }
0xc4: {  	[tilespmem:s24+$0xFFFFFC00] =	vst v5  }
0xc5: {  	v4 =	vld.idx.msk [tilespmem:v4+s14+$0x0], $0xffff  }
0xc6: {  	v3 =	vadd.s32 $0x8, v3;
	_ =	sdelay $0x2  }
0xc7: {  	v48 =	vadd.s32 $0x9, v1  }
0xc8: {  	v49 =	vand.u32 $0xFFFFFFF8, v48;
	[tilespmem:s24+$0xFFFFFE00] =	vst v4  }
0xc9: {  	v50 =	vadd.s32 v2, v49;
	v5 =	vand.u32 $0x7, v48;
	v3 =	vld.idx.msk [tilespmem:v3+s14+$0x0], $0xffff  }
0xca: {  	v4 =	vor.u32 v5, v50;
	_ =	sdelay $0x2  }
0xcb: {  	v51 =	vadd.s32 $0xA, v1  }
0xcc: {  	v52 =	vand.u32 $0xFFFFFFF8, v51;
	[tilespmem:s24+$0x0] =	vst v3  }
0xcd: {  	v5 =	vand.u32 $0x7, v51;
	v3 =	vadd.s32 v2, v52;
	v4 =	vld.idx.msk [tilespmem:v4+s14+$0x0], $0xffff  }
0xce: {  	v3 =	vor.u32 v5, v3;
	_ =	sdelay $0x2  }
0xcf: {  	v53 =	vadd.s32 $0xB, v1  }
0xd0: {  	v54 =	vand.u32 $0xFFFFFFF8, v53;
	[tilespmem:s24+$0x200] =	vst v4  }
0xd1: {  	v55 =	vadd.s32 v2, v54;
	v5 =	vand.u32 $0x7, v53;
	v3 =	vld.idx.msk [tilespmem:v3+s14+$0x0], $0xffff  }
0xd2: {  	v4 =	vor.u32 v5, v55;
	_ =	sdelay $0x2  }
0xd3: {  	v56 =	vadd.s32 $0xC, v1  }
0xd4: {  	v57 =	vand.u32 $0xFFFFFFF8, v56;
	[tilespmem:s24+$0x400] =	vst v3  }
0xd5: {  	v5 =	vand.u32 $0x7, v56;
	v3 =	vadd.s32 v2, v57;
	v4 =	vld.idx.msk [tilespmem:v4+s14+$0x0], $0xffff  }
0xd6: {  	v3 =	vor.u32 v5, v3;
	_ =	sdelay $0x2  }
0xd7: {  	v58 =	vadd.s32 $0xD, v1  }
0xd8: {  	v59 =	vand.u32 $0xFFFFFFF8, v58;
	[tilespmem:s24+$0x600] =	vst v4  }
0xd9: {  	v60 =	vadd.s32 v2, v59;
	v5 =	vand.u32 $0x7, v58;
	v3 =	vld.idx.msk [tilespmem:v3+s14+$0x0], $0xffff  }
0xda: {  	v4 =	vor.u32 v5, v60;
	_ =	sdelay $0x2  }
0xdb: {  	v61 =	vadd.s32 $0xE, v1  }
0xdc: {  	v62 =	vand.u32 $0xFFFFFFF8, v61;
	[tilespmem:s24+$0x800] =	vst v3  }
0xdd: {  	v5 =	vand.u32 $0x7, v61;
	v3 =	vadd.s32 v2, v62;
	v4 =	vld.idx.msk [tilespmem:v4+s14+$0x0], $0xffff  }
0xde: {  	v3 =	vor.u32 v5, v3;
	_ =	sdelay $0x2  }
0xdf: {  	v1 =	vadd.s32 $0xF, v1  }
0xe0: {  	v63 =	vand.u32 $0xFFFFFFF8, v1;
	[tilespmem:s24+$0xA00] =	vst v4  }
0xe1: {  	v1 =	vand.u32 $0x7, v1;
	v2 =	vadd.s32 v2, v63;
	v3 =	vld.idx.msk [tilespmem:v3+s14+$0x0], $0xffff  }
0xe2: {  	v1 =	vor.u32 v1, v2;
	_ =	sdelay $0x3  }
0xe3: {  	[tilespmem:s24+$0xC00] =	vst v3  }
0xe4: {  	s25 =	simm.s32 $0x10;
	v1 =	vld.idx.msk [tilespmem:v1+s14+$0x0], $0xffff  }
.LBB2_2:
0xe5: {  	_ =	sdelay $0x3  }
0xe6: {  	p0 =	sne.s32 s25, $0xF0;
	s23 =	sadd.s32 $0x10, s23;
	[tilespmem:s24+$0xE00] =	vst v1;
	s24 =	sadd.s32 $0x10, s24  }
0xe7: {  	s26 =	smov.u32 s25;
	s25 =	sadd.s32 $0x10, s25;
	v1 =	vld [tilespmem:s23+$0x0];
	_ =	sdelay $0x2  }
0xe8: {  	v2 =	vmov s26  }
0xe9: {  	v2 =	vshll.u32 v2, $0x7  }
0xea: {  	v7 =	vor.u32 v0, v2;
	v3 =	vand.u32 $0xFFFFFFF8, v1;
	v2 =	vadd.s32 $0x1, v1  }
0xeb: {  	v4 =	vand.u32 $0x7, v1;
	v3 =	vadd.s32 v7, v3;
	v5 =	vand.u32 $0xFFFFFFF8, v2  }
0xec: {  	v8 =	vor.u32 v4, v3;
	v3 =	vadd.s32 v7, v5;
	v5 =	vadd.s32 $0x2, v1  }
0xed: {  	v9 =	vadd.s32 $0x3, v1;
	v10 =	vadd.s32 $0x4, v1;
	v4 =	vand.u32 $0xFFFFFFF8, v5  }
0xee: {  	v6 =	vand.u32 $0xFFFFFFF8, v10;
	v11 =	vadd.s32 v7, v4;
	v4 =	vand.u32 $0xFFFFFFF8, v9  }
0xef: {  	v14 =	vadd.s32 $0x5, v1;
	v13 =	vadd.s32 v7, v6;
	v12 =	vadd.s32 v7, v4  }
0xf0: {  	v15 =	vadd.s32 $0x6, v1;
	v16 =	vadd.s32 $0x7, v1;
	v4 =	vand.u32 $0xFFFFFFF8, v14  }
0xf1: {  	v18 =	vand.u32 $0xFFFFFFF8, v16;
	v17 =	vadd.s32 v7, v4;
	v4 =	vand.u32 $0xFFFFFFF8, v15;
	v6 =	vld.idx.msk [tilespmem:v8+s14+$0x0], $0xffff  }
0xf2: {  	v2 =	vand.u32 $0x7, v2;
	v18 =	vadd.s32 v7, v18;
	v19 =	vadd.s32 v7, v4  }
0xf3: {  	v20 =	vadd.s32 $0x9, v1;
	v21 =	vadd.s32 $0xA, v1;
	v3 =	vor.u32 v2, v3  }
0xf4: {  	v22 =	vadd.s32 $0xB, v1;
	v2 =	vand.u32 $0xFFFFFFF8, v20;
	v4 =	vand.u32 $0xFFFFFFF8, v21  }
0xf5: {  	v23 =	vadd.s32 v7, v2;
	v2 =	vand.u32 $0xFFFFFFF8, v22;
	v24 =	vadd.s32 v7, v4  }
0xf6: {  	v26 =	vadd.s32 $0xC, v1;
	v25 =	vadd.s32 v7, v2;
	v4 =	vadd.s32 $0xD, v1  }
0xf7: {  	v2 =	vadd.s32 $0xE, v1;
	v27 =	vand.u32 $0xFFFFFFF8, v4;
	[tilespmem:s24+$0xFFFFF000] =	vst v6;
	v6 =	vand.u32 $0xFFFFFFF8, v26  }
0xf8: {  	v28 =	vld.idx.msk [tilespmem:v3+s14+$0x0], $0xffff;
	v29 =	vadd.s32 v7, v6;
	v6 =	vadd.s32 v7, v27;
	v3 =	vand.u32 $0xFFFFFFF8, v2  }
0xf9: {  	v1 =	vadd.s32 $0xF, v1;
	v27 =	vand.u32 $0x7, v5;
	v5 =	vadd.s32 v7, v3  }
0xfa: {  	v11 =	vor.u32 v27, v11;
	v3 =	vand.u32 $0xFFFFFFF8, v1  }
0xfb: {  	v3 =	vadd.s32 v7, v3;
	_ =	sdelay $0x2  }
0xfc: {  	[tilespmem:s24+$0xFFFFF200] =	vst v28  }
0xfd: {  	v7 =	vld.idx.msk [tilespmem:v11+s14+$0x0], $0xffff  }
0xfe: {  	v9 =	vand.u32 $0x7, v9  }
0xff: {  	v9 =	vor.u32 v9, v12;
	_ =	sdelay $0x3  }
0x100: {  	[tilespmem:s24+$0xFFFFF400] =	vst v7  }
0x101: {  	v7 =	vld.idx.msk [tilespmem:v9+s14+$0x0], $0xffff  }
0x102: {  	v9 =	vand.u32 $0x7, v10  }
0x103: {  	v9 =	vor.u32 v9, v13;
	_ =	sdelay $0x3  }
0x104: {  	[tilespmem:s24+$0xFFFFF600] =	vst v7  }
0x105: {  	v7 =	vld.idx.msk [tilespmem:v9+s14+$0x0], $0xffff  }
0x106: {  	v9 =	vand.u32 $0x7, v14  }
0x107: {  	v9 =	vor.u32 v9, v17;
	_ =	sdelay $0x3  }
0x108: {  	[tilespmem:s24+$0xFFFFF800] =	vst v7  }
0x109: {  	v7 =	vld.idx.msk [tilespmem:v9+s14+$0x0], $0xffff  }
0x10a: {  	v9 =	vand.u32 $0x7, v15  }
0x10b: {  	v9 =	vor.u32 v9, v19;
	_ =	sdelay $0x3  }
0x10c: {  	[tilespmem:s24+$0xFFFFFA00] =	vst v7  }
0x10d: {  	v7 =	vld.idx.msk [tilespmem:v9+s14+$0x0], $0xffff  }
0x10e: {  	v9 =	vand.u32 $0x7, v16  }
0x10f: {  	v9 =	vor.u32 v9, v18;
	_ =	sdelay $0x3  }
0x110: {  	[tilespmem:s24+$0xFFFFFC00] =	vst v7  }
0x111: {  	v7 =	vld.idx.msk [tilespmem:v9+s14+$0x0], $0xffff;
	_ =	sdelay $0x1  }
0x112: {  	v8 =	vadd.s32 $0x8, v8;
	_ =	sdelay $0x3  }
0x113: {  	[tilespmem:s24+$0xFFFFFE00] =	vst v7  }
0x114: {  	v7 =	vld.idx.msk [tilespmem:v8+s14+$0x0], $0xffff  }
0x115: {  	v8 =	vand.u32 $0x7, v20  }
0x116: {  	v8 =	vor.u32 v8, v23;
	_ =	sdelay $0x3  }
0x117: {  	[tilespmem:s24+$0x0] =	vst v7  }
0x118: {  	v7 =	vld.idx.msk [tilespmem:v8+s14+$0x0], $0xffff  }
0x119: {  	v8 =	vand.u32 $0x7, v21  }
0x11a: {  	v8 =	vor.u32 v8, v24;
	_ =	sdelay $0x3  }
0x11b: {  	[tilespmem:s24+$0x200] =	vst v7  }
0x11c: {  	v7 =	vld.idx.msk [tilespmem:v8+s14+$0x0], $0xffff  }
0x11d: {  	v8 =	vand.u32 $0x7, v22  }
0x11e: {  	v8 =	vor.u32 v8, v25;
	_ =	sdelay $0x3  }
0x11f: {  	[tilespmem:s24+$0x400] =	vst v7  }
0x120: {  	v7 =	vld.idx.msk [tilespmem:v8+s14+$0x0], $0xffff  }
0x121: {  	v8 =	vand.u32 $0x7, v26  }
0x122: {  	v8 =	vor.u32 v8, v29;
	_ =	sdelay $0x3  }
0x123: {  	[tilespmem:s24+$0x600] =	vst v7  }
0x124: {  	v7 =	vld.idx.msk [tilespmem:v8+s14+$0x0], $0xffff  }
0x125: {  	v4 =	vand.u32 $0x7, v4  }
0x126: {  	v4 =	vor.u32 v4, v6;
	_ =	sdelay $0x3  }
0x127: {  	[tilespmem:s24+$0x800] =	vst v7  }
0x128: {  	v4 =	vld.idx.msk [tilespmem:v4+s14+$0x0], $0xffff  }
0x129: {  	v2 =	vand.u32 $0x7, v2  }
0x12a: {  	v2 =	vor.u32 v2, v5;
	_ =	sdelay $0x3  }
0x12b: {  	[tilespmem:s24+$0xA00] =	vst v4  }
0x12c: {  	v2 =	vld.idx.msk [tilespmem:v2+s14+$0x0], $0xffff  }
0x12d: {  	v1 =	vand.u32 $0x7, v1  }
0x12e: {  	v1 =	vor.u32 v1, v3  }
.Ltmp0:
0x12f: {  	(pc) =	sbr.rel @p0 .LBB2_2-.Ltmp0, $3  }
0x130: {  	_ =	sdelay $0x1  }
0x131: {  	[tilespmem:s24+$0xC00] =	vst v2  }
0x132: {  	v1 =	vld.idx.msk [tilespmem:v1+s14+$0x0], $0xffff  }
0x133: {  	_ =	sdelay $0x3  }
0x134: {  	[tilespmem:s24+$0xE00] =	vst v1  }
0x135: {  	[tilespmem:s14], [sflag:$0x1] =	stream.indirect.gather [hbm4b:s4+s12], $0x80, s18, s12, $0xb8;
	[tilespmem:$0x14C00] =	vst v63  }
0x136: {  	_ =	swait.ge [sflag:s17], $0x8000  }
0x137: {  	[sflag:s17] =	ssyncset.done $0x0  }
0x138: {  	s23 =	simm.s32 $0x900;
	[sflag:s17] =	ssyncadd.s32 $0xFFFF8000  }
0x139: {  	v1 =	vld [tilespmem:s23+$0x0];
	_ =	sdelay $0x1  }
0x13a: {  	s31 =	simm.s32 $0x0  }
0x13b: {  	v2 =	vmov s31  }
0x13c: {  	v2 =	vshll.u32 v2, $0x7  }
0x13d: {  	v2 =	vor.u32 v0, v2;
	v3 =	vand.u32 $0xFFFFFFF8, v1  }
0x13e: {  	v4 =	vand.u32 $0x7, v1;
	v3 =	vadd.s32 v2, v3  }
0x13f: {  	v3 =	vor.u32 v4, v3;
	_ =	sdelay $0x2  }
0x140: {  	v30 =	vadd.s32 $0x1, v1  }
0x141: {  	v5 =	vand.u32 $0xFFFFFFF8, v30  }
0x142: {  	v5 =	vadd.s32 v2, v5;
	v4 =	vand.u32 $0x7, v30;
	v6 =	vld.idx.msk [tilespmem:v3+s16+$0x0], $0xffff  }
0x143: {  	v4 =	vor.u32 v4, v5;
	_ =	sdelay $0x2  }
0x144: {  	s24 =	simm.s32 $0x11D00;
	v31 =	vadd.s32 $0x2, v1  }
0x145: {  	v7 =	vand.u32 $0xFFFFFFF8, v31;
	[tilespmem:s24+$0xFFFFF000] =	vst v6  }
0x146: {  	v32 =	vadd.s32 v2, v7;
	v5 =	vand.u32 $0x7, v31;
	v4 =	vld.idx.msk [tilespmem:v4+s16+$0x0], $0xffff  }
0x147: {  	v5 =	vor.u32 v5, v32;
	_ =	sdelay $0x2  }
0x148: {  	v33 =	vadd.s32 $0x3, v1  }
0x149: {  	v34 =	vand.u32 $0xFFFFFFF8, v33;
	[tilespmem:s24+$0xFFFFF200] =	vst v4  }
0x14a: {  	v35 =	vadd.s32 v2, v34;
	v6 =	vand.u32 $0x7, v33;
	v5 =	vld.idx.msk [tilespmem:v5+s16+$0x0], $0xffff  }
0x14b: {  	v4 =	vor.u32 v6, v35;
	_ =	sdelay $0x2  }
0x14c: {  	v36 =	vadd.s32 $0x4, v1  }
0x14d: {  	v37 =	vand.u32 $0xFFFFFFF8, v36;
	[tilespmem:s24+$0xFFFFF400] =	vst v5  }
0x14e: {  	v38 =	vadd.s32 v2, v37;
	v6 =	vand.u32 $0x7, v36;
	v4 =	vld.idx.msk [tilespmem:v4+s16+$0x0], $0xffff  }
0x14f: {  	v5 =	vor.u32 v6, v38;
	_ =	sdelay $0x2  }
0x150: {  	v39 =	vadd.s32 $0x5, v1  }
0x151: {  	v40 =	vand.u32 $0xFFFFFFF8, v39;
	[tilespmem:s24+$0xFFFFF600] =	vst v4  }
0x152: {  	v41 =	vadd.s32 v2, v40;
	v6 =	vand.u32 $0x7, v39;
	v5 =	vld.idx.msk [tilespmem:v5+s16+$0x0], $0xffff  }
0x153: {  	v4 =	vor.u32 v6, v41;
	_ =	sdelay $0x2  }
0x154: {  	v42 =	vadd.s32 $0x6, v1  }
0x155: {  	v43 =	vand.u32 $0xFFFFFFF8, v42;
	[tilespmem:s24+$0xFFFFF800] =	vst v5  }
0x156: {  	v44 =	vadd.s32 v2, v43;
	v6 =	vand.u32 $0x7, v42;
	v4 =	vld.idx.msk [tilespmem:v4+s16+$0x0], $0xffff  }
0x157: {  	v5 =	vor.u32 v6, v44;
	_ =	sdelay $0x2  }
0x158: {  	v45 =	vadd.s32 $0x7, v1  }
0x159: {  	v46 =	vand.u32 $0xFFFFFFF8, v45;
	[tilespmem:s24+$0xFFFFFA00] =	vst v4  }
0x15a: {  	v47 =	vadd.s32 v2, v46;
	v6 =	vand.u32 $0x7, v45;
	v5 =	vld.idx.msk [tilespmem:v5+s16+$0x0], $0xffff  }
0x15b: {  	v4 =	vor.u32 v6, v47;
	_ =	sdelay $0x3  }
0x15c: {  	[tilespmem:s24+$0xFFFFFC00] =	vst v5  }
0x15d: {  	v4 =	vld.idx.msk [tilespmem:v4+s16+$0x0], $0xffff  }
0x15e: {  	v3 =	vadd.s32 $0x8, v3;
	_ =	sdelay $0x2  }
0x15f: {  	v48 =	vadd.s32 $0x9, v1  }
0x160: {  	v49 =	vand.u32 $0xFFFFFFF8, v48;
	[tilespmem:s24+$0xFFFFFE00] =	vst v4  }
0x161: {  	v50 =	vadd.s32 v2, v49;
	v5 =	vand.u32 $0x7, v48;
	v3 =	vld.idx.msk [tilespmem:v3+s16+$0x0], $0xffff  }
0x162: {  	v4 =	vor.u32 v5, v50;
	_ =	sdelay $0x2  }
0x163: {  	v51 =	vadd.s32 $0xA, v1  }
0x164: {  	v52 =	vand.u32 $0xFFFFFFF8, v51;
	[tilespmem:s24+$0x0] =	vst v3  }
0x165: {  	v5 =	vand.u32 $0x7, v51;
	v3 =	vadd.s32 v2, v52;
	v4 =	vld.idx.msk [tilespmem:v4+s16+$0x0], $0xffff  }
0x166: {  	v3 =	vor.u32 v5, v3;
	_ =	sdelay $0x2  }
0x167: {  	v53 =	vadd.s32 $0xB, v1  }
0x168: {  	v54 =	vand.u32 $0xFFFFFFF8, v53;
	[tilespmem:s24+$0x200] =	vst v4  }
0x169: {  	v55 =	vadd.s32 v2, v54;
	v5 =	vand.u32 $0x7, v53;
	v3 =	vld.idx.msk [tilespmem:v3+s16+$0x0], $0xffff  }
0x16a: {  	v4 =	vor.u32 v5, v55;
	_ =	sdelay $0x2  }
0x16b: {  	v56 =	vadd.s32 $0xC, v1  }
0x16c: {  	v57 =	vand.u32 $0xFFFFFFF8, v56;
	[tilespmem:s24+$0x400] =	vst v3  }
0x16d: {  	v5 =	vand.u32 $0x7, v56;
	v3 =	vadd.s32 v2, v57;
	v4 =	vld.idx.msk [tilespmem:v4+s16+$0x0], $0xffff  }
0x16e: {  	v3 =	vor.u32 v5, v3;
	_ =	sdelay $0x2  }
0x16f: {  	v58 =	vadd.s32 $0xD, v1  }
0x170: {  	v59 =	vand.u32 $0xFFFFFFF8, v58;
	[tilespmem:s24+$0x600] =	vst v4  }
0x171: {  	v60 =	vadd.s32 v2, v59;
	v5 =	vand.u32 $0x7, v58;
	v3 =	vld.idx.msk [tilespmem:v3+s16+$0x0], $0xffff  }
0x172: {  	v4 =	vor.u32 v5, v60;
	_ =	sdelay $0x2  }
0x173: {  	v61 =	vadd.s32 $0xE, v1  }
0x174: {  	v62 =	vand.u32 $0xFFFFFFF8, v61;
	[tilespmem:s24+$0x800] =	vst v3  }
0x175: {  	v5 =	vand.u32 $0x7, v61;
	v3 =	vadd.s32 v2, v62;
	v4 =	vld.idx.msk [tilespmem:v4+s16+$0x0], $0xffff  }
0x176: {  	v3 =	vor.u32 v5, v3;
	_ =	sdelay $0x2  }
0x177: {  	v1 =	vadd.s32 $0xF, v1  }
0x178: {  	v63 =	vand.u32 $0xFFFFFFF8, v1;
	[tilespmem:s24+$0xA00] =	vst v4  }
0x179: {  	v1 =	vand.u32 $0x7, v1;
	v2 =	vadd.s32 v2, v63;
	v3 =	vld.idx.msk [tilespmem:v3+s16+$0x0], $0xffff  }
0x17a: {  	v1 =	vor.u32 v1, v2;
	_ =	sdelay $0x3  }
0x17b: {  	[tilespmem:s24+$0xC00] =	vst v3  }
0x17c: {  	s25 =	simm.s32 $0x10;
	v1 =	vld.idx.msk [tilespmem:v1+s16+$0x0], $0xffff  }
.LBB2_4:
0x17d: {  	_ =	sdelay $0x3  }
0x17e: {  	p0 =	sne.s32 s25, $0xF0;
	s23 =	sadd.s32 $0x10, s23;
	[tilespmem:s24+$0xE00] =	vst v1;
	s24 =	sadd.s32 $0x10, s24  }
0x17f: {  	s26 =	smov.u32 s25;
	s25 =	sadd.s32 $0x10, s25;
	v1 =	vld [tilespmem:s23+$0x0];
	_ =	sdelay $0x2  }
0x180: {  	v2 =	vmov s26  }
0x181: {  	v2 =	vshll.u32 v2, $0x7  }
0x182: {  	v7 =	vor.u32 v0, v2;
	v3 =	vand.u32 $0xFFFFFFF8, v1;
	v2 =	vadd.s32 $0x1, v1  }
0x183: {  	v4 =	vand.u32 $0x7, v1;
	v3 =	vadd.s32 v7, v3;
	v5 =	vand.u32 $0xFFFFFFF8, v2  }
0x184: {  	v8 =	vor.u32 v4, v3;
	v3 =	vadd.s32 v7, v5;
	v5 =	vadd.s32 $0x2, v1  }
0x185: {  	v9 =	vadd.s32 $0x3, v1;
	v10 =	vadd.s32 $0x4, v1;
	v4 =	vand.u32 $0xFFFFFFF8, v5  }
0x186: {  	v6 =	vand.u32 $0xFFFFFFF8, v10;
	v11 =	vadd.s32 v7, v4;
	v4 =	vand.u32 $0xFFFFFFF8, v9  }
0x187: {  	v14 =	vadd.s32 $0x5, v1;
	v13 =	vadd.s32 v7, v6;
	v12 =	vadd.s32 v7, v4  }
0x188: {  	v15 =	vadd.s32 $0x6, v1;
	v16 =	vadd.s32 $0x7, v1;
	v4 =	vand.u32 $0xFFFFFFF8, v14  }
0x189: {  	v18 =	vand.u32 $0xFFFFFFF8, v16;
	v17 =	vadd.s32 v7, v4;
	v4 =	vand.u32 $0xFFFFFFF8, v15;
	v6 =	vld.idx.msk [tilespmem:v8+s16+$0x0], $0xffff  }
0x18a: {  	v2 =	vand.u32 $0x7, v2;
	v18 =	vadd.s32 v7, v18;
	v19 =	vadd.s32 v7, v4  }
0x18b: {  	v20 =	vadd.s32 $0x9, v1;
	v21 =	vadd.s32 $0xA, v1;
	v3 =	vor.u32 v2, v3  }
0x18c: {  	v22 =	vadd.s32 $0xB, v1;
	v2 =	vand.u32 $0xFFFFFFF8, v20;
	v4 =	vand.u32 $0xFFFFFFF8, v21  }
0x18d: {  	v23 =	vadd.s32 v7, v2;
	v2 =	vand.u32 $0xFFFFFFF8, v22;
	v24 =	vadd.s32 v7, v4  }
0x18e: {  	v26 =	vadd.s32 $0xC, v1;
	v25 =	vadd.s32 v7, v2;
	v4 =	vadd.s32 $0xD, v1  }
0x18f: {  	v2 =	vadd.s32 $0xE, v1;
	v27 =	vand.u32 $0xFFFFFFF8, v4;
	[tilespmem:s24+$0xFFFFF000] =	vst v6;
	v6 =	vand.u32 $0xFFFFFFF8, v26  }
0x190: {  	v28 =	vld.idx.msk [tilespmem:v3+s16+$0x0], $0xffff;
	v29 =	vadd.s32 v7, v6;
	v6 =	vadd.s32 v7, v27;
	v3 =	vand.u32 $0xFFFFFFF8, v2  }
0x191: {  	v1 =	vadd.s32 $0xF, v1;
	v27 =	vand.u32 $0x7, v5;
	v5 =	vadd.s32 v7, v3  }
0x192: {  	v11 =	vor.u32 v27, v11;
	v3 =	vand.u32 $0xFFFFFFF8, v1  }
0x193: {  	v3 =	vadd.s32 v7, v3;
	_ =	sdelay $0x2  }
0x194: {  	[tilespmem:s24+$0xFFFFF200] =	vst v28  }
0x195: {  	v7 =	vld.idx.msk [tilespmem:v11+s16+$0x0], $0xffff  }
0x196: {  	v9 =	vand.u32 $0x7, v9  }
0x197: {  	v9 =	vor.u32 v9, v12;
	_ =	sdelay $0x3  }
0x198: {  	[tilespmem:s24+$0xFFFFF400] =	vst v7  }
0x199: {  	v7 =	vld.idx.msk [tilespmem:v9+s16+$0x0], $0xffff  }
0x19a: {  	v9 =	vand.u32 $0x7, v10  }
0x19b: {  	v9 =	vor.u32 v9, v13;
	_ =	sdelay $0x3  }
0x19c: {  	[tilespmem:s24+$0xFFFFF600] =	vst v7  }
0x19d: {  	v7 =	vld.idx.msk [tilespmem:v9+s16+$0x0], $0xffff  }
0x19e: {  	v9 =	vand.u32 $0x7, v14  }
0x19f: {  	v9 =	vor.u32 v9, v17;
	_ =	sdelay $0x3  }
0x1a0: {  	[tilespmem:s24+$0xFFFFF800] =	vst v7  }
0x1a1: {  	v7 =	vld.idx.msk [tilespmem:v9+s16+$0x0], $0xffff  }
0x1a2: {  	v9 =	vand.u32 $0x7, v15  }
0x1a3: {  	v9 =	vor.u32 v9, v19;
	_ =	sdelay $0x3  }
0x1a4: {  	[tilespmem:s24+$0xFFFFFA00] =	vst v7  }
0x1a5: {  	v7 =	vld.idx.msk [tilespmem:v9+s16+$0x0], $0xffff  }
0x1a6: {  	v9 =	vand.u32 $0x7, v16  }
0x1a7: {  	v9 =	vor.u32 v9, v18;
	_ =	sdelay $0x3  }
0x1a8: {  	[tilespmem:s24+$0xFFFFFC00] =	vst v7  }
0x1a9: {  	v7 =	vld.idx.msk [tilespmem:v9+s16+$0x0], $0xffff;
	_ =	sdelay $0x1  }
0x1aa: {  	v8 =	vadd.s32 $0x8, v8;
	_ =	sdelay $0x3  }
0x1ab: {  	[tilespmem:s24+$0xFFFFFE00] =	vst v7  }
0x1ac: {  	v7 =	vld.idx.msk [tilespmem:v8+s16+$0x0], $0xffff  }
0x1ad: {  	v8 =	vand.u32 $0x7, v20  }
0x1ae: {  	v8 =	vor.u32 v8, v23;
	_ =	sdelay $0x3  }
0x1af: {  	[tilespmem:s24+$0x0] =	vst v7  }
0x1b0: {  	v7 =	vld.idx.msk [tilespmem:v8+s16+$0x0], $0xffff  }
0x1b1: {  	v8 =	vand.u32 $0x7, v21  }
0x1b2: {  	v8 =	vor.u32 v8, v24;
	_ =	sdelay $0x3  }
0x1b3: {  	[tilespmem:s24+$0x200] =	vst v7  }
0x1b4: {  	v7 =	vld.idx.msk [tilespmem:v8+s16+$0x0], $0xffff  }
0x1b5: {  	v8 =	vand.u32 $0x7, v22  }
0x1b6: {  	v8 =	vor.u32 v8, v25;
	_ =	sdelay $0x3  }
0x1b7: {  	[tilespmem:s24+$0x400] =	vst v7  }
0x1b8: {  	v7 =	vld.idx.msk [tilespmem:v8+s16+$0x0], $0xffff  }
0x1b9: {  	v8 =	vand.u32 $0x7, v26  }
0x1ba: {  	v8 =	vor.u32 v8, v29;
	_ =	sdelay $0x3  }
0x1bb: {  	[tilespmem:s24+$0x600] =	vst v7  }
0x1bc: {  	v7 =	vld.idx.msk [tilespmem:v8+s16+$0x0], $0xffff  }
0x1bd: {  	v4 =	vand.u32 $0x7, v4  }
0x1be: {  	v4 =	vor.u32 v4, v6;
	_ =	sdelay $0x3  }
0x1bf: {  	[tilespmem:s24+$0x800] =	vst v7  }
0x1c0: {  	v4 =	vld.idx.msk [tilespmem:v4+s16+$0x0], $0xffff  }
0x1c1: {  	v2 =	vand.u32 $0x7, v2  }
0x1c2: {  	v2 =	vor.u32 v2, v5;
	_ =	sdelay $0x3  }
0x1c3: {  	[tilespmem:s24+$0xA00] =	vst v4  }
0x1c4: {  	v2 =	vld.idx.msk [tilespmem:v2+s16+$0x0], $0xffff  }
0x1c5: {  	v1 =	vand.u32 $0x7, v1  }
0x1c6: {  	v1 =	vor.u32 v1, v3  }
.Ltmp1:
0x1c7: {  	(pc) =	sbr.rel @p0 .LBB2_4-.Ltmp1, $3  }
0x1c8: {  	_ =	sdelay $0x1  }
0x1c9: {  	[tilespmem:s24+$0xC00] =	vst v2  }
0x1ca: {  	v1 =	vld.idx.msk [tilespmem:v1+s16+$0x0], $0xffff  }
0x1cb: {  	_ =	sdelay $0x3  }
0x1cc: {  	[tilespmem:s24+$0xE00] =	vst v1  }
0x1cd: {  	[tilespmem:s16], [sflag:$0x1] =	stream.indirect.gather [hbm4b:s4+s12], $0x80, s19, s12, $0xb8;
	[tilespmem:$0x14C00] =	vst v63  }
0x1ce: {  	_ =	swait.ge [sflag:s17], $0x8000  }
0x1cf: {  	[sflag:s17] =	ssyncset.done $0x0  }
0x1d0: {  	s23 =	simm.s32 $0xA00;
	[sflag:s17] =	ssyncadd.s32 $0xFFFF8000  }
0x1d1: {  	v1 =	vld [tilespmem:s23+$0x0];
	_ =	sdelay $0x1  }
0x1d2: {  	s31 =	simm.s32 $0x0  }
0x1d3: {  	v2 =	vmov s31  }
0x1d4: {  	v2 =	vshll.u32 v2, $0x7  }
0x1d5: {  	v2 =	vor.u32 v0, v2;
	v3 =	vand.u32 $0xFFFFFFF8, v1  }
0x1d6: {  	v4 =	vand.u32 $0x7, v1;
	v3 =	vadd.s32 v2, v3  }
0x1d7: {  	v3 =	vor.u32 v4, v3;
	_ =	sdelay $0x2  }
0x1d8: {  	v30 =	vadd.s32 $0x1, v1  }
0x1d9: {  	v5 =	vand.u32 $0xFFFFFFF8, v30  }
0x1da: {  	v5 =	vadd.s32 v2, v5;
	v4 =	vand.u32 $0x7, v30;
	v6 =	vld.idx.msk [tilespmem:v3+s14+$0x0], $0xffff  }
0x1db: {  	v4 =	vor.u32 v4, v5;
	_ =	sdelay $0x2  }
0x1dc: {  	s24 =	simm.s32 $0x13C00;
	v31 =	vadd.s32 $0x2, v1  }
0x1dd: {  	v7 =	vand.u32 $0xFFFFFFF8, v31;
	[tilespmem:s24+$0xFFFFF000] =	vst v6  }
0x1de: {  	v32 =	vadd.s32 v2, v7;
	v5 =	vand.u32 $0x7, v31;
	v4 =	vld.idx.msk [tilespmem:v4+s14+$0x0], $0xffff  }
0x1df: {  	v5 =	vor.u32 v5, v32;
	_ =	sdelay $0x2  }
0x1e0: {  	v33 =	vadd.s32 $0x3, v1  }
0x1e1: {  	v34 =	vand.u32 $0xFFFFFFF8, v33;
	[tilespmem:s24+$0xFFFFF200] =	vst v4  }
0x1e2: {  	v35 =	vadd.s32 v2, v34;
	v6 =	vand.u32 $0x7, v33;
	v5 =	vld.idx.msk [tilespmem:v5+s14+$0x0], $0xffff  }
0x1e3: {  	v4 =	vor.u32 v6, v35;
	_ =	sdelay $0x2  }
0x1e4: {  	v36 =	vadd.s32 $0x4, v1  }
0x1e5: {  	v37 =	vand.u32 $0xFFFFFFF8, v36;
	[tilespmem:s24+$0xFFFFF400] =	vst v5  }
0x1e6: {  	v38 =	vadd.s32 v2, v37;
	v6 =	vand.u32 $0x7, v36;
	v4 =	vld.idx.msk [tilespmem:v4+s14+$0x0], $0xffff  }
0x1e7: {  	v5 =	vor.u32 v6, v38;
	_ =	sdelay $0x2  }
0x1e8: {  	v39 =	vadd.s32 $0x5, v1  }
0x1e9: {  	v40 =	vand.u32 $0xFFFFFFF8, v39;
	[tilespmem:s24+$0xFFFFF600] =	vst v4  }
0x1ea: {  	v41 =	vadd.s32 v2, v40;
	v6 =	vand.u32 $0x7, v39;
	v5 =	vld.idx.msk [tilespmem:v5+s14+$0x0], $0xffff  }
0x1eb: {  	v4 =	vor.u32 v6, v41;
	_ =	sdelay $0x2  }
0x1ec: {  	v42 =	vadd.s32 $0x6, v1  }
0x1ed: {  	v43 =	vand.u32 $0xFFFFFFF8, v42;
	[tilespmem:s24+$0xFFFFF800] =	vst v5  }
0x1ee: {  	v44 =	vadd.s32 v2, v43;
	v6 =	vand.u32 $0x7, v42;
	v4 =	vld.idx.msk [tilespmem:v4+s14+$0x0], $0xffff  }
0x1ef: {  	v5 =	vor.u32 v6, v44;
	_ =	sdelay $0x2  }
0x1f0: {  	v45 =	vadd.s32 $0x7, v1  }
0x1f1: {  	v46 =	vand.u32 $0xFFFFFFF8, v45;
	[tilespmem:s24+$0xFFFFFA00] =	vst v4  }
0x1f2: {  	v47 =	vadd.s32 v2, v46;
	v6 =	vand.u32 $0x7, v45;
	v5 =	vld.idx.msk [tilespmem:v5+s14+$0x0], $0xffff  }
0x1f3: {  	v4 =	vor.u32 v6, v47;
	_ =	sdelay $0x3  }
0x1f4: {  	[tilespmem:s24+$0xFFFFFC00] =	vst v5  }
0x1f5: {  	v4 =	vld.idx.msk [tilespmem:v4+s14+$0x0], $0xffff  }
0x1f6: {  	v3 =	vadd.s32 $0x8, v3;
	_ =	sdelay $0x2  }
0x1f7: {  	v48 =	vadd.s32 $0x9, v1  }
0x1f8: {  	v49 =	vand.u32 $0xFFFFFFF8, v48;
	[tilespmem:s24+$0xFFFFFE00] =	vst v4  }
0x1f9: {  	v50 =	vadd.s32 v2, v49;
	v5 =	vand.u32 $0x7, v48;
	v3 =	vld.idx.msk [tilespmem:v3+s14+$0x0], $0xffff  }
0x1fa: {  	v4 =	vor.u32 v5, v50;
	_ =	sdelay $0x2  }
0x1fb: {  	v51 =	vadd.s32 $0xA, v1  }
0x1fc: {  	v52 =	vand.u32 $0xFFFFFFF8, v51;
	[tilespmem:s24+$0x0] =	vst v3  }
0x1fd: {  	v5 =	vand.u32 $0x7, v51;
	v3 =	vadd.s32 v2, v52;
	v4 =	vld.idx.msk [tilespmem:v4+s14+$0x0], $0xffff  }
0x1fe: {  	v3 =	vor.u32 v5, v3;
	_ =	sdelay $0x2  }
0x1ff: {  	v53 =	vadd.s32 $0xB, v1  }
0x200: {  	v54 =	vand.u32 $0xFFFFFFF8, v53;
	[tilespmem:s24+$0x200] =	vst v4  }
0x201: {  	v55 =	vadd.s32 v2, v54;
	v5 =	vand.u32 $0x7, v53;
	v3 =	vld.idx.msk [tilespmem:v3+s14+$0x0], $0xffff  }
0x202: {  	v4 =	vor.u32 v5, v55;
	_ =	sdelay $0x2  }
0x203: {  	v56 =	vadd.s32 $0xC, v1  }
0x204: {  	v57 =	vand.u32 $0xFFFFFFF8, v56;
	[tilespmem:s24+$0x400] =	vst v3  }
0x205: {  	v5 =	vand.u32 $0x7, v56;
	v3 =	vadd.s32 v2, v57;
	v4 =	vld.idx.msk [tilespmem:v4+s14+$0x0], $0xffff  }
0x206: {  	v3 =	vor.u32 v5, v3;
	_ =	sdelay $0x2  }
0x207: {  	v58 =	vadd.s32 $0xD, v1  }
0x208: {  	v59 =	vand.u32 $0xFFFFFFF8, v58;
	[tilespmem:s24+$0x600] =	vst v4  }
0x209: {  	v60 =	vadd.s32 v2, v59;
	v5 =	vand.u32 $0x7, v58;
	v3 =	vld.idx.msk [tilespmem:v3+s14+$0x0], $0xffff  }
0x20a: {  	v4 =	vor.u32 v5, v60;
	_ =	sdelay $0x2  }
0x20b: {  	v61 =	vadd.s32 $0xE, v1  }
0x20c: {  	v62 =	vand.u32 $0xFFFFFFF8, v61;
	[tilespmem:s24+$0x800] =	vst v3  }
0x20d: {  	v5 =	vand.u32 $0x7, v61;
	v3 =	vadd.s32 v2, v62;
	v4 =	vld.idx.msk [tilespmem:v4+s14+$0x0], $0xffff  }
0x20e: {  	v3 =	vor.u32 v5, v3;
	_ =	sdelay $0x2  }
0x20f: {  	v1 =	vadd.s32 $0xF, v1  }
0x210: {  	v63 =	vand.u32 $0xFFFFFFF8, v1;
	[tilespmem:s24+$0xA00] =	vst v4  }
0x211: {  	v1 =	vand.u32 $0x7, v1;
	v2 =	vadd.s32 v2, v63;
	v3 =	vld.idx.msk [tilespmem:v3+s14+$0x0], $0xffff  }
0x212: {  	v1 =	vor.u32 v1, v2;
	_ =	sdelay $0x3  }
0x213: {  	[tilespmem:s24+$0xC00] =	vst v3  }
0x214: {  	s25 =	simm.s32 $0x10;
	v1 =	vld.idx.msk [tilespmem:v1+s14+$0x0], $0xffff  }
.LBB2_6:
0x215: {  	_ =	sdelay $0x3  }
0x216: {  	p0 =	sne.s32 s25, $0xF0;
	s23 =	sadd.s32 $0x10, s23;
	[tilespmem:s24+$0xE00] =	vst v1;
	s24 =	sadd.s32 $0x10, s24  }
0x217: {  	s26 =	smov.u32 s25;
	s25 =	sadd.s32 $0x10, s25;
	v1 =	vld [tilespmem:s23+$0x0];
	_ =	sdelay $0x2  }
0x218: {  	v2 =	vmov s26  }
0x219: {  	v2 =	vshll.u32 v2, $0x7  }
0x21a: {  	v7 =	vor.u32 v0, v2;
	v3 =	vand.u32 $0xFFFFFFF8, v1;
	v2 =	vadd.s32 $0x1, v1  }
0x21b: {  	v4 =	vand.u32 $0x7, v1;
	v3 =	vadd.s32 v7, v3;
	v5 =	vand.u32 $0xFFFFFFF8, v2  }
0x21c: {  	v8 =	vor.u32 v4, v3;
	v3 =	vadd.s32 v7, v5;
	v5 =	vadd.s32 $0x2, v1  }
0x21d: {  	v9 =	vadd.s32 $0x3, v1;
	v10 =	vadd.s32 $0x4, v1;
	v4 =	vand.u32 $0xFFFFFFF8, v5  }
0x21e: {  	v6 =	vand.u32 $0xFFFFFFF8, v10;
	v11 =	vadd.s32 v7, v4;
	v4 =	vand.u32 $0xFFFFFFF8, v9  }
0x21f: {  	v14 =	vadd.s32 $0x5, v1;
	v13 =	vadd.s32 v7, v6;
	v12 =	vadd.s32 v7, v4  }
0x220: {  	v15 =	vadd.s32 $0x6, v1;
	v16 =	vadd.s32 $0x7, v1;
	v4 =	vand.u32 $0xFFFFFFF8, v14  }
0x221: {  	v18 =	vand.u32 $0xFFFFFFF8, v16;
	v17 =	vadd.s32 v7, v4;
	v4 =	vand.u32 $0xFFFFFFF8, v15;
	v6 =	vld.idx.msk [tilespmem:v8+s14+$0x0], $0xffff  }
0x222: {  	v2 =	vand.u32 $0x7, v2;
	v18 =	vadd.s32 v7, v18;
	v19 =	vadd.s32 v7, v4  }
0x223: {  	v20 =	vadd.s32 $0x9, v1;
	v21 =	vadd.s32 $0xA, v1;
	v3 =	vor.u32 v2, v3  }
0x224: {  	v22 =	vadd.s32 $0xB, v1;
	v2 =	vand.u32 $0xFFFFFFF8, v20;
	v4 =	vand.u32 $0xFFFFFFF8, v21  }
0x225: {  	v23 =	vadd.s32 v7, v2;
	v2 =	vand.u32 $0xFFFFFFF8, v22;
	v24 =	vadd.s32 v7, v4  }
0x226: {  	v26 =	vadd.s32 $0xC, v1;
	v25 =	vadd.s32 v7, v2;
	v4 =	vadd.s32 $0xD, v1  }
0x227: {  	v2 =	vadd.s32 $0xE, v1;
	v27 =	vand.u32 $0xFFFFFFF8, v4;
	[tilespmem:s24+$0xFFFFF000] =	vst v6;
	v6 =	vand.u32 $0xFFFFFFF8, v26  }
0x228: {  	v28 =	vld.idx.msk [tilespmem:v3+s14+$0x0], $0xffff;
	v29 =	vadd.s32 v7, v6;
	v6 =	vadd.s32 v7, v27;
	v3 =	vand.u32 $0xFFFFFFF8, v2  }
0x229: {  	v1 =	vadd.s32 $0xF, v1;
	v27 =	vand.u32 $0x7, v5;
	v5 =	vadd.s32 v7, v3  }
0x22a: {  	v11 =	vor.u32 v27, v11;
	v3 =	vand.u32 $0xFFFFFFF8, v1  }
0x22b: {  	v3 =	vadd.s32 v7, v3;
	_ =	sdelay $0x2  }
0x22c: {  	[tilespmem:s24+$0xFFFFF200] =	vst v28  }
0x22d: {  	v7 =	vld.idx.msk [tilespmem:v11+s14+$0x0], $0xffff  }
0x22e: {  	v9 =	vand.u32 $0x7, v9  }
0x22f: {  	v9 =	vor.u32 v9, v12;
	_ =	sdelay $0x3  }
0x230: {  	[tilespmem:s24+$0xFFFFF400] =	vst v7  }
0x231: {  	v7 =	vld.idx.msk [tilespmem:v9+s14+$0x0], $0xffff  }
0x232: {  	v9 =	vand.u32 $0x7, v10  }
0x233: {  	v9 =	vor.u32 v9, v13;
	_ =	sdelay $0x3  }
0x234: {  	[tilespmem:s24+$0xFFFFF600] =	vst v7  }
0x235: {  	v7 =	vld.idx.msk [tilespmem:v9+s14+$0x0], $0xffff  }
0x236: {  	v9 =	vand.u32 $0x7, v14  }
0x237: {  	v9 =	vor.u32 v9, v17;
	_ =	sdelay $0x3  }
0x238: {  	[tilespmem:s24+$0xFFFFF800] =	vst v7  }
0x239: {  	v7 =	vld.idx.msk [tilespmem:v9+s14+$0x0], $0xffff  }
0x23a: {  	v9 =	vand.u32 $0x7, v15  }
0x23b: {  	v9 =	vor.u32 v9, v19;
	_ =	sdelay $0x3  }
0x23c: {  	[tilespmem:s24+$0xFFFFFA00] =	vst v7  }
0x23d: {  	v7 =	vld.idx.msk [tilespmem:v9+s14+$0x0], $0xffff  }
0x23e: {  	v9 =	vand.u32 $0x7, v16  }
0x23f: {  	v9 =	vor.u32 v9, v18;
	_ =	sdelay $0x3  }
0x240: {  	[tilespmem:s24+$0xFFFFFC00] =	vst v7  }
0x241: {  	v7 =	vld.idx.msk [tilespmem:v9+s14+$0x0], $0xffff;
	_ =	sdelay $0x1  }
0x242: {  	v8 =	vadd.s32 $0x8, v8;
	_ =	sdelay $0x3  }
0x243: {  	[tilespmem:s24+$0xFFFFFE00] =	vst v7  }
0x244: {  	v7 =	vld.idx.msk [tilespmem:v8+s14+$0x0], $0xffff  }
0x245: {  	v8 =	vand.u32 $0x7, v20  }
0x246: {  	v8 =	vor.u32 v8, v23;
	_ =	sdelay $0x3  }
0x247: {  	[tilespmem:s24+$0x0] =	vst v7  }
0x248: {  	v7 =	vld.idx.msk [tilespmem:v8+s14+$0x0], $0xffff  }
0x249: {  	v8 =	vand.u32 $0x7, v21  }
0x24a: {  	v8 =	vor.u32 v8, v24;
	_ =	sdelay $0x3  }
0x24b: {  	[tilespmem:s24+$0x200] =	vst v7  }
0x24c: {  	v7 =	vld.idx.msk [tilespmem:v8+s14+$0x0], $0xffff  }
0x24d: {  	v8 =	vand.u32 $0x7, v22  }
0x24e: {  	v8 =	vor.u32 v8, v25;
	_ =	sdelay $0x3  }
0x24f: {  	[tilespmem:s24+$0x400] =	vst v7  }
0x250: {  	v7 =	vld.idx.msk [tilespmem:v8+s14+$0x0], $0xffff  }
0x251: {  	v8 =	vand.u32 $0x7, v26  }
0x252: {  	v8 =	vor.u32 v8, v29;
	_ =	sdelay $0x3  }
0x253: {  	[tilespmem:s24+$0x600] =	vst v7  }
0x254: {  	v7 =	vld.idx.msk [tilespmem:v8+s14+$0x0], $0xffff  }
0x255: {  	v4 =	vand.u32 $0x7, v4  }
0x256: {  	v4 =	vor.u32 v4, v6;
	_ =	sdelay $0x3  }
0x257: {  	[tilespmem:s24+$0x800] =	vst v7  }
0x258: {  	v4 =	vld.idx.msk [tilespmem:v4+s14+$0x0], $0xffff  }
0x259: {  	v2 =	vand.u32 $0x7, v2  }
0x25a: {  	v2 =	vor.u32 v2, v5;
	_ =	sdelay $0x3  }
0x25b: {  	[tilespmem:s24+$0xA00] =	vst v4  }
0x25c: {  	v2 =	vld.idx.msk [tilespmem:v2+s14+$0x0], $0xffff  }
0x25d: {  	v1 =	vand.u32 $0x7, v1  }
0x25e: {  	v1 =	vor.u32 v1, v3  }
.Ltmp2:
0x25f: {  	(pc) =	sbr.rel @p0 .LBB2_6-.Ltmp2, $3  }
0x260: {  	_ =	sdelay $0x1  }
0x261: {  	[tilespmem:s24+$0xC00] =	vst v2  }
0x262: {  	v1 =	vld.idx.msk [tilespmem:v1+s14+$0x0], $0xffff  }
0x263: {  	_ =	sdelay $0x3  }
0x264: {  	[tilespmem:s24+$0xE00] =	vst v1  }
0x265: {  	_ =	swait.ge [sflag:s17], $0x8000  }
0x266: {  	[sflag:s17] =	ssyncset.done $0x0  }
0x267: {  	s23 =	simm.s32 $0xB00;
	[sflag:s17] =	ssyncadd.s32 $0xFFFF8000  }
0x268: {  	v1 =	vld [tilespmem:s23+$0x0];
	_ =	sdelay $0x1  }
0x269: {  	s31 =	simm.s32 $0x0  }
0x26a: {  	v2 =	vmov s31  }
0x26b: {  	v2 =	vshll.u32 v2, $0x7  }
0x26c: {  	v2 =	vor.u32 v0, v2;
	v3 =	vand.u32 $0xFFFFFFF8, v1  }
0x26d: {  	v4 =	vand.u32 $0x7, v1;
	v3 =	vadd.s32 v2, v3  }
0x26e: {  	v3 =	vor.u32 v4, v3;
	_ =	sdelay $0x2  }
0x26f: {  	v30 =	vadd.s32 $0x1, v1  }
0x270: {  	v5 =	vand.u32 $0xFFFFFFF8, v30  }
0x271: {  	v5 =	vadd.s32 v2, v5;
	v4 =	vand.u32 $0x7, v30;
	v6 =	vld.idx.msk [tilespmem:v3+s16+$0x0], $0xffff  }
0x272: {  	v4 =	vor.u32 v4, v5;
	_ =	sdelay $0x2  }
0x273: {  	s24 =	simm.s32 $0x13D00;
	v31 =	vadd.s32 $0x2, v1  }
0x274: {  	v7 =	vand.u32 $0xFFFFFFF8, v31;
	[tilespmem:s24+$0xFFFFF000] =	vst v6  }
0x275: {  	v32 =	vadd.s32 v2, v7;
	v5 =	vand.u32 $0x7, v31;
	v4 =	vld.idx.msk [tilespmem:v4+s16+$0x0], $0xffff  }
0x276: {  	v5 =	vor.u32 v5, v32;
	_ =	sdelay $0x2  }
0x277: {  	v33 =	vadd.s32 $0x3, v1  }
0x278: {  	v34 =	vand.u32 $0xFFFFFFF8, v33;
	[tilespmem:s24+$0xFFFFF200] =	vst v4  }
0x279: {  	v35 =	vadd.s32 v2, v34;
	v6 =	vand.u32 $0x7, v33;
	v5 =	vld.idx.msk [tilespmem:v5+s16+$0x0], $0xffff  }
0x27a: {  	v4 =	vor.u32 v6, v35;
	_ =	sdelay $0x2  }
0x27b: {  	v36 =	vadd.s32 $0x4, v1  }
0x27c: {  	v37 =	vand.u32 $0xFFFFFFF8, v36;
	[tilespmem:s24+$0xFFFFF400] =	vst v5  }
0x27d: {  	v38 =	vadd.s32 v2, v37;
	v6 =	vand.u32 $0x7, v36;
	v4 =	vld.idx.msk [tilespmem:v4+s16+$0x0], $0xffff  }
0x27e: {  	v5 =	vor.u32 v6, v38;
	_ =	sdelay $0x2  }
0x27f: {  	v39 =	vadd.s32 $0x5, v1  }
0x280: {  	v40 =	vand.u32 $0xFFFFFFF8, v39;
	[tilespmem:s24+$0xFFFFF600] =	vst v4  }
0x281: {  	v41 =	vadd.s32 v2, v40;
	v6 =	vand.u32 $0x7, v39;
	v5 =	vld.idx.msk [tilespmem:v5+s16+$0x0], $0xffff  }
0x282: {  	v4 =	vor.u32 v6, v41;
	_ =	sdelay $0x2  }
0x283: {  	v42 =	vadd.s32 $0x6, v1  }
0x284: {  	v43 =	vand.u32 $0xFFFFFFF8, v42;
	[tilespmem:s24+$0xFFFFF800] =	vst v5  }
0x285: {  	v44 =	vadd.s32 v2, v43;
	v6 =	vand.u32 $0x7, v42;
	v4 =	vld.idx.msk [tilespmem:v4+s16+$0x0], $0xffff  }
0x286: {  	v5 =	vor.u32 v6, v44;
	_ =	sdelay $0x2  }
0x287: {  	v45 =	vadd.s32 $0x7, v1  }
0x288: {  	v46 =	vand.u32 $0xFFFFFFF8, v45;
	[tilespmem:s24+$0xFFFFFA00] =	vst v4  }
0x289: {  	v47 =	vadd.s32 v2, v46;
	v6 =	vand.u32 $0x7, v45;
	v5 =	vld.idx.msk [tilespmem:v5+s16+$0x0], $0xffff  }
0x28a: {  	v4 =	vor.u32 v6, v47;
	_ =	sdelay $0x3  }
0x28b: {  	[tilespmem:s24+$0xFFFFFC00] =	vst v5  }
0x28c: {  	v4 =	vld.idx.msk [tilespmem:v4+s16+$0x0], $0xffff  }
0x28d: {  	v3 =	vadd.s32 $0x8, v3;
	_ =	sdelay $0x2  }
0x28e: {  	v48 =	vadd.s32 $0x9, v1  }
0x28f: {  	v49 =	vand.u32 $0xFFFFFFF8, v48;
	[tilespmem:s24+$0xFFFFFE00] =	vst v4  }
0x290: {  	v50 =	vadd.s32 v2, v49;
	v5 =	vand.u32 $0x7, v48;
	v3 =	vld.idx.msk [tilespmem:v3+s16+$0x0], $0xffff  }
0x291: {  	v4 =	vor.u32 v5, v50;
	_ =	sdelay $0x2  }
0x292: {  	v51 =	vadd.s32 $0xA, v1  }
0x293: {  	v52 =	vand.u32 $0xFFFFFFF8, v51;
	[tilespmem:s24+$0x0] =	vst v3  }
0x294: {  	v5 =	vand.u32 $0x7, v51;
	v3 =	vadd.s32 v2, v52;
	v4 =	vld.idx.msk [tilespmem:v4+s16+$0x0], $0xffff  }
0x295: {  	v3 =	vor.u32 v5, v3;
	_ =	sdelay $0x2  }
0x296: {  	v53 =	vadd.s32 $0xB, v1  }
0x297: {  	v54 =	vand.u32 $0xFFFFFFF8, v53;
	[tilespmem:s24+$0x200] =	vst v4  }
0x298: {  	v55 =	vadd.s32 v2, v54;
	v5 =	vand.u32 $0x7, v53;
	v3 =	vld.idx.msk [tilespmem:v3+s16+$0x0], $0xffff  }
0x299: {  	v4 =	vor.u32 v5, v55;
	_ =	sdelay $0x2  }
0x29a: {  	v56 =	vadd.s32 $0xC, v1  }
0x29b: {  	v57 =	vand.u32 $0xFFFFFFF8, v56;
	[tilespmem:s24+$0x400] =	vst v3  }
0x29c: {  	v5 =	vand.u32 $0x7, v56;
	v3 =	vadd.s32 v2, v57;
	v4 =	vld.idx.msk [tilespmem:v4+s16+$0x0], $0xffff  }
0x29d: {  	v3 =	vor.u32 v5, v3;
	_ =	sdelay $0x2  }
0x29e: {  	v58 =	vadd.s32 $0xD, v1  }
0x29f: {  	v59 =	vand.u32 $0xFFFFFFF8, v58;
	[tilespmem:s24+$0x600] =	vst v4  }
0x2a0: {  	v60 =	vadd.s32 v2, v59;
	v5 =	vand.u32 $0x7, v58;
	v3 =	vld.idx.msk [tilespmem:v3+s16+$0x0], $0xffff  }
0x2a1: {  	v4 =	vor.u32 v5, v60;
	_ =	sdelay $0x2  }
0x2a2: {  	v61 =	vadd.s32 $0xE, v1  }
0x2a3: {  	v62 =	vand.u32 $0xFFFFFFF8, v61;
	[tilespmem:s24+$0x800] =	vst v3  }
0x2a4: {  	v5 =	vand.u32 $0x7, v61;
	v3 =	vadd.s32 v2, v62;
	v4 =	vld.idx.msk [tilespmem:v4+s16+$0x0], $0xffff  }
0x2a5: {  	v3 =	vor.u32 v5, v3;
	_ =	sdelay $0x2  }
0x2a6: {  	v1 =	vadd.s32 $0xF, v1  }
0x2a7: {  	v63 =	vand.u32 $0xFFFFFFF8, v1;
	[tilespmem:s24+$0xA00] =	vst v4  }
0x2a8: {  	v1 =	vand.u32 $0x7, v1;
	v2 =	vadd.s32 v2, v63;
	v3 =	vld.idx.msk [tilespmem:v3+s16+$0x0], $0xffff  }
0x2a9: {  	v1 =	vor.u32 v1, v2;
	_ =	sdelay $0x3  }
0x2aa: {  	[tilespmem:s24+$0xC00] =	vst v3  }
0x2ab: {  	s25 =	simm.s32 $0x10;
	v1 =	vld.idx.msk [tilespmem:v1+s16+$0x0], $0xffff  }
.LBB2_8:
0x2ac: {  	_ =	sdelay $0x3  }
0x2ad: {  	p0 =	sne.s32 s25, $0xF0;
	s23 =	sadd.s32 $0x10, s23;
	[tilespmem:s24+$0xE00] =	vst v1;
	s24 =	sadd.s32 $0x10, s24  }
0x2ae: {  	s26 =	smov.u32 s25;
	s25 =	sadd.s32 $0x10, s25;
	v1 =	vld [tilespmem:s23+$0x0];
	_ =	sdelay $0x2  }
0x2af: {  	v2 =	vmov s26  }
0x2b0: {  	v2 =	vshll.u32 v2, $0x7  }
0x2b1: {  	v7 =	vor.u32 v0, v2;
	v3 =	vand.u32 $0xFFFFFFF8, v1;
	v2 =	vadd.s32 $0x1, v1  }
0x2b2: {  	v4 =	vand.u32 $0x7, v1;
	v3 =	vadd.s32 v7, v3;
	v5 =	vand.u32 $0xFFFFFFF8, v2  }
0x2b3: {  	v8 =	vor.u32 v4, v3;
	v3 =	vadd.s32 v7, v5;
	v5 =	vadd.s32 $0x2, v1  }
0x2b4: {  	v9 =	vadd.s32 $0x3, v1;
	v10 =	vadd.s32 $0x4, v1;
	v4 =	vand.u32 $0xFFFFFFF8, v5  }
0x2b5: {  	v6 =	vand.u32 $0xFFFFFFF8, v10;
	v11 =	vadd.s32 v7, v4;
	v4 =	vand.u32 $0xFFFFFFF8, v9  }
0x2b6: {  	v14 =	vadd.s32 $0x5, v1;
	v13 =	vadd.s32 v7, v6;
	v12 =	vadd.s32 v7, v4  }
0x2b7: {  	v15 =	vadd.s32 $0x6, v1;
	v16 =	vadd.s32 $0x7, v1;
	v4 =	vand.u32 $0xFFFFFFF8, v14  }
0x2b8: {  	v18 =	vand.u32 $0xFFFFFFF8, v16;
	v17 =	vadd.s32 v7, v4;
	v4 =	vand.u32 $0xFFFFFFF8, v15;
	v6 =	vld.idx.msk [tilespmem:v8+s16+$0x0], $0xffff  }
0x2b9: {  	v2 =	vand.u32 $0x7, v2;
	v18 =	vadd.s32 v7, v18;
	v19 =	vadd.s32 v7, v4  }
0x2ba: {  	v20 =	vadd.s32 $0x9, v1;
	v21 =	vadd.s32 $0xA, v1;
	v3 =	vor.u32 v2, v3  }
0x2bb: {  	v22 =	vadd.s32 $0xB, v1;
	v2 =	vand.u32 $0xFFFFFFF8, v20;
	v4 =	vand.u32 $0xFFFFFFF8, v21  }
0x2bc: {  	v23 =	vadd.s32 v7, v2;
	v2 =	vand.u32 $0xFFFFFFF8, v22;
	v24 =	vadd.s32 v7, v4  }
0x2bd: {  	v26 =	vadd.s32 $0xC, v1;
	v25 =	vadd.s32 v7, v2;
	v4 =	vadd.s32 $0xD, v1  }
0x2be: {  	v2 =	vadd.s32 $0xE, v1;
	v27 =	vand.u32 $0xFFFFFFF8, v4;
	[tilespmem:s24+$0xFFFFF000] =	vst v6;
	v6 =	vand.u32 $0xFFFFFFF8, v26  }
0x2bf: {  	v28 =	vld.idx.msk [tilespmem:v3+s16+$0x0], $0xffff;
	v29 =	vadd.s32 v7, v6;
	v6 =	vadd.s32 v7, v27;
	v3 =	vand.u32 $0xFFFFFFF8, v2  }
0x2c0: {  	v1 =	vadd.s32 $0xF, v1;
	v27 =	vand.u32 $0x7, v5;
	v5 =	vadd.s32 v7, v3  }
0x2c1: {  	v11 =	vor.u32 v27, v11;
	v3 =	vand.u32 $0xFFFFFFF8, v1  }
0x2c2: {  	v3 =	vadd.s32 v7, v3;
	_ =	sdelay $0x2  }
0x2c3: {  	[tilespmem:s24+$0xFFFFF200] =	vst v28  }
0x2c4: {  	v7 =	vld.idx.msk [tilespmem:v11+s16+$0x0], $0xffff  }
0x2c5: {  	v9 =	vand.u32 $0x7, v9  }
0x2c6: {  	v9 =	vor.u32 v9, v12;
	_ =	sdelay $0x3  }
0x2c7: {  	[tilespmem:s24+$0xFFFFF400] =	vst v7  }
0x2c8: {  	v7 =	vld.idx.msk [tilespmem:v9+s16+$0x0], $0xffff  }
0x2c9: {  	v9 =	vand.u32 $0x7, v10  }
0x2ca: {  	v9 =	vor.u32 v9, v13;
	_ =	sdelay $0x3  }
0x2cb: {  	[tilespmem:s24+$0xFFFFF600] =	vst v7  }
0x2cc: {  	v7 =	vld.idx.msk [tilespmem:v9+s16+$0x0], $0xffff  }
0x2cd: {  	v9 =	vand.u32 $0x7, v14  }
0x2ce: {  	v9 =	vor.u32 v9, v17;
	_ =	sdelay $0x3  }
0x2cf: {  	[tilespmem:s24+$0xFFFFF800] =	vst v7  }
0x2d0: {  	v7 =	vld.idx.msk [tilespmem:v9+s16+$0x0], $0xffff  }
0x2d1: {  	v9 =	vand.u32 $0x7, v15  }
0x2d2: {  	v9 =	vor.u32 v9, v19;
	_ =	sdelay $0x3  }
0x2d3: {  	[tilespmem:s24+$0xFFFFFA00] =	vst v7  }
0x2d4: {  	v7 =	vld.idx.msk [tilespmem:v9+s16+$0x0], $0xffff  }
0x2d5: {  	v9 =	vand.u32 $0x7, v16  }
0x2d6: {  	v9 =	vor.u32 v9, v18;
	_ =	sdelay $0x3  }
0x2d7: {  	[tilespmem:s24+$0xFFFFFC00] =	vst v7  }
0x2d8: {  	v7 =	vld.idx.msk [tilespmem:v9+s16+$0x0], $0xffff;
	_ =	sdelay $0x1  }
0x2d9: {  	v8 =	vadd.s32 $0x8, v8;
	_ =	sdelay $0x3  }
0x2da: {  	[tilespmem:s24+$0xFFFFFE00] =	vst v7  }
0x2db: {  	v7 =	vld.idx.msk [tilespmem:v8+s16+$0x0], $0xffff  }
0x2dc: {  	v8 =	vand.u32 $0x7, v20  }
0x2dd: {  	v8 =	vor.u32 v8, v23;
	_ =	sdelay $0x3  }
0x2de: {  	[tilespmem:s24+$0x0] =	vst v7  }
0x2df: {  	v7 =	vld.idx.msk [tilespmem:v8+s16+$0x0], $0xffff  }
0x2e0: {  	v8 =	vand.u32 $0x7, v21  }
0x2e1: {  	v8 =	vor.u32 v8, v24;
	_ =	sdelay $0x3  }
0x2e2: {  	[tilespmem:s24+$0x200] =	vst v7  }
0x2e3: {  	v7 =	vld.idx.msk [tilespmem:v8+s16+$0x0], $0xffff  }
0x2e4: {  	v8 =	vand.u32 $0x7, v22  }
0x2e5: {  	v8 =	vor.u32 v8, v25;
	_ =	sdelay $0x3  }
0x2e6: {  	[tilespmem:s24+$0x400] =	vst v7  }
0x2e7: {  	v7 =	vld.idx.msk [tilespmem:v8+s16+$0x0], $0xffff  }
0x2e8: {  	v8 =	vand.u32 $0x7, v26  }
0x2e9: {  	v8 =	vor.u32 v8, v29;
	_ =	sdelay $0x3  }
0x2ea: {  	[tilespmem:s24+$0x600] =	vst v7  }
0x2eb: {  	v7 =	vld.idx.msk [tilespmem:v8+s16+$0x0], $0xffff  }
0x2ec: {  	v4 =	vand.u32 $0x7, v4  }
0x2ed: {  	v4 =	vor.u32 v4, v6;
	_ =	sdelay $0x3  }
0x2ee: {  	[tilespmem:s24+$0x800] =	vst v7  }
0x2ef: {  	v4 =	vld.idx.msk [tilespmem:v4+s16+$0x0], $0xffff  }
0x2f0: {  	v2 =	vand.u32 $0x7, v2  }
0x2f1: {  	v2 =	vor.u32 v2, v5;
	_ =	sdelay $0x3  }
0x2f2: {  	[tilespmem:s24+$0xA00] =	vst v4  }
0x2f3: {  	v2 =	vld.idx.msk [tilespmem:v2+s16+$0x0], $0xffff  }
0x2f4: {  	v1 =	vand.u32 $0x7, v1  }
0x2f5: {  	v1 =	vor.u32 v1, v3  }
.Ltmp3:
0x2f6: {  	(pc) =	sbr.rel @p0 .LBB2_8-.Ltmp3, $3  }
0x2f7: {  	_ =	sdelay $0x1  }
0x2f8: {  	[tilespmem:s24+$0xC00] =	vst v2  }
0x2f9: {  	v1 =	vld.idx.msk [tilespmem:v1+s16+$0x0], $0xffff  }
0x2fa: {  	_ =	sdelay $0x3  }
0x2fb: {  	[tilespmem:s24+$0xE00] =	vst v1  }
0x2fc: {  	[hbm4b:s7+s2] =	stream.linear.scatter [tilespmem:s20], [sflag:$0x2], $0x2000, $0x38;
	[tilespmem:$0x14C00] =	vst v63  }
0x2fd: {  	s22 =	sadd.s32 $0x1, s22;
	_ =	swait.ge [sflag:s10], $0x2000  }
0x2fe: {  	p0 =	sne.s32 s22, s9;
	[sflag:s10] =	ssyncset.done $0x0  }
.Ltmp4:
0x2ff: {  	[sflag:s10] =	ssyncadd.s32 $0xFFFFE000;
	(pc) =	sbr.rel @p0 .LBB2_1-.Ltmp4, $4  }
0x300: {  	[hbm4b:s8+s2] =	stream.linear.scatter [tilespmem:s21], [sflag:$0x2], $0x2000, $0x38;
	[tilespmem:$0x14C00] =	vst v63  }
0x301: {  	_ =	swait.ge [sflag:s10], $0x2000  }
0x302: {  	[sflag:s10] =	ssyncset.done $0x0  }
0x303: {  	[sflag:s10] =	ssyncadd.s32 $0xFFFFE000  }
0x304: {  	_ =	sfence.sel $0x180000  }
0x305: {  	[bflag:$0x0] =	sbarrier.arrive $0xFFFF  }
0x306: {  	p0 =	sne.s32 s1, $0x0;
	_ =	strace $0x90000047  }
0x307: {  	s0 =	sadd.s32 @!p0 $0x100000, s0;
	[bflag:$0x2] =	sbarrier.arrive $0xFFFF  }
0x308: {  	[sflag:s0] =	ssyncadd.tile.s32 @!p0 $0x1;
	_ =	shalt  }
.Lfunc_end2:
_tile_overlayer_lowered:
.L_overlay_start_2:
0x309: {  	(tag) =	ssettag $0x2  }
0x30a: {  	s0 =	rddreg [dreg:$0x0];
	s2 =	stileid.u32  }
0x30b: {  	s1 =	rddreg [dreg:$0x1];
	p0 =	sne.s32 s2, $0x0  }
0x30c: {  	s3 =	rddreg [dreg:$0x2];
	[bflag:$0x3] =	sbarrier.arrive $0xFFFF;
	s2 =	simm.s32 @!p0 $0x1C02  }
0x30d: {  	[timem:s3], [sflag:s2] =	dma.local @!p0 [hbm:s0], s1  }
0x30e: {  	s0 =	simm.s32 @!p0 $0x2  }
0x30f: {  	_ =	swait.ge @!p0 [sflag:s0], s1  }
0x310: {  	s1 =	ssub.s32 @!p0 $0x0, s1;
	[sflag:s0] =	ssyncset.done @!p0 $0x0  }
0x311: {  	[sflag:s0] =	ssyncadd.s32 @!p0 s1  }
0x312: {  	[bflag:$0x3] =	sbarrier.arrive $0xFFFF  }
0x313: {  	_ =	shalt  }

</sc_bundles>
